<compile_context>
chip_gen: v7x
topology: tpu7x:2x2x1
jax: 0.10.2.dev20260603
libtpu: 0.0.44.dev20260713+nightly
codegen_flags: <defaults>
</compile_context>

<pallas_src>
import functools

import jax
import jax.numpy as jnp
import numpy as np
from jax import lax
from jax.experimental import pallas as pl
from jax.experimental.pallas import tpu as pltpu
from jax.experimental.pallas import tpu_sc as plsc

_B, _S, _K, _D = 1024, 16, 64, 32
_ROWS = _B * _S
_R = 2048
_BB = 512
_S_SC = 13
_S_TC = _S - _S_SC


def _rotl(x, d):
    return (x << jnp.uint32(d)) | (x >> jnp.uint32(32 - d))


def _sample_body(key_ref, lp_ref, out_ref):
    k1 = key_ref[0, 0]
    k2 = key_ref[0, 1]
    ks2 = k1 ^ k2 ^ jnp.uint32(0x1BD11BDA)
    _R2, _K2 = _R // 2, 2 * _K
    j0 = jnp.uint32(pl.program_id(0) * (_R * _K))
    jrow = lax.broadcasted_iota(jnp.uint32, (_R2, _K2), 0)
    jcol = lax.broadcasted_iota(jnp.uint32, (_R2, _K2), 1)
    j = j0 + jrow * jnp.uint32(_K2) + jcol
    x1 = jnp.zeros((_R2, _K2), jnp.uint32) + k1
    x2 = j + k2
    rot_a = (13, 15, 26, 6)
    rot_b = (17, 29, 16, 24)

    def group(x1, x2, rots):
        for r in rots:
            x1 = x1 + x2
            x2 = _rotl(x2, r)
            x2 = x1 ^ x2
        return x1, x2

    x1, x2 = group(x1, x2, rot_a)
    x1, x2 = x1 + k2, x2 + ks2 + jnp.uint32(1)
    x1, x2 = group(x1, x2, rot_b)
    x1, x2 = x1 + ks2, x2 + k1 + jnp.uint32(2)
    x1, x2 = group(x1, x2, rot_a)
    x1, x2 = x1 + k1, x2 + k2 + jnp.uint32(3)
    x1, x2 = group(x1, x2, rot_b)
    x1, x2 = x1 + k2, x2 + ks2 + jnp.uint32(4)
    x1, x2 = group(x1, x2, rot_a)
    x1, x2 = x1 + ks2, x2 + k1 + jnp.uint32(5)
    bits = x1 ^ x2
    fb = (bits >> jnp.uint32(9)) | jnp.uint32(0x3F800000)
    f = lax.bitcast_convert_type(fb, jnp.float32) - jnp.float32(1.0)
    tiny = jnp.float32(np.finfo(np.float32).tiny)
    u = jnp.maximum(tiny, f * (jnp.float32(1.0) - tiny) + tiny)
    g = -jnp.log(-jnp.log(u))
    s = g + lp_ref[...]
    ik = lax.broadcasted_iota(jnp.int32, (_R2, _K), 1)
    for h in (0, 1):
        sh = s[:, h * _K:(h + 1) * _K]
        m = jnp.max(sh, axis=1, keepdims=True)
        z = jnp.min(jnp.where(sh == m, ik, jnp.int32(_K)),
                    axis=1, keepdims=True)
        out_ref[:, h:h + 1] = z


def _select_body_one(mu_ref, z_ref, omu_ref):
    zrow = z_ref[0]
    acc = mu_ref[0, 0]
    for k in range(1, _K):
        acc = jnp.where(zrow == jnp.int32(k), mu_ref[0, k], acc)
    omu_ref[0] = acc


_NW = 32
_TPW = (_S_SC * 4 * 8) // _NW


def _sc_select(sig_hbm, z_hbm, osg_hbm, stage_v, z_v, out_v):
    wid = lax.axis_index("s") * 2 + lax.axis_index("c")

    def task(i, carry):
        t = wid * _TPW + i
        s = t // 32
        dhi = (t % 32) // 8
        bhi = t % 8
        pltpu.sync_copy(z_hbm.at[pl.ds(s, 1), pl.ds(bhi * 128, 128)], z_v)
        pltpu.sync_copy(
            sig_hbm.at[s, :, pl.ds(dhi * 8, 8), pl.ds(bhi * 128, 128)],
            stage_v)
        for g in range(8):
            zv = z_v[0, pl.ds(g * 16, 16)]
            col = lax.iota(jnp.int32, 16) + jnp.int32(g * 16)
            for dlo in range(8):
                row_d = jnp.full((16,), dlo, jnp.int32)
                out_v[dlo, pl.ds(g * 16, 16)] = plsc.load_gather(
                    stage_v, [zv, row_d, col])
        pltpu.sync_copy(
            out_v, osg_hbm.at[s, pl.ds(dhi * 8, 8), pl.ds(bhi * 128, 128)])
        return carry

    lax.fori_loop(0, _TPW, task, 0)


def _sc_select_call():
    return functools.partial(
        pl.kernel,
        out_type=jax.ShapeDtypeStruct((_S_SC, _D, _B), jnp.float32),
        mesh=plsc.VectorSubcoreMesh(core_axis_name="c", subcore_axis_name="s"),
        scratch_types=[pltpu.VMEM((_K, 8, 128), jnp.float32),
                       pltpu.VMEM((1, 128), jnp.int32),
                       pltpu.VMEM((8, 128), jnp.float32)],
        compiler_params=pltpu.CompilerParams(needs_layout_passes=False),
    )


def kernel(mus, sigmas, pi):
    zkey = jax.random.fold_in(jax.random.key(0), 123)
    kd = jax.random.key_data(zkey).astype(jnp.uint32).reshape(1, 2)
    lp_block = jnp.tile(jnp.log(pi), (_R // _S, 1)).reshape(_R // 2, 2 * _K)

    z_flat = pl.pallas_call(
        _sample_body,
        grid=(_ROWS // _R,),
        in_specs=[
            pl.BlockSpec((1, 2), lambda i: (0, 0)),
            pl.BlockSpec((_R // 2, 2 * _K), lambda i: (0, 0)),
        ],
        out_specs=pl.BlockSpec((_R // 2, 2), lambda i: (i, 0)),
        out_shape=jax.ShapeDtypeStruct((_ROWS // 2, 2), jnp.int32),
    )(kd, lp_block)
    z_sb = z_flat.reshape(_B, _S).T.reshape(_S, 1, _B)

    mus_t = mus.transpose(1, 2, 3, 0)
    sig_t = sigmas.transpose(1, 2, 3, 0)

    osg_lo = _sc_select_call()(_sc_select)(sig_t, z_sb.reshape(_S, _B))

    omu_t = pl.pallas_call(
        _select_body_one,
        grid=(_S, _B // _BB),
        in_specs=[
            pl.BlockSpec((1, _K, _D, _BB), lambda s, b: (s, 0, 0, b)),
            pl.BlockSpec((1, 1, _BB), lambda s, b: (s, 0, b)),
        ],
        out_specs=pl.BlockSpec((1, _D, _BB), lambda s, b: (s, 0, b)),
        out_shape=jax.ShapeDtypeStruct((_S, _D, _B), jnp.float32),
    )(mus_t, z_sb)

    osg_hi = pl.pallas_call(
        _select_body_one,
        grid=(_S_TC, _B // _BB),
        in_specs=[
            pl.BlockSpec((1, _K, _D, _BB), lambda s, b: (s + _S_SC, 0, 0, b)),
            pl.BlockSpec((1, 1, _BB), lambda s, b: (s + _S_SC, 0, b)),
        ],
        out_specs=pl.BlockSpec((1, _D, _BB), lambda s, b: (s, 0, b)),
        out_shape=jax.ShapeDtypeStruct((_S_TC, _D, _B), jnp.float32),
    )(sig_t, z_sb)

    osg_t = jnp.concatenate([osg_lo, osg_hi], axis=0)
    return omu_t.transpose(2, 0, 1), osg_t.transpose(2, 0, 1)

# --- scband reference (transcript-rebuilt; emitter-appended) ---
"""Pipeline reference for scband-sample-cluster-76055280877955 (READ-ONLY COPY).

The authoritative reference and input builder live on the scoring server;
editing this copy changes nothing except your own understanding.
"""

import jax, jax.numpy as jnp
import numpy as np

B, S, K, D = 1024, 16, 64, 32


def setup_inputs(seed: int = 0) -> dict:
    key = jax.random.key(seed)
    k1, k2 = jax.random.split(key)
    mus = jax.random.normal(k1, (B, S, K, D), dtype=jnp.float32)
    sigmas = jax.random.uniform(k2, (B, S, K, D), dtype=jnp.float32) + 0.1
    pi = jnp.ones((S, K), dtype=jnp.float32)  # registered buffer from __init__
    return {"mus": mus, "sigmas": sigmas, "pi": pi}


def particle_index(tensor, z):
    # tensor: (B, S, K, D); z: (B, S) integer cluster assignment per particle
    idx = jnp.broadcast_to(z[..., None, None], tensor.shape[:2] + (1, tensor.shape[3]))
    return jnp.take_along_axis(tensor, idx, axis=2).squeeze(2)  # (B, S, D)


def reference(mus, sigmas, pi):
    # pi buffer expanded to (B, S, K); probtorch's p.variable(Categorical, pi)
    # samples z ~ Categorical(pi) with shape (B, S). The trace object `p` is
    # replaced by an internal fixed PRNG key for determinism.
    pi_e = jnp.broadcast_to(pi, (mus.shape[0],) + pi.shape)
    logits = jnp.log(pi_e)
    zkey = jax.random.fold_in(jax.random.key(0), 123)
    z = jax.random.categorical(zkey, logits, axis=-1)  # (B, S) int
    return (particle_index(mus, z), particle_index(sigmas, z))

if __name__ == "__main__":
    import jax
    _d = setup_inputs()
    print(jax.jit(kernel)(*tuple(_d.values())))

</pallas_src>

<mosaic_0001>
#map = affine_map<(d0, d1) -> (0, 0, 0, 0)>
#map1 = affine_map<(d0, d1) -> (0, 0)>
#map2 = affine_map<(d0, d1) -> (0, 0, 0)>
module attributes {stable_mosaic.version = 14 : i64} {
  func.func @_sc_select(%arg0: i32, %arg1: i32, %arg2: memref<16x64x32x1024xf32, #tpu.memory_space<hbm>>, %arg3: memref<16x1024xi32, #tpu.memory_space<hbm>>, %arg4: memref<13x32x1024xf32, #tpu.memory_space<hbm>>, %arg5: memref<64x8x128xf32, #tpu.memory_space<vmem>>, %arg6: memref<1x128xi32, #tpu.memory_space<vmem>>, %arg7: memref<8x128xf32, #tpu.memory_space<vmem>>) attributes {dimension_semantics = [#tpu.dimension_semantics<core_parallel>, #tpu.dimension_semantics<subcore_parallel>], iteration_bounds = array<i64: 2, 16>, scalar_prefetch = 0 : i64, scratch_operands = 3 : i64, tpu.core_type = #tpu.core_type<sc_vector_subcore>, window_params = [{transform_indices = #map}, {transform_indices = #map1}, {transform_indices = #map2}]} {
    %mul3A = arith.constant 2 : i32
    %mul3A_0 = arith.muli %arg1, %mul3A : i32
    %add3A = arith.addi %mul3A_0, %arg0 : i32
    %scan3A = arith.constant 0 : i32
    %scan3A_1 = arith.constant 0 : i32
    %scan3A_2 = arith.constant 13 : i32
    %scan3A_3 = arith.addi %scan3A_1, %scan3A_2 : i32
    %scan3A_4 = arith.constant 1 : i32
    scf.for %scan3A_6 = %scan3A_1 to %scan3A_3 step %scan3A_4  : i32 {
      %mul3A_7 = arith.constant 13 : i32
      %mul3A_8 = arith.muli %add3A, %mul3A_7 : i32
      %add3A_9 = arith.addi %mul3A_8, %scan3A_6 : i32
      %jit3A = arith.constant 32 : i32
      %div3A = arith.divsi %add3A_9, %jit3A : i32
      %sign3A = arith.constant 0 : i32
      %sign3A_10 = arith.cmpi sgt, %add3A_9, %sign3A : i32
      %sign3A_11 = arith.extui %sign3A_10 : i1 to i32
      %sign3A_12 = arith.constant 0 : i32
      %sign3A_13 = arith.cmpi slt, %add3A_9, %sign3A_12 : i32
      %sign3A_14 = arith.extui %sign3A_13 : i1 to i32
      %sign3A_15 = arith.subi %sign3A_11, %sign3A_14 : i32
      %sign3A_16 = arith.constant 0 : i32
      %sign3A_17 = arith.cmpi sgt, %jit3A, %sign3A_16 : i32
      %sign3A_18 = arith.extui %sign3A_17 : i1 to i32
      %sign3A_19 = arith.constant 0 : i32
      %sign3A_20 = arith.cmpi slt, %jit3A, %sign3A_19 : i32
      %sign3A_21 = arith.extui %sign3A_20 : i1 to i32
      %sign3A_22 = arith.subi %sign3A_18, %sign3A_21 : i32
      %ne3A = arith.cmpi ne, %sign3A_15, %sign3A_22 : i32
      %rem3A = arith.remsi %add3A_9, %jit3A : i32
      %ne3A_23 = arith.constant 0 : i32
      %ne3A_24 = arith.cmpi ne, %rem3A, %ne3A_23 : i32
      %and3A = arith.andi %ne3A, %ne3A_24 : i1
      %sub3A = arith.constant 1 : i32
      %sub3A_25 = arith.subi %div3A, %sub3A : i32
      %select_n3A = arith.select %and3A, %sub3A_25, %div3A : i32
      %jit3A_26 = arith.constant 32 : i32
      %eq3A = arith.constant 0 : i32
      %eq3A_27 = arith.cmpi eq, %jit3A_26, %eq3A : i32
      %jit3A_28 = arith.constant 1 : i32
      %select_n3A_29 = arith.select %eq3A_27, %jit3A_28, %jit3A_26 : i32
      %rem3A_30 = arith.remsi %add3A_9, %select_n3A_29 : i32
      %ne3A_31 = arith.constant 0 : i32
      %ne3A_32 = arith.cmpi ne, %rem3A_30, %ne3A_31 : i32
      %lt3A = arith.constant 0 : i32
      %lt3A_33 = arith.cmpi slt, %rem3A_30, %lt3A : i32
      %lt3A_34 = arith.constant 0 : i32
      %lt3A_35 = arith.cmpi slt, %select_n3A_29, %lt3A_34 : i32
      %ne3A_36 = arith.xori %lt3A_33, %lt3A_35 : i1
      %and3A_37 = arith.andi %ne3A_36, %ne3A_32 : i1
      %add3A_38 = arith.addi %rem3A_30, %select_n3A_29 : i32
      %select_n3A_39 = arith.select %and3A_37, %add3A_38, %rem3A_30 : i32
      %jit3A_40 = arith.constant 8 : i32
      %div3A_41 = arith.divsi %select_n3A_39, %jit3A_40 : i32
      %sign3A_42 = arith.constant 0 : i32
      %sign3A_43 = arith.cmpi sgt, %select_n3A_39, %sign3A_42 : i32
      %sign3A_44 = arith.extui %sign3A_43 : i1 to i32
      %sign3A_45 = arith.constant 0 : i32
      %sign3A_46 = arith.cmpi slt, %select_n3A_39, %sign3A_45 : i32
      %sign3A_47 = arith.extui %sign3A_46 : i1 to i32
      %sign3A_48 = arith.subi %sign3A_44, %sign3A_47 : i32
      %sign3A_49 = arith.constant 0 : i32
      %sign3A_50 = arith.cmpi sgt, %jit3A_40, %sign3A_49 : i32
      %sign3A_51 = arith.extui %sign3A_50 : i1 to i32
      %sign3A_52 = arith.constant 0 : i32
      %sign3A_53 = arith.cmpi slt, %jit3A_40, %sign3A_52 : i32
      %sign3A_54 = arith.extui %sign3A_53 : i1 to i32
      %sign3A_55 = arith.subi %sign3A_51, %sign3A_54 : i32
      %ne3A_56 = arith.cmpi ne, %sign3A_48, %sign3A_55 : i32
      %rem3A_57 = arith.remsi %select_n3A_39, %jit3A_40 : i32
      %ne3A_58 = arith.constant 0 : i32
      %ne3A_59 = arith.cmpi ne, %rem3A_57, %ne3A_58 : i32
      %and3A_60 = arith.andi %ne3A_56, %ne3A_59 : i1
      %sub3A_61 = arith.constant 1 : i32
      %sub3A_62 = arith.subi %div3A_41, %sub3A_61 : i32
      %select_n3A_63 = arith.select %and3A_60, %sub3A_62, %div3A_41 : i32
      %jit3A_64 = arith.constant 8 : i32
      %eq3A_65 = arith.constant 0 : i32
      %eq3A_66 = arith.cmpi eq, %jit3A_64, %eq3A_65 : i32
      %jit3A_67 = arith.constant 1 : i32
      %select_n3A_68 = arith.select %eq3A_66, %jit3A_67, %jit3A_64 : i32
      %rem3A_69 = arith.remsi %add3A_9, %select_n3A_68 : i32
      %ne3A_70 = arith.constant 0 : i32
      %ne3A_71 = arith.cmpi ne, %rem3A_69, %ne3A_70 : i32
      %lt3A_72 = arith.constant 0 : i32
      %lt3A_73 = arith.cmpi slt, %rem3A_69, %lt3A_72 : i32
      %lt3A_74 = arith.constant 0 : i32
      %lt3A_75 = arith.cmpi slt, %select_n3A_68, %lt3A_74 : i32
      %ne3A_76 = arith.xori %lt3A_73, %lt3A_75 : i1
      %and3A_77 = arith.andi %ne3A_76, %ne3A_71 : i1
      %add3A_78 = arith.addi %rem3A_69, %select_n3A_68 : i32
      %select_n3A_79 = arith.select %and3A_77, %add3A_78, %rem3A_69 : i32
      %mul3A_80 = arith.constant 128 : i32
      %mul3A_81 = arith.muli %select_n3A_79, %mul3A_80 : i32
      "tpu.region"() ({
        %run_scoped3A = tpu.sem_alloc : memref<!tpu.dma_semaphore, #tpu.memory_space<semaphore_mem>>
        %dma_start3A = tpu.memref_slice %arg3[%select_n3A, %mul3A_81] : memref<16x1024xi32, #tpu.memory_space<hbm>> -> memref<1x128xi32, #tpu.memory_space<hbm>>
        %dma_start3A_597 = tpu.memref_slice %arg3[%select_n3A, %mul3A_81] : memref<16x1024xi32, #tpu.memory_space<hbm>> -> memref<1x128xi32, #tpu.memory_space<hbm>>
        tpu.enqueue_dma source(%dma_start3A_597 : memref<1x128xi32, #tpu.memory_space<hbm>>) target(%arg6 : memref<1x128xi32, #tpu.memory_space<vmem>>) target_semaphore(%run_scoped3A : memref<!tpu.dma_semaphore, #tpu.memory_space<semaphore_mem>>)
        %dma_wait3A = tpu.memref_slice %arg3[%select_n3A, %mul3A_81] : memref<16x1024xi32, #tpu.memory_space<hbm>> -> memref<1x128xi32, #tpu.memory_space<hbm>>
        %dma_wait3A_598 = tpu.memref_slice %arg3[%select_n3A, %mul3A_81] : memref<16x1024xi32, #tpu.memory_space<hbm>> -> memref<1x128xi32, #tpu.memory_space<hbm>>
        tpu.wait_dma2 semaphore(%run_scoped3A : memref<!tpu.dma_semaphore, #tpu.memory_space<semaphore_mem>>) src(%dma_wait3A_598 : memref<1x128xi32, #tpu.memory_space<hbm>>) dst(%arg6 : memref<1x128xi32, #tpu.memory_space<vmem>>)
        tpu.yield
      }) : () -> ()
      %mul3A_82 = arith.constant 8 : i32
      %mul3A_83 = arith.muli %select_n3A_63, %mul3A_82 : i32
      %mul3A_84 = arith.constant 128 : i32
      %mul3A_85 = arith.muli %select_n3A_79, %mul3A_84 : i32
      "tpu.region"() ({
        %run_scoped3A = tpu.sem_alloc : memref<!tpu.dma_semaphore, #tpu.memory_space<semaphore_mem>>
        %dma_start3A = arith.constant 0 : i32
        %dma_start3A_597 = tpu.memref_slice %arg2[%select_n3A, %dma_start3A, %mul3A_83, %mul3A_85] : memref<16x64x32x1024xf32, #tpu.memory_space<hbm>> -> memref<1x64x8x128xf32, #tpu.memory_space<hbm>>
        %dma_start3A_598 = tpu.memref_squeeze %dma_start3A_597 : memref<1x64x8x128xf32, #tpu.memory_space<hbm>> -> memref<64x8x128xf32, #tpu.memory_space<hbm>>
        %dma_start3A_599 = arith.constant 0 : i32
        %dma_start3A_600 = tpu.memref_slice %arg2[%select_n3A, %dma_start3A_599, %mul3A_83, %mul3A_85] : memref<16x64x32x1024xf32, #tpu.memory_space<hbm>> -> memref<1x64x8x128xf32, #tpu.memory_space<hbm>>
        %dma_start3A_601 = tpu.memref_squeeze %dma_start3A_600 : memref<1x64x8x128xf32, #tpu.memory_space<hbm>> -> memref<64x8x128xf32, #tpu.memory_space<hbm>>
        tpu.enqueue_dma source(%dma_start3A_601 : memref<64x8x128xf32, #tpu.memory_space<hbm>>) target(%arg5 : memref<64x8x128xf32, #tpu.memory_space<vmem>>) target_semaphore(%run_scoped3A : memref<!tpu.dma_semaphore, #tpu.memory_space<semaphore_mem>>)
        %dma_wait3A = arith.constant 0 : i32
        %dma_wait3A_602 = tpu.memref_slice %arg2[%select_n3A, %dma_wait3A, %mul3A_83, %mul3A_85] : memref<16x64x32x1024xf32, #tpu.memory_space<hbm>> -> memref<1x64x8x128xf32, #tpu.memory_space<hbm>>
        %dma_wait3A_603 = tpu.memref_squeeze %dma_wait3A_602 : memref<1x64x8x128xf32, #tpu.memory_space<hbm>> -> memref<64x8x128xf32, #tpu.memory_space<hbm>>
        %dma_wait3A_604 = arith.constant 0 : i32
        %dma_wait3A_605 = tpu.memref_slice %arg2[%select_n3A, %dma_wait3A_604, %mul3A_83, %mul3A_85] : memref<16x64x32x1024xf32, #tpu.memory_space<hbm>> -> memref<1x64x8x128xf32, #tpu.memory_space<hbm>>
        %dma_wait3A_606 = tpu.memref_squeeze %dma_wait3A_605 : memref<1x64x8x128xf32, #tpu.memory_space<hbm>> -> memref<64x8x128xf32, #tpu.memory_space<hbm>>
        tpu.wait_dma2 semaphore(%run_scoped3A : memref<!tpu.dma_semaphore, #tpu.memory_space<semaphore_mem>>) src(%dma_wait3A_606 : memref<64x8x128xf32, #tpu.memory_space<hbm>>) dst(%arg5 : memref<64x8x128xf32, #tpu.memory_space<vmem>>)
        tpu.yield
      }) : () -> ()
      %get3A = arith.constant 0 : i32
      %get3A_86 = arith.index_cast %get3A : i32 to index
      %get3A_87 = arith.constant 0 : index
      %get3A_88 = tpu.vector_load %arg6[%get3A_86, %get3A_87] {strides = array<i32>} : memref<1x128xi32, #tpu.memory_space<vmem>>, vector<16xi32>,
      %iota3A = tpu.iota {dimensions = array<i32: 0>} : vector<16xi32>
      %add3A_89 = arith.constant 0 : i32
      %add3A_90 = vector.broadcast %add3A_89 : i32 to vector<16xi32>
      %add3A_91 = arith.addi %iota3A, %add3A_90 : vector<16xi32>
      %broadcast_in_dim3A = arith.constant 0 : i32
      %broadcast_in_dim3A_92 = vector.broadcast %broadcast_in_dim3A : i32 to vector<16xi32>
      %gather3A = tpu.vector_load_idx %arg5[%get3A_88, %broadcast_in_dim3A_92, %add3A_91] : memref<64x8x128xf32, #tpu.memory_space<vmem>>[vector<16xi32>, vector<16xi32>, vector<16xi32>], vector<16xf32>,
      %swap3A = arith.constant 0 : i32
      %swap3A_93 = arith.index_cast %swap3A : i32 to index
      %swap3A_94 = arith.constant 0 : index
      %swap3A_95 = tpu.vector_load %arg7[%swap3A_93, %swap3A_94] {strides = array<i32>} : memref<8x128xf32, #tpu.memory_space<vmem>>, vector<16xf32>,
      tpu.vector_store %arg7[%swap3A_93, %swap3A_94], %gather3A {strides = array<i32>} : memref<8x128xf32, #tpu.memory_space<vmem>>, vector<16xf32>,
      %broadcast_in_dim3A_96 = arith.constant 1 : i32
      %broadcast_in_dim3A_97 = vector.broadcast %broadcast_in_dim3A_96 : i32 to vector<16xi32>
      %gather3A_98 = tpu.vector_load_idx %arg5[%get3A_88, %broadcast_in_dim3A_97, %add3A_91] : memref<64x8x128xf32, #tpu.memory_space<vmem>>[vector<16xi32>, vector<16xi32>, vector<16xi32>], vector<16xf32>,
      %swap3A_99 = arith.constant 1 : i32
      %swap3A_100 = arith.index_cast %swap3A_99 : i32 to index
      %swap3A_101 = arith.constant 0 : index
      %swap3A_102 = tpu.vector_load %arg7[%swap3A_100, %swap3A_101] {strides = array<i32>} : memref<8x128xf32, #tpu.memory_space<vmem>>, vector<16xf32>,
      tpu.vector_store %arg7[%swap3A_100, %swap3A_101], %gather3A_98 {strides = array<i32>} : memref<8x128xf32, #tpu.memory_space<vmem>>, vector<16xf32>,
      %broadcast_in_dim3A_103 = arith.constant 2 : i32
      %broadcast_in_dim3A_104 = vector.broadcast %broadcast_in_dim3A_103 : i32 to vector<16xi32>
      %gather3A_105 = tpu.vector_load_idx %arg5[%get3A_88, %broadcast_in_dim3A_104, %add3A_91] : memref<64x8x128xf32, #tpu.memory_space<vmem>>[vector<16xi32>, vector<16xi32>, vector<16xi32>], vector<16xf32>,
      %swap3A_106 = arith.constant 2 : i32
      %swap3A_107 = arith.index_cast %swap3A_106 : i32 to index
      %swap3A_108 = arith.constant 0 : index
      %swap3A_109 = tpu.vector_load %arg7[%swap3A_107, %swap3A_108] {strides = array<i32>} : memref<8x128xf32, #tpu.memory_space<vmem>>, vector<16xf32>,
      tpu.vector_store %arg7[%swap3A_107, %swap3A_108], %gather3A_105 {strides = array<i32>} : memref<8x128xf32, #tpu.memory_space<vmem>>, vector<16xf32>,
      %broadcast_in_dim3A_110 = arith.constant 3 : i32
      %broadcast_in_dim3A_111 = vector.broadcast %broadcast_in_dim3A_110 : i32 to vector<16xi32>
      %gather3A_112 = tpu.vector_load_idx %arg5[%get3A_88, %broadcast_in_dim3A_111, %add3A_91] : memref<64x8x128xf32, #tpu.memory_space<vmem>>[vector<16xi32>, vector<16xi32>, vector<16xi32>], vector<16xf32>,
      %swap3A_113 = arith.constant 3 : i32
      %swap3A_114 = arith.index_cast %swap3A_113 : i32 to index
      %swap3A_115 = arith.constant 0 : index
      %swap3A_116 = tpu.vector_load %arg7[%swap3A_114, %swap3A_115] {strides = array<i32>} : memref<8x128xf32, #tpu.memory_space<vmem>>, vector<16xf32>,
      tpu.vector_store %arg7[%swap3A_114, %swap3A_115], %gather3A_112 {strides = array<i32>} : memref<8x128xf32, #tpu.memory_space<vmem>>, vector<16xf32>,
      %broadcast_in_dim3A_117 = arith.constant 4 : i32
      %broadcast_in_dim3A_118 = vector.broadcast %broadcast_in_dim3A_117 : i32 to vector<16xi32>
      %gather3A_119 = tpu.vector_load_idx %arg5[%get3A_88, %broadcast_in_dim3A_118, %add3A_91] : memref<64x8x128xf32, #tpu.memory_space<vmem>>[vector<16xi32>, vector<16xi32>, vector<16xi32>], vector<16xf32>,
      %swap3A_120 = arith.constant 4 : i32
      %swap3A_121 = arith.index_cast %swap3A_120 : i32 to index
      %swap3A_122 = arith.constant 0 : index
      %swap3A_123 = tpu.vector_load %arg7[%swap3A_121, %swap3A_122] {strides = array<i32>} : memref<8x128xf32, #tpu.memory_space<vmem>>, vector<16xf32>,
      tpu.vector_store %arg7[%swap3A_121, %swap3A_122], %gather3A_119 {strides = array<i32>} : memref<8x128xf32, #tpu.memory_space<vmem>>, vector<16xf32>,
      %broadcast_in_dim3A_124 = arith.constant 5 : i32
      %broadcast_in_dim3A_125 = vector.broadcast %broadcast_in_dim3A_124 : i32 to vector<16xi32>
      %gather3A_126 = tpu.vector_load_idx %arg5[%get3A_88, %broadcast_in_dim3A_125, %add3A_91] : memref<64x8x128xf32, #tpu.memory_space<vmem>>[vector<16xi32>, vector<16xi32>, vector<16xi32>], vector<16xf32>,
      %swap3A_127 = arith.constant 5 : i32
      %swap3A_128 = arith.index_cast %swap3A_127 : i32 to index
      %swap3A_129 = arith.constant 0 : index
      %swap3A_130 = tpu.vector_load %arg7[%swap3A_128, %swap3A_129] {strides = array<i32>} : memref<8x128xf32, #tpu.memory_space<vmem>>, vector<16xf32>,
      tpu.vector_store %arg7[%swap3A_128, %swap3A_129], %gather3A_126 {strides = array<i32>} : memref<8x128xf32, #tpu.memory_space<vmem>>, vector<16xf32>,
      %broadcast_in_dim3A_131 = arith.constant 6 : i32
      %broadcast_in_dim3A_132 = vector.broadcast %broadcast_in_dim3A_131 : i32 to vector<16xi32>
      %gather3A_133 = tpu.vector_load_idx %arg5[%get3A_88, %broadcast_in_dim3A_132, %add3A_91] : memref<64x8x128xf32, #tpu.memory_space<vmem>>[vector<16xi32>, vector<16xi32>, vector<16xi32>], vector<16xf32>,
      %swap3A_134 = arith.constant 6 : i32
      %swap3A_135 = arith.index_cast %swap3A_134 : i32 to index
      %swap3A_136 = arith.constant 0 : index
      %swap3A_137 = tpu.vector_load %arg7[%swap3A_135, %swap3A_136] {strides = array<i32>} : memref<8x128xf32, #tpu.memory_space<vmem>>, vector<16xf32>,
      tpu.vector_store %arg7[%swap3A_135, %swap3A_136], %gather3A_133 {strides = array<i32>} : memref<8x128xf32, #tpu.memory_space<vmem>>, vector<16xf32>,
      %broadcast_in_dim3A_138 = arith.constant 7 : i32
      %broadcast_in_dim3A_139 = vector.broadcast %broadcast_in_dim3A_138 : i32 to vector<16xi32>
      %gather3A_140 = tpu.vector_load_idx %arg5[%get3A_88, %broadcast_in_dim3A_139, %add3A_91] : memref<64x8x128xf32, #tpu.memory_space<vmem>>[vector<16xi32>, vector<16xi32>, vector<16xi32>], vector<16xf32>,
      %swap3A_141 = arith.constant 7 : i32
      %swap3A_142 = arith.index_cast %swap3A_141 : i32 to index
      %swap3A_143 = arith.constant 0 : index
      %swap3A_144 = tpu.vector_load %arg7[%swap3A_142, %swap3A_143] {strides = array<i32>} : memref<8x128xf32, #tpu.memory_space<vmem>>, vector<16xf32>,
      tpu.vector_store %arg7[%swap3A_142, %swap3A_143], %gather3A_140 {strides = array<i32>} : memref<8x128xf32, #tpu.memory_space<vmem>>, vector<16xf32>,
      %get3A_145 = arith.constant 0 : i32
      %get3A_146 = arith.index_cast %get3A_145 : i32 to index
      %get3A_147 = arith.constant 16 : index
      %get3A_148 = tpu.vector_load %arg6[%get3A_146, %get3A_147] {strides = array<i32>} : memref<1x128xi32, #tpu.memory_space<vmem>>, vector<16xi32>,
      %iota3A_149 = tpu.iota {dimensions = array<i32: 0>} : vector<16xi32>
      %add3A_150 = arith.constant 16 : i32
      %add3A_151 = vector.broadcast %add3A_150 : i32 to vector<16xi32>
      %add3A_152 = arith.addi %iota3A_149, %add3A_151 : vector<16xi32>
      %broadcast_in_dim3A_153 = arith.constant 0 : i32
      %broadcast_in_dim3A_154 = vector.broadcast %broadcast_in_dim3A_153 : i32 to vector<16xi32>
      %gather3A_155 = tpu.vector_load_idx %arg5[%get3A_148, %broadcast_in_dim3A_154, %add3A_152] : memref<64x8x128xf32, #tpu.memory_space<vmem>>[vector<16xi32>, vector<16xi32>, vector<16xi32>], vector<16xf32>,
      %swap3A_156 = arith.constant 0 : i32
      %swap3A_157 = arith.index_cast %swap3A_156 : i32 to index
      %swap3A_158 = arith.constant 16 : index
      %swap3A_159 = tpu.vector_load %arg7[%swap3A_157, %swap3A_158] {strides = array<i32>} : memref<8x128xf32, #tpu.memory_space<vmem>>, vector<16xf32>,
      tpu.vector_store %arg7[%swap3A_157, %swap3A_158], %gather3A_155 {strides = array<i32>} : memref<8x128xf32, #tpu.memory_space<vmem>>, vector<16xf32>,
      %broadcast_in_dim3A_160 = arith.constant 1 : i32
      %broadcast_in_dim3A_161 = vector.broadcast %broadcast_in_dim3A_160 : i32 to vector<16xi32>
      %gather3A_162 = tpu.vector_load_idx %arg5[%get3A_148, %broadcast_in_dim3A_161, %add3A_152] : memref<64x8x128xf32, #tpu.memory_space<vmem>>[vector<16xi32>, vector<16xi32>, vector<16xi32>], vector<16xf32>,
      %swap3A_163 = arith.constant 1 : i32
      %swap3A_164 = arith.index_cast %swap3A_163 : i32 to index
      %swap3A_165 = arith.constant 16 : index
      %swap3A_166 = tpu.vector_load %arg7[%swap3A_164, %swap3A_165] {strides = array<i32>} : memref<8x128xf32, #tpu.memory_space<vmem>>, vector<16xf32>,
      tpu.vector_store %arg7[%swap3A_164, %swap3A_165], %gather3A_162 {strides = array<i32>} : memref<8x128xf32, #tpu.memory_space<vmem>>, vector<16xf32>,
      %broadcast_in_dim3A_167 = arith.constant 2 : i32
      %broadcast_in_dim3A_168 = vector.broadcast %broadcast_in_dim3A_167 : i32 to vector<16xi32>
      %gather3A_169 = tpu.vector_load_idx %arg5[%get3A_148, %broadcast_in_dim3A_168, %add3A_152] : memref<64x8x128xf32, #tpu.memory_space<vmem>>[vector<16xi32>, vector<16xi32>, vector<16xi32>], vector<16xf32>,
      %swap3A_170 = arith.constant 2 : i32
      %swap3A_171 = arith.index_cast %swap3A_170 : i32 to index
      %swap3A_172 = arith.constant 16 : index
      %swap3A_173 = tpu.vector_load %arg7[%swap3A_171, %swap3A_172] {strides = array<i32>} : memref<8x128xf32, #tpu.memory_space<vmem>>, vector<16xf32>,
      tpu.vector_store %arg7[%swap3A_171, %swap3A_172], %gather3A_169 {strides = array<i32>} : memref<8x128xf32, #tpu.memory_space<vmem>>, vector<16xf32>,
      %broadcast_in_dim3A_174 = arith.constant 3 : i32
      %broadcast_in_dim3A_175 = vector.broadcast %broadcast_in_dim3A_174 : i32 to vector<16xi32>
      %gather3A_176 = tpu.vector_load_idx %arg5[%get3A_148, %broadcast_in_dim3A_175, %add3A_152] : memref<64x8x128xf32, #tpu.memory_space<vmem>>[vector<16xi32>, vector<16xi32>, vector<16xi32>], vector<16xf32>,
      %swap3A_177 = arith.constant 3 : i32
      %swap3A_178 = arith.index_cast %swap3A_177 : i32 to index
      %swap3A_179 = arith.constant 16 : index
      %swap3A_180 = tpu.vector_load %arg7[%swap3A_178, %swap3A_179] {strides = array<i32>} : memref<8x128xf32, #tpu.memory_space<vmem>>, vector<16xf32>,
      tpu.vector_store %arg7[%swap3A_178, %swap3A_179], %gather3A_176 {strides = array<i32>} : memref<8x128xf32, #tpu.memory_space<vmem>>, vector<16xf32>,
      %broadcast_in_dim3A_181 = arith.constant 4 : i32
      %broadcast_in_dim3A_182 = vector.broadcast %broadcast_in_dim3A_181 : i32 to vector<16xi32>
      %gather3A_183 = tpu.vector_load_idx %arg5[%get3A_148, %broadcast_in_dim3A_182, %add3A_152] : memref<64x8x128xf32, #tpu.memory_space<vmem>>[vector<16xi32>, vector<16xi32>, vector<16xi32>], vector<16xf32>,
      %swap3A_184 = arith.constant 4 : i32
      %swap3A_185 = arith.index_cast %swap3A_184 : i32 to index
      %swap3A_186 = arith.constant 16 : index
      %swap3A_187 = tpu.vector_load %arg7[%swap3A_185, %swap3A_186] {strides = array<i32>} : memref<8x128xf32, #tpu.memory_space<vmem>>, vector<16xf32>,
      tpu.vector_store %arg7[%swap3A_185, %swap3A_186], %gather3A_183 {strides = array<i32>} : memref<8x128xf32, #tpu.memory_space<vmem>>, vector<16xf32>,
      %broadcast_in_dim3A_188 = arith.constant 5 : i32
      %broadcast_in_dim3A_189 = vector.broadcast %broadcast_in_dim3A_188 : i32 to vector<16xi32>
      %gather3A_190 = tpu.vector_load_idx %arg5[%get3A_148, %broadcast_in_dim3A_189, %add3A_152] : memref<64x8x128xf32, #tpu.memory_space<vmem>>[vector<16xi32>, vector<16xi32>, vector<16xi32>], vector<16xf32>,
      %swap3A_191 = arith.constant 5 : i32
      %swap3A_192 = arith.index_cast %swap3A_191 : i32 to index
      %swap3A_193 = arith.constant 16 : index
      %swap3A_194 = tpu.vector_load %arg7[%swap3A_192, %swap3A_193] {strides = array<i32>} : memref<8x128xf32, #tpu.memory_space<vmem>>, vector<16xf32>,
      tpu.vector_store %arg7[%swap3A_192, %swap3A_193], %gather3A_190 {strides = array<i32>} : memref<8x128xf32, #tpu.memory_space<vmem>>, vector<16xf32>,
      %broadcast_in_dim3A_195 = arith.constant 6 : i32
      %broadcast_in_dim3A_196 = vector.broadcast %broadcast_in_dim3A_195 : i32 to vector<16xi32>
      %gather3A_197 = tpu.vector_load_idx %arg5[%get3A_148, %broadcast_in_dim3A_196, %add3A_152] : memref<64x8x128xf32, #tpu.memory_space<vmem>>[vector<16xi32>, vector<16xi32>, vector<16xi32>], vector<16xf32>,
      %swap3A_198 = arith.constant 6 : i32
      %swap3A_199 = arith.index_cast %swap3A_198 : i32 to index
      %swap3A_200 = arith.constant 16 : index
      %swap3A_201 = tpu.vector_load %arg7[%swap3A_199, %swap3A_200] {strides = array<i32>} : memref<8x128xf32, #tpu.memory_space<vmem>>, vector<16xf32>,
      tpu.vector_store %arg7[%swap3A_199, %swap3A_200], %gather3A_197 {strides = array<i32>} : memref<8x128xf32, #tpu.memory_space<vmem>>, vector<16xf32>,
      %broadcast_in_dim3A_202 = arith.constant 7 : i32
      %broadcast_in_dim3A_203 = vector.broadcast %broadcast_in_dim3A_202 : i32 to vector<16xi32>
      %gather3A_204 = tpu.vector_load_idx %arg5[%get3A_148, %broadcast_in_dim3A_203, %add3A_152] : memref<64x8x128xf32, #tpu.memory_space<vmem>>[vector<16xi32>, vector<16xi32>, vector<16xi32>], vector<16xf32>,
      %swap3A_205 = arith.constant 7 : i32
      %swap3A_206 = arith.index_cast %swap3A_205 : i32 to index
      %swap3A_207 = arith.constant 16 : index
      %swap3A_208 = tpu.vector_load %arg7[%swap3A_206, %swap3A_207] {strides = array<i32>} : memref<8x128xf32, #tpu.memory_space<vmem>>, vector<16xf32>,
      tpu.vector_store %arg7[%swap3A_206, %swap3A_207], %gather3A_204 {strides = array<i32>} : memref<8x128xf32, #tpu.memory_space<vmem>>, vector<16xf32>,
      %get3A_209 = arith.constant 0 : i32
      %get3A_210 = arith.index_cast %get3A_209 : i32 to index
      %get3A_211 = arith.constant 32 : index
      %get3A_212 = tpu.vector_load %arg6[%get3A_210, %get3A_211] {strides = array<i32>} : memref<1x128xi32, #tpu.memory_space<vmem>>, vector<16xi32>,
      %iota3A_213 = tpu.iota {dimensions = array<i32: 0>} : vector<16xi32>
      %add3A_214 = arith.constant 32 : i32
      %add3A_215 = vector.broadcast %add3A_214 : i32 to vector<16xi32>
      %add3A_216 = arith.addi %iota3A_213, %add3A_215 : vector<16xi32>
      %broadcast_in_dim3A_217 = arith.constant 0 : i32
      %broadcast_in_dim3A_218 = vector.broadcast %broadcast_in_dim3A_217 : i32 to vector<16xi32>
      %gather3A_219 = tpu.vector_load_idx %arg5[%get3A_212, %broadcast_in_dim3A_218, %add3A_216] : memref<64x8x128xf32, #tpu.memory_space<vmem>>[vector<16xi32>, vector<16xi32>, vector<16xi32>], vector<16xf32>,
      %swap3A_220 = arith.constant 0 : i32
      %swap3A_221 = arith.index_cast %swap3A_220 : i32 to index
      %swap3A_222 = arith.constant 32 : index
      %swap3A_223 = tpu.vector_load %arg7[%swap3A_221, %swap3A_222] {strides = array<i32>} : memref<8x128xf32, #tpu.memory_space<vmem>>, vector<16xf32>,
      tpu.vector_store %arg7[%swap3A_221, %swap3A_222], %gather3A_219 {strides = array<i32>} : memref<8x128xf32, #tpu.memory_space<vmem>>, vector<16xf32>,
      %broadcast_in_dim3A_224 = arith.constant 1 : i32
      %broadcast_in_dim3A_225 = vector.broadcast %broadcast_in_dim3A_224 : i32 to vector<16xi32>
      %gather3A_226 = tpu.vector_load_idx %arg5[%get3A_212, %broadcast_in_dim3A_225, %add3A_216] : memref<64x8x128xf32, #tpu.memory_space<vmem>>[vector<16xi32>, vector<16xi32>, vector<16xi32>], vector<16xf32>,
      %swap3A_227 = arith.constant 1 : i32
      %swap3A_228 = arith.index_cast %swap3A_227 : i32 to index
      %swap3A_229 = arith.constant 32 : index
      %swap3A_230 = tpu.vector_load %arg7[%swap3A_228, %swap3A_229] {strides = array<i32>} : memref<8x128xf32, #tpu.memory_space<vmem>>, vector<16xf32>,
      tpu.vector_store %arg7[%swap3A_228, %swap3A_229], %gather3A_226 {strides = array<i32>} : memref<8x128xf32, #tpu.memory_space<vmem>>, vector<16xf32>,
      %broadcast_in_dim3A_231 = arith.constant 2 : i32
      %broadcast_in_dim3A_232 = vector.broadcast %broadcast_in_dim3A_231 : i32 to vector<16xi32>
      %gather3A_233 = tpu.vector_load_idx %arg5[%get3A_212, %broadcast_in_dim3A_232, %add3A_216] : memref<64x8x128xf32, #tpu.memory_space<vmem>>[vector<16xi32>, vector<16xi32>, vector<16xi32>], vector<16xf32>,
      %swap3A_234 = arith.constant 2 : i32
      %swap3A_235 = arith.index_cast %swap3A_234 : i32 to index
      %swap3A_236 = arith.constant 32 : index
      %swap3A_237 = tpu.vector_load %arg7[%swap3A_235, %swap3A_236] {strides = array<i32>} : memref<8x128xf32, #tpu.memory_space<vmem>>, vector<16xf32>,
      tpu.vector_store %arg7[%swap3A_235, %swap3A_236], %gather3A_233 {strides = array<i32>} : memref<8x128xf32, #tpu.memory_space<vmem>>, vector<16xf32>,
      %broadcast_in_dim3A_238 = arith.constant 3 : i32
      %broadcast_in_dim3A_239 = vector.broadcast %broadcast_in_dim3A_238 : i32 to vector<16xi32>
      %gather3A_240 = tpu.vector_load_idx %arg5[%get3A_212, %broadcast_in_dim3A_239, %add3A_216] : memref<64x8x128xf32, #tpu.memory_space<vmem>>[vector<16xi32>, vector<16xi32>, vector<16xi32>], vector<16xf32>,
      %swap3A_241 = arith.constant 3 : i32
      %swap3A_242 = arith.index_cast %swap3A_241 : i32 to index
      %swap3A_243 = arith.constant 32 : index
      %swap3A_244 = tpu.vector_load %arg7[%swap3A_242, %swap3A_243] {strides = array<i32>} : memref<8x128xf32, #tpu.memory_space<vmem>>, vector<16xf32>,
      tpu.vector_store %arg7[%swap3A_242, %swap3A_243], %gather3A_240 {strides = array<i32>} : memref<8x128xf32, #tpu.memory_space<vmem>>, vector<16xf32>,
      %broadcast_in_dim3A_245 = arith.constant 4 : i32
      %broadcast_in_dim3A_246 = vector.broadcast %broadcast_in_dim3A_245 : i32 to vector<16xi32>
      %gather3A_247 = tpu.vector_load_idx %arg5[%get3A_212, %broadcast_in_dim3A_246, %add3A_216] : memref<64x8x128xf32, #tpu.memory_space<vmem>>[vector<16xi32>, vector<16xi32>, vector<16xi32>], vector<16xf32>,
      %swap3A_248 = arith.constant 4 : i32
      %swap3A_249 = arith.index_cast %swap3A_248 : i32 to index
      %swap3A_250 = arith.constant 32 : index
      %swap3A_251 = tpu.vector_load %arg7[%swap3A_249, %swap3A_250] {strides = array<i32>} : memref<8x128xf32, #tpu.memory_space<vmem>>, vector<16xf32>,
      tpu.vector_store %arg7[%swap3A_249, %swap3A_250], %gather3A_247 {strides = array<i32>} : memref<8x128xf32, #tpu.memory_space<vmem>>, vector<16xf32>,
      %broadcast_in_dim3A_252 = arith.constant 5 : i32
      %broadcast_in_dim3A_253 = vector.broadcast %broadcast_in_dim3A_252 : i32 to vector<16xi32>
      %gather3A_254 = tpu.vector_load_idx %arg5[%get3A_212, %broadcast_in_dim3A_253, %add3A_216] : memref<64x8x128xf32, #tpu.memory_space<vmem>>[vector<16xi32>, vector<16xi32>, vector<16xi32>], vector<16xf32>,
      %swap3A_255 = arith.constant 5 : i32
      %swap3A_256 = arith.index_cast %swap3A_255 : i32 to index
      %swap3A_257 = arith.constant 32 : index
      %swap3A_258 = tpu.vector_load %arg7[%swap3A_256, %swap3A_257] {strides = array<i32>} : memref<8x128xf32, #tpu.memory_space<vmem>>, vector<16xf32>,
      tpu.vector_store %arg7[%swap3A_256, %swap3A_257], %gather3A_254 {strides = array<i32>} : memref<8x128xf32, #tpu.memory_space<vmem>>, vector<16xf32>,
      %broadcast_in_dim3A_259 = arith.constant 6 : i32
      %broadcast_in_dim3A_260 = vector.broadcast %broadcast_in_dim3A_259 : i32 to vector<16xi32>
      %gather3A_261 = tpu.vector_load_idx %arg5[%get3A_212, %broadcast_in_dim3A_260, %add3A_216] : memref<64x8x128xf32, #tpu.memory_space<vmem>>[vector<16xi32>, vector<16xi32>, vector<16xi32>], vector<16xf32>,
      %swap3A_262 = arith.constant 6 : i32
      %swap3A_263 = arith.index_cast %swap3A_262 : i32 to index
      %swap3A_264 = arith.constant 32 : index
      %swap3A_265 = tpu.vector_load %arg7[%swap3A_263, %swap3A_264] {strides = array<i32>} : memref<8x128xf32, #tpu.memory_space<vmem>>, vector<16xf32>,
      tpu.vector_store %arg7[%swap3A_263, %swap3A_264], %gather3A_261 {strides = array<i32>} : memref<8x128xf32, #tpu.memory_space<vmem>>, vector<16xf32>,
      %broadcast_in_dim3A_266 = arith.constant 7 : i32
      %broadcast_in_dim3A_267 = vector.broadcast %broadcast_in_dim3A_266 : i32 to vector<16xi32>
      %gather3A_268 = tpu.vector_load_idx %arg5[%get3A_212, %broadcast_in_dim3A_267, %add3A_216] : memref<64x8x128xf32, #tpu.memory_space<vmem>>[vector<16xi32>, vector<16xi32>, vector<16xi32>], vector<16xf32>,
      %swap3A_269 = arith.constant 7 : i32
      %swap3A_270 = arith.index_cast %swap3A_269 : i32 to index
      %swap3A_271 = arith.constant 32 : index
      %swap3A_272 = tpu.vector_load %arg7[%swap3A_270, %swap3A_271] {strides = array<i32>} : memref<8x128xf32, #tpu.memory_space<vmem>>, vector<16xf32>,
      tpu.vector_store %arg7[%swap3A_270, %swap3A_271], %gather3A_268 {strides = array<i32>} : memref<8x128xf32, #tpu.memory_space<vmem>>, vector<16xf32>,
      %get3A_273 = arith.constant 0 : i32
      %get3A_274 = arith.index_cast %get3A_273 : i32 to index
      %get3A_275 = arith.constant 48 : index
      %get3A_276 = tpu.vector_load %arg6[%get3A_274, %get3A_275] {strides = array<i32>} : memref<1x128xi32, #tpu.memory_space<vmem>>, vector<16xi32>,
      %iota3A_277 = tpu.iota {dimensions = array<i32: 0>} : vector<16xi32>
      %add3A_278 = arith.constant 48 : i32
      %add3A_279 = vector.broadcast %add3A_278 : i32 to vector<16xi32>
      %add3A_280 = arith.addi %iota3A_277, %add3A_279 : vector<16xi32>
      %broadcast_in_dim3A_281 = arith.constant 0 : i32
      %broadcast_in_dim3A_282 = vector.broadcast %broadcast_in_dim3A_281 : i32 to vector<16xi32>
      %gather3A_283 = tpu.vector_load_idx %arg5[%get3A_276, %broadcast_in_dim3A_282, %add3A_280] : memref<64x8x128xf32, #tpu.memory_space<vmem>>[vector<16xi32>, vector<16xi32>, vector<16xi32>], vector<16xf32>,
      %swap3A_284 = arith.constant 0 : i32
      %swap3A_285 = arith.index_cast %swap3A_284 : i32 to index
      %swap3A_286 = arith.constant 48 : index
      %swap3A_287 = tpu.vector_load %arg7[%swap3A_285, %swap3A_286] {strides = array<i32>} : memref<8x128xf32, #tpu.memory_space<vmem>>, vector<16xf32>,
      tpu.vector_store %arg7[%swap3A_285, %swap3A_286], %gather3A_283 {strides = array<i32>} : memref<8x128xf32, #tpu.memory_space<vmem>>, vector<16xf32>,
      %broadcast_in_dim3A_288 = arith.constant 1 : i32
      %broadcast_in_dim3A_289 = vector.broadcast %broadcast_in_dim3A_288 : i32 to vector<16xi32>
      %gather3A_290 = tpu.vector_load_idx %arg5[%get3A_276, %broadcast_in_dim3A_289, %add3A_280] : memref<64x8x128xf32, #tpu.memory_space<vmem>>[vector<16xi32>, vector<16xi32>, vector<16xi32>], vector<16xf32>,
      %swap3A_291 = arith.constant 1 : i32
      %swap3A_292 = arith.index_cast %swap3A_291 : i32 to index
      %swap3A_293 = arith.constant 48 : index
      %swap3A_294 = tpu.vector_load %arg7[%swap3A_292, %swap3A_293] {strides = array<i32>} : memref<8x128xf32, #tpu.memory_space<vmem>>, vector<16xf32>,
      tpu.vector_store %arg7[%swap3A_292, %swap3A_293], %gather3A_290 {strides = array<i32>} : memref<8x128xf32, #tpu.memory_space<vmem>>, vector<16xf32>,
      %broadcast_in_dim3A_295 = arith.constant 2 : i32
      %broadcast_in_dim3A_296 = vector.broadcast %broadcast_in_dim3A_295 : i32 to vector<16xi32>
      %gather3A_297 = tpu.vector_load_idx %arg5[%get3A_276, %broadcast_in_dim3A_296, %add3A_280] : memref<64x8x128xf32, #tpu.memory_space<vmem>>[vector<16xi32>, vector<16xi32>, vector<16xi32>], vector<16xf32>,
      %swap3A_298 = arith.constant 2 : i32
      %swap3A_299 = arith.index_cast %swap3A_298 : i32 to index
      %swap3A_300 = arith.constant 48 : index
      %swap3A_301 = tpu.vector_load %arg7[%swap3A_299, %swap3A_300] {strides = array<i32>} : memref<8x128xf32, #tpu.memory_space<vmem>>, vector<16xf32>,
      tpu.vector_store %arg7[%swap3A_299, %swap3A_300], %gather3A_297 {strides = array<i32>} : memref<8x128xf32, #tpu.memory_space<vmem>>, vector<16xf32>,
      %broadcast_in_dim3A_302 = arith.constant 3 : i32
      %broadcast_in_dim3A_303 = vector.broadcast %broadcast_in_dim3A_302 : i32 to vector<16xi32>
      %gather3A_304 = tpu.vector_load_idx %arg5[%get3A_276, %broadcast_in_dim3A_303, %add3A_280] : memref<64x8x128xf32, #tpu.memory_space<vmem>>[vector<16xi32>, vector<16xi32>, vector<16xi32>], vector<16xf32>,
      %swap3A_305 = arith.constant 3 : i32
      %swap3A_306 = arith.index_cast %swap3A_305 : i32 to index
      %swap3A_307 = arith.constant 48 : index
      %swap3A_308 = tpu.vector_load %arg7[%swap3A_306, %swap3A_307] {strides = array<i32>} : memref<8x128xf32, #tpu.memory_space<vmem>>, vector<16xf32>,
      tpu.vector_store %arg7[%swap3A_306, %swap3A_307], %gather3A_304 {strides = array<i32>} : memref<8x128xf32, #tpu.memory_space<vmem>>, vector<16xf32>,
      %broadcast_in_dim3A_309 = arith.constant 4 : i32
      %broadcast_in_dim3A_310 = vector.broadcast %broadcast_in_dim3A_309 : i32 to vector<16xi32>
      %gather3A_311 = tpu.vector_load_idx %arg5[%get3A_276, %broadcast_in_dim3A_310, %add3A_280] : memref<64x8x128xf32, #tpu.memory_space<vmem>>[vector<16xi32>, vector<16xi32>, vector<16xi32>], vector<16xf32>,
      %swap3A_312 = arith.constant 4 : i32
      %swap3A_313 = arith.index_cast %swap3A_312 : i32 to index
      %swap3A_314 = arith.constant 48 : index
      %swap3A_315 = tpu.vector_load %arg7[%swap3A_313, %swap3A_314] {strides = array<i32>} : memref<8x128xf32, #tpu.memory_space<vmem>>, vector<16xf32>,
      tpu.vector_store %arg7[%swap3A_313, %swap3A_314], %gather3A_311 {strides = array<i32>} : memref<8x128xf32, #tpu.memory_space<vmem>>, vector<16xf32>,
      %broadcast_in_dim3A_316 = arith.constant 5 : i32
      %broadcast_in_dim3A_317 = vector.broadcast %broadcast_in_dim3A_316 : i32 to vector<16xi32>
      %gather3A_318 = tpu.vector_load_idx %arg5[%get3A_276, %broadcast_in_dim3A_317, %add3A_280] : memref<64x8x128xf32, #tpu.memory_space<vmem>>[vector<16xi32>, vector<16xi32>, vector<16xi32>], vector<16xf32>,
      %swap3A_319 = arith.constant 5 : i32
      %swap3A_320 = arith.index_cast %swap3A_319 : i32 to index
      %swap3A_321 = arith.constant 48 : index
      %swap3A_322 = tpu.vector_load %arg7[%swap3A_320, %swap3A_321] {strides = array<i32>} : memref<8x128xf32, #tpu.memory_space<vmem>>, vector<16xf32>,
      tpu.vector_store %arg7[%swap3A_320, %swap3A_321], %gather3A_318 {strides = array<i32>} : memref<8x128xf32, #tpu.memory_space<vmem>>, vector<16xf32>,
      %broadcast_in_dim3A_323 = arith.constant 6 : i32
      %broadcast_in_dim3A_324 = vector.broadcast %broadcast_in_dim3A_323 : i32 to vector<16xi32>
      %gather3A_325 = tpu.vector_load_idx %arg5[%get3A_276, %broadcast_in_dim3A_324, %add3A_280] : memref<64x8x128xf32, #tpu.memory_space<vmem>>[vector<16xi32>, vector<16xi32>, vector<16xi32>], vector<16xf32>,
      %swap3A_326 = arith.constant 6 : i32
      %swap3A_327 = arith.index_cast %swap3A_326 : i32 to index
      %swap3A_328 = arith.constant 48 : index
      %swap3A_329 = tpu.vector_load %arg7[%swap3A_327, %swap3A_328] {strides = array<i32>} : memref<8x128xf32, #tpu.memory_space<vmem>>, vector<16xf32>,
      tpu.vector_store %arg7[%swap3A_327, %swap3A_328], %gather3A_325 {strides = array<i32>} : memref<8x128xf32, #tpu.memory_space<vmem>>, vector<16xf32>,
      %broadcast_in_dim3A_330 = arith.constant 7 : i32
      %broadcast_in_dim3A_331 = vector.broadcast %broadcast_in_dim3A_330 : i32 to vector<16xi32>
      %gather3A_332 = tpu.vector_load_idx %arg5[%get3A_276, %broadcast_in_dim3A_331, %add3A_280] : memref<64x8x128xf32, #tpu.memory_space<vmem>>[vector<16xi32>, vector<16xi32>, vector<16xi32>], vector<16xf32>,
      %swap3A_333 = arith.constant 7 : i32
      %swap3A_334 = arith.index_cast %swap3A_333 : i32 to index
      %swap3A_335 = arith.constant 48 : index
      %swap3A_336 = tpu.vector_load %arg7[%swap3A_334, %swap3A_335] {strides = array<i32>} : memref<8x128xf32, #tpu.memory_space<vmem>>, vector<16xf32>,
      tpu.vector_store %arg7[%swap3A_334, %swap3A_335], %gather3A_332 {strides = array<i32>} : memref<8x128xf32, #tpu.memory_space<vmem>>, vector<16xf32>,
      %get3A_337 = arith.constant 0 : i32
      %get3A_338 = arith.index_cast %get3A_337 : i32 to index
      %get3A_339 = arith.constant 64 : index
      %get3A_340 = tpu.vector_load %arg6[%get3A_338, %get3A_339] {strides = array<i32>} : memref<1x128xi32, #tpu.memory_space<vmem>>, vector<16xi32>,
      %iota3A_341 = tpu.iota {dimensions = array<i32: 0>} : vector<16xi32>
      %add3A_342 = arith.constant 64 : i32
      %add3A_343 = vector.broadcast %add3A_342 : i32 to vector<16xi32>
      %add3A_344 = arith.addi %iota3A_341, %add3A_343 : vector<16xi32>
      %broadcast_in_dim3A_345 = arith.constant 0 : i32
      %broadcast_in_dim3A_346 = vector.broadcast %broadcast_in_dim3A_345 : i32 to vector<16xi32>
      %gather3A_347 = tpu.vector_load_idx %arg5[%get3A_340, %broadcast_in_dim3A_346, %add3A_344] : memref<64x8x128xf32, #tpu.memory_space<vmem>>[vector<16xi32>, vector<16xi32>, vector<16xi32>], vector<16xf32>,
      %swap3A_348 = arith.constant 0 : i32
      %swap3A_349 = arith.index_cast %swap3A_348 : i32 to index
      %swap3A_350 = arith.constant 64 : index
      %swap3A_351 = tpu.vector_load %arg7[%swap3A_349, %swap3A_350] {strides = array<i32>} : memref<8x128xf32, #tpu.memory_space<vmem>>, vector<16xf32>,
      tpu.vector_store %arg7[%swap3A_349, %swap3A_350], %gather3A_347 {strides = array<i32>} : memref<8x128xf32, #tpu.memory_space<vmem>>, vector<16xf32>,
      %broadcast_in_dim3A_352 = arith.constant 1 : i32
      %broadcast_in_dim3A_353 = vector.broadcast %broadcast_in_dim3A_352 : i32 to vector<16xi32>
      %gather3A_354 = tpu.vector_load_idx %arg5[%get3A_340, %broadcast_in_dim3A_353, %add3A_344] : memref<64x8x128xf32, #tpu.memory_space<vmem>>[vector<16xi32>, vector<16xi32>, vector<16xi32>], vector<16xf32>,
      %swap3A_355 = arith.constant 1 : i32
      %swap3A_356 = arith.index_cast %swap3A_355 : i32 to index
      %swap3A_357 = arith.constant 64 : index
      %swap3A_358 = tpu.vector_load %arg7[%swap3A_356, %swap3A_357] {strides = array<i32>} : memref<8x128xf32, #tpu.memory_space<vmem>>, vector<16xf32>,
      tpu.vector_store %arg7[%swap3A_356, %swap3A_357], %gather3A_354 {strides = array<i32>} : memref<8x128xf32, #tpu.memory_space<vmem>>, vector<16xf32>,
      %broadcast_in_dim3A_359 = arith.constant 2 : i32
      %broadcast_in_dim3A_360 = vector.broadcast %broadcast_in_dim3A_359 : i32 to vector<16xi32>
      %gather3A_361 = tpu.vector_load_idx %arg5[%get3A_340, %broadcast_in_dim3A_360, %add3A_344] : memref<64x8x128xf32, #tpu.memory_space<vmem>>[vector<16xi32>, vector<16xi32>, vector<16xi32>], vector<16xf32>,
      %swap3A_362 = arith.constant 2 : i32
      %swap3A_363 = arith.index_cast %swap3A_362 : i32 to index
      %swap3A_364 = arith.constant 64 : index
      %swap3A_365 = tpu.vector_load %arg7[%swap3A_363, %swap3A_364] {strides = array<i32>} : memref<8x128xf32, #tpu.memory_space<vmem>>, vector<16xf32>,
      tpu.vector_store %arg7[%swap3A_363, %swap3A_364], %gather3A_361 {strides = array<i32>} : memref<8x128xf32, #tpu.memory_space<vmem>>, vector<16xf32>,
      %broadcast_in_dim3A_366 = arith.constant 3 : i32
      %broadcast_in_dim3A_367 = vector.broadcast %broadcast_in_dim3A_366 : i32 to vector<16xi32>
      %gather3A_368 = tpu.vector_load_idx %arg5[%get3A_340, %broadcast_in_dim3A_367, %add3A_344] : memref<64x8x128xf32, #tpu.memory_space<vmem>>[vector<16xi32>, vector<16xi32>, vector<16xi32>], vector<16xf32>,
      %swap3A_369 = arith.constant 3 : i32
      %swap3A_370 = arith.index_cast %swap3A_369 : i32 to index
      %swap3A_371 = arith.constant 64 : index
      %swap3A_372 = tpu.vector_load %arg7[%swap3A_370, %swap3A_371] {strides = array<i32>} : memref<8x128xf32, #tpu.memory_space<vmem>>, vector<16xf32>,
      tpu.vector_store %arg7[%swap3A_370, %swap3A_371], %gather3A_368 {strides = array<i32>} : memref<8x128xf32, #tpu.memory_space<vmem>>, vector<16xf32>,
      %broadcast_in_dim3A_373 = arith.constant 4 : i32
      %broadcast_in_dim3A_374 = vector.broadcast %broadcast_in_dim3A_373 : i32 to vector<16xi32>
      %gather3A_375 = tpu.vector_load_idx %arg5[%get3A_340, %broadcast_in_dim3A_374, %add3A_344] : memref<64x8x128xf32, #tpu.memory_space<vmem>>[vector<16xi32>, vector<16xi32>, vector<16xi32>], vector<16xf32>,
      %swap3A_376 = arith.constant 4 : i32
      %swap3A_377 = arith.index_cast %swap3A_376 : i32 to index
      %swap3A_378 = arith.constant 64 : index
      %swap3A_379 = tpu.vector_load %arg7[%swap3A_377, %swap3A_378] {strides = array<i32>} : memref<8x128xf32, #tpu.memory_space<vmem>>, vector<16xf32>,
      tpu.vector_store %arg7[%swap3A_377, %swap3A_378], %gather3A_375 {strides = array<i32>} : memref<8x128xf32, #tpu.memory_space<vmem>>, vector<16xf32>,
      %broadcast_in_dim3A_380 = arith.constant 5 : i32
      %broadcast_in_dim3A_381 = vector.broadcast %broadcast_in_dim3A_380 : i32 to vector<16xi32>
      %gather3A_382 = tpu.vector_load_idx %arg5[%get3A_340, %broadcast_in_dim3A_381, %add3A_344] : memref<64x8x128xf32, #tpu.memory_space<vmem>>[vector<16xi32>, vector<16xi32>, vector<16xi32>], vector<16xf32>,
      %swap3A_383 = arith.constant 5 : i32
      %swap3A_384 = arith.index_cast %swap3A_383 : i32 to index
      %swap3A_385 = arith.constant 64 : index
      %swap3A_386 = tpu.vector_load %arg7[%swap3A_384, %swap3A_385] {strides = array<i32>} : memref<8x128xf32, #tpu.memory_space<vmem>>, vector<16xf32>,
      tpu.vector_store %arg7[%swap3A_384, %swap3A_385], %gather3A_382 {strides = array<i32>} : memref<8x128xf32, #tpu.memory_space<vmem>>, vector<16xf32>,
      %broadcast_in_dim3A_387 = arith.constant 6 : i32
      %broadcast_in_dim3A_388 = vector.broadcast %broadcast_in_dim3A_387 : i32 to vector<16xi32>
      %gather3A_389 = tpu.vector_load_idx %arg5[%get3A_340, %broadcast_in_dim3A_388, %add3A_344] : memref<64x8x128xf32, #tpu.memory_space<vmem>>[vector<16xi32>, vector<16xi32>, vector<16xi32>], vector<16xf32>,
      %swap3A_390 = arith.constant 6 : i32
      %swap3A_391 = arith.index_cast %swap3A_390 : i32 to index
      %swap3A_392 = arith.constant 64 : index
      %swap3A_393 = tpu.vector_load %arg7[%swap3A_391, %swap3A_392] {strides = array<i32>} : memref<8x128xf32, #tpu.memory_space<vmem>>, vector<16xf32>,
      tpu.vector_store %arg7[%swap3A_391, %swap3A_392], %gather3A_389 {strides = array<i32>} : memref<8x128xf32, #tpu.memory_space<vmem>>, vector<16xf32>,
      %broadcast_in_dim3A_394 = arith.constant 7 : i32
      %broadcast_in_dim3A_395 = vector.broadcast %broadcast_in_dim3A_394 : i32 to vector<16xi32>
      %gather3A_396 = tpu.vector_load_idx %arg5[%get3A_340, %broadcast_in_dim3A_395, %add3A_344] : memref<64x8x128xf32, #tpu.memory_space<vmem>>[vector<16xi32>, vector<16xi32>, vector<16xi32>], vector<16xf32>,
      %swap3A_397 = arith.constant 7 : i32
      %swap3A_398 = arith.index_cast %swap3A_397 : i32 to index
      %swap3A_399 = arith.constant 64 : index
      %swap3A_400 = tpu.vector_load %arg7[%swap3A_398, %swap3A_399] {strides = array<i32>} : memref<8x128xf32, #tpu.memory_space<vmem>>, vector<16xf32>,
      tpu.vector_store %arg7[%swap3A_398, %swap3A_399], %gather3A_396 {strides = array<i32>} : memref<8x128xf32, #tpu.memory_space<vmem>>, vector<16xf32>,
      %get3A_401 = arith.constant 0 : i32
      %get3A_402 = arith.index_cast %get3A_401 : i32 to index
      %get3A_403 = arith.constant 80 : index
      %get3A_404 = tpu.vector_load %arg6[%get3A_402, %get3A_403] {strides = array<i32>} : memref<1x128xi32, #tpu.memory_space<vmem>>, vector<16xi32>,
      %iota3A_405 = tpu.iota {dimensions = array<i32: 0>} : vector<16xi32>
      %add3A_406 = arith.constant 80 : i32
      %add3A_407 = vector.broadcast %add3A_406 : i32 to vector<16xi32>
      %add3A_408 = arith.addi %iota3A_405, %add3A_407 : vector<16xi32>
      %broadcast_in_dim3A_409 = arith.constant 0 : i32
      %broadcast_in_dim3A_410 = vector.broadcast %broadcast_in_dim3A_409 : i32 to vector<16xi32>
      %gather3A_411 = tpu.vector_load_idx %arg5[%get3A_404, %broadcast_in_dim3A_410, %add3A_408] : memref<64x8x128xf32, #tpu.memory_space<vmem>>[vector<16xi32>, vector<16xi32>, vector<16xi32>], vector<16xf32>,
      %swap3A_412 = arith.constant 0 : i32
      %swap3A_413 = arith.index_cast %swap3A_412 : i32 to index
      %swap3A_414 = arith.constant 80 : index
      %swap3A_415 = tpu.vector_load %arg7[%swap3A_413, %swap3A_414] {strides = array<i32>} : memref<8x128xf32, #tpu.memory_space<vmem>>, vector<16xf32>,
      tpu.vector_store %arg7[%swap3A_413, %swap3A_414], %gather3A_411 {strides = array<i32>} : memref<8x128xf32, #tpu.memory_space<vmem>>, vector<16xf32>,
      %broadcast_in_dim3A_416 = arith.constant 1 : i32
      %broadcast_in_dim3A_417 = vector.broadcast %broadcast_in_dim3A_416 : i32 to vector<16xi32>
      %gather3A_418 = tpu.vector_load_idx %arg5[%get3A_404, %broadcast_in_dim3A_417, %add3A_408] : memref<64x8x128xf32, #tpu.memory_space<vmem>>[vector<16xi32>, vector<16xi32>, vector<16xi32>], vector<16xf32>,
      %swap3A_419 = arith.constant 1 : i32
      %swap3A_420 = arith.index_cast %swap3A_419 : i32 to index
      %swap3A_421 = arith.constant 80 : index
      %swap3A_422 = tpu.vector_load %arg7[%swap3A_420, %swap3A_421] {strides = array<i32>} : memref<8x128xf32, #tpu.memory_space<vmem>>, vector<16xf32>,
      tpu.vector_store %arg7[%swap3A_420, %swap3A_421], %gather3A_418 {strides = array<i32>} : memref<8x128xf32, #tpu.memory_space<vmem>>, vector<16xf32>,
      %broadcast_in_dim3A_423 = arith.constant 2 : i32
      %broadcast_in_dim3A_424 = vector.broadcast %broadcast_in_dim3A_423 : i32 to vector<16xi32>
      %gather3A_425 = tpu.vector_load_idx %arg5[%get3A_404, %broadcast_in_dim3A_424, %add3A_408] : memref<64x8x128xf32, #tpu.memory_space<vmem>>[vector<16xi32>, vector<16xi32>, vector<16xi32>], vector<16xf32>,
      %swap3A_426 = arith.constant 2 : i32
      %swap3A_427 = arith.index_cast %swap3A_426 : i32 to index
      %swap3A_428 = arith.constant 80 : index
      %swap3A_429 = tpu.vector_load %arg7[%swap3A_427, %swap3A_428] {strides = array<i32>} : memref<8x128xf32, #tpu.memory_space<vmem>>, vector<16xf32>,
      tpu.vector_store %arg7[%swap3A_427, %swap3A_428], %gather3A_425 {strides = array<i32>} : memref<8x128xf32, #tpu.memory_space<vmem>>, vector<16xf32>,
      %broadcast_in_dim3A_430 = arith.constant 3 : i32
      %broadcast_in_dim3A_431 = vector.broadcast %broadcast_in_dim3A_430 : i32 to vector<16xi32>
      %gather3A_432 = tpu.vector_load_idx %arg5[%get3A_404, %broadcast_in_dim3A_431, %add3A_408] : memref<64x8x128xf32, #tpu.memory_space<vmem>>[vector<16xi32>, vector<16xi32>, vector<16xi32>], vector<16xf32>,
      %swap3A_433 = arith.constant 3 : i32
      %swap3A_434 = arith.index_cast %swap3A_433 : i32 to index
      %swap3A_435 = arith.constant 80 : index
      %swap3A_436 = tpu.vector_load %arg7[%swap3A_434, %swap3A_435] {strides = array<i32>} : memref<8x128xf32, #tpu.memory_space<vmem>>, vector<16xf32>,
      tpu.vector_store %arg7[%swap3A_434, %swap3A_435], %gather3A_432 {strides = array<i32>} : memref<8x128xf32, #tpu.memory_space<vmem>>, vector<16xf32>,
      %broadcast_in_dim3A_437 = arith.constant 4 : i32
      %broadcast_in_dim3A_438 = vector.broadcast %broadcast_in_dim3A_437 : i32 to vector<16xi32>
      %gather3A_439 = tpu.vector_load_idx %arg5[%get3A_404, %broadcast_in_dim3A_438, %add3A_408] : memref<64x8x128xf32, #tpu.memory_space<vmem>>[vector<16xi32>, vector<16xi32>, vector<16xi32>], vector<16xf32>,
      %swap3A_440 = arith.constant 4 : i32
      %swap3A_441 = arith.index_cast %swap3A_440 : i32 to index
      %swap3A_442 = arith.constant 80 : index
      %swap3A_443 = tpu.vector_load %arg7[%swap3A_441, %swap3A_442] {strides = array<i32>} : memref<8x128xf32, #tpu.memory_space<vmem>>, vector<16xf32>,
      tpu.vector_store %arg7[%swap3A_441, %swap3A_442], %gather3A_439 {strides = array<i32>} : memref<8x128xf32, #tpu.memory_space<vmem>>, vector<16xf32>,
      %broadcast_in_dim3A_444 = arith.constant 5 : i32
      %broadcast_in_dim3A_445 = vector.broadcast %broadcast_in_dim3A_444 : i32 to vector<16xi32>
      %gather3A_446 = tpu.vector_load_idx %arg5[%get3A_404, %broadcast_in_dim3A_445, %add3A_408] : memref<64x8x128xf32, #tpu.memory_space<vmem>>[vector<16xi32>, vector<16xi32>, vector<16xi32>], vector<16xf32>,
      %swap3A_447 = arith.constant 5 : i32
      %swap3A_448 = arith.index_cast %swap3A_447 : i32 to index
      %swap3A_449 = arith.constant 80 : index
      %swap3A_450 = tpu.vector_load %arg7[%swap3A_448, %swap3A_449] {strides = array<i32>} : memref<8x128xf32, #tpu.memory_space<vmem>>, vector<16xf32>,
      tpu.vector_store %arg7[%swap3A_448, %swap3A_449], %gather3A_446 {strides = array<i32>} : memref<8x128xf32, #tpu.memory_space<vmem>>, vector<16xf32>,
      %broadcast_in_dim3A_451 = arith.constant 6 : i32
      %broadcast_in_dim3A_452 = vector.broadcast %broadcast_in_dim3A_451 : i32 to vector<16xi32>
      %gather3A_453 = tpu.vector_load_idx %arg5[%get3A_404, %broadcast_in_dim3A_452, %add3A_408] : memref<64x8x128xf32, #tpu.memory_space<vmem>>[vector<16xi32>, vector<16xi32>, vector<16xi32>], vector<16xf32>,
      %swap3A_454 = arith.constant 6 : i32
      %swap3A_455 = arith.index_cast %swap3A_454 : i32 to index
      %swap3A_456 = arith.constant 80 : index
      %swap3A_457 = tpu.vector_load %arg7[%swap3A_455, %swap3A_456] {strides = array<i32>} : memref<8x128xf32, #tpu.memory_space<vmem>>, vector<16xf32>,
      tpu.vector_store %arg7[%swap3A_455, %swap3A_456], %gather3A_453 {strides = array<i32>} : memref<8x128xf32, #tpu.memory_space<vmem>>, vector<16xf32>,
      %broadcast_in_dim3A_458 = arith.constant 7 : i32
      %broadcast_in_dim3A_459 = vector.broadcast %broadcast_in_dim3A_458 : i32 to vector<16xi32>
      %gather3A_460 = tpu.vector_load_idx %arg5[%get3A_404, %broadcast_in_dim3A_459, %add3A_408] : memref<64x8x128xf32, #tpu.memory_space<vmem>>[vector<16xi32>, vector<16xi32>, vector<16xi32>], vector<16xf32>,
      %swap3A_461 = arith.constant 7 : i32
      %swap3A_462 = arith.index_cast %swap3A_461 : i32 to index
      %swap3A_463 = arith.constant 80 : index
      %swap3A_464 = tpu.vector_load %arg7[%swap3A_462, %swap3A_463] {strides = array<i32>} : memref<8x128xf32, #tpu.memory_space<vmem>>, vector<16xf32>,
      tpu.vector_store %arg7[%swap3A_462, %swap3A_463], %gather3A_460 {strides = array<i32>} : memref<8x128xf32, #tpu.memory_space<vmem>>, vector<16xf32>,
      %get3A_465 = arith.constant 0 : i32
      %get3A_466 = arith.index_cast %get3A_465 : i32 to index
      %get3A_467 = arith.constant 96 : index
      %get3A_468 = tpu.vector_load %arg6[%get3A_466, %get3A_467] {strides = array<i32>} : memref<1x128xi32, #tpu.memory_space<vmem>>, vector<16xi32>,
      %iota3A_469 = tpu.iota {dimensions = array<i32: 0>} : vector<16xi32>
      %add3A_470 = arith.constant 96 : i32
      %add3A_471 = vector.broadcast %add3A_470 : i32 to vector<16xi32>
      %add3A_472 = arith.addi %iota3A_469, %add3A_471 : vector<16xi32>
      %broadcast_in_dim3A_473 = arith.constant 0 : i32
      %broadcast_in_dim3A_474 = vector.broadcast %broadcast_in_dim3A_473 : i32 to vector<16xi32>
      %gather3A_475 = tpu.vector_load_idx %arg5[%get3A_468, %broadcast_in_dim3A_474, %add3A_472] : memref<64x8x128xf32, #tpu.memory_space<vmem>>[vector<16xi32>, vector<16xi32>, vector<16xi32>], vector<16xf32>,
      %swap3A_476 = arith.constant 0 : i32
      %swap3A_477 = arith.index_cast %swap3A_476 : i32 to index
      %swap3A_478 = arith.constant 96 : index
      %swap3A_479 = tpu.vector_load %arg7[%swap3A_477, %swap3A_478] {strides = array<i32>} : memref<8x128xf32, #tpu.memory_space<vmem>>, vector<16xf32>,
      tpu.vector_store %arg7[%swap3A_477, %swap3A_478], %gather3A_475 {strides = array<i32>} : memref<8x128xf32, #tpu.memory_space<vmem>>, vector<16xf32>,
      %broadcast_in_dim3A_480 = arith.constant 1 : i32
      %broadcast_in_dim3A_481 = vector.broadcast %broadcast_in_dim3A_480 : i32 to vector<16xi32>
      %gather3A_482 = tpu.vector_load_idx %arg5[%get3A_468, %broadcast_in_dim3A_481, %add3A_472] : memref<64x8x128xf32, #tpu.memory_space<vmem>>[vector<16xi32>, vector<16xi32>, vector<16xi32>], vector<16xf32>,
      %swap3A_483 = arith.constant 1 : i32
      %swap3A_484 = arith.index_cast %swap3A_483 : i32 to index
      %swap3A_485 = arith.constant 96 : index
      %swap3A_486 = tpu.vector_load %arg7[%swap3A_484, %swap3A_485] {strides = array<i32>} : memref<8x128xf32, #tpu.memory_space<vmem>>, vector<16xf32>,
      tpu.vector_store %arg7[%swap3A_484, %swap3A_485], %gather3A_482 {strides = array<i32>} : memref<8x128xf32, #tpu.memory_space<vmem>>, vector<16xf32>,
      %broadcast_in_dim3A_487 = arith.constant 2 : i32
      %broadcast_in_dim3A_488 = vector.broadcast %broadcast_in_dim3A_487 : i32 to vector<16xi32>
      %gather3A_489 = tpu.vector_load_idx %arg5[%get3A_468, %broadcast_in_dim3A_488, %add3A_472] : memref<64x8x128xf32, #tpu.memory_space<vmem>>[vector<16xi32>, vector<16xi32>, vector<16xi32>], vector<16xf32>,
      %swap3A_490 = arith.constant 2 : i32
      %swap3A_491 = arith.index_cast %swap3A_490 : i32 to index
      %swap3A_492 = arith.constant 96 : index
      %swap3A_493 = tpu.vector_load %arg7[%swap3A_491, %swap3A_492] {strides = array<i32>} : memref<8x128xf32, #tpu.memory_space<vmem>>, vector<16xf32>,
      tpu.vector_store %arg7[%swap3A_491, %swap3A_492], %gather3A_489 {strides = array<i32>} : memref<8x128xf32, #tpu.memory_space<vmem>>, vector<16xf32>,
      %broadcast_in_dim3A_494 = arith.constant 3 : i32
      %broadcast_in_dim3A_495 = vector.broadcast %broadcast_in_dim3A_494 : i32 to vector<16xi32>
      %gather3A_496 = tpu.vector_load_idx %arg5[%get3A_468, %broadcast_in_dim3A_495, %add3A_472] : memref<64x8x128xf32, #tpu.memory_space<vmem>>[vector<16xi32>, vector<16xi32>, vector<16xi32>], vector<16xf32>,
      %swap3A_497 = arith.constant 3 : i32
      %swap3A_498 = arith.index_cast %swap3A_497 : i32 to index
      %swap3A_499 = arith.constant 96 : index
      %swap3A_500 = tpu.vector_load %arg7[%swap3A_498, %swap3A_499] {strides = array<i32>} : memref<8x128xf32, #tpu.memory_space<vmem>>, vector<16xf32>,
      tpu.vector_store %arg7[%swap3A_498, %swap3A_499], %gather3A_496 {strides = array<i32>} : memref<8x128xf32, #tpu.memory_space<vmem>>, vector<16xf32>,
      %broadcast_in_dim3A_501 = arith.constant 4 : i32
      %broadcast_in_dim3A_502 = vector.broadcast %broadcast_in_dim3A_501 : i32 to vector<16xi32>
      %gather3A_503 = tpu.vector_load_idx %arg5[%get3A_468, %broadcast_in_dim3A_502, %add3A_472] : memref<64x8x128xf32, #tpu.memory_space<vmem>>[vector<16xi32>, vector<16xi32>, vector<16xi32>], vector<16xf32>,
      %swap3A_504 = arith.constant 4 : i32
      %swap3A_505 = arith.index_cast %swap3A_504 : i32 to index
      %swap3A_506 = arith.constant 96 : index
      %swap3A_507 = tpu.vector_load %arg7[%swap3A_505, %swap3A_506] {strides = array<i32>} : memref<8x128xf32, #tpu.memory_space<vmem>>, vector<16xf32>,
      tpu.vector_store %arg7[%swap3A_505, %swap3A_506], %gather3A_503 {strides = array<i32>} : memref<8x128xf32, #tpu.memory_space<vmem>>, vector<16xf32>,
      %broadcast_in_dim3A_508 = arith.constant 5 : i32
      %broadcast_in_dim3A_509 = vector.broadcast %broadcast_in_dim3A_508 : i32 to vector<16xi32>
      %gather3A_510 = tpu.vector_load_idx %arg5[%get3A_468, %broadcast_in_dim3A_509, %add3A_472] : memref<64x8x128xf32, #tpu.memory_space<vmem>>[vector<16xi32>, vector<16xi32>, vector<16xi32>], vector<16xf32>,
      %swap3A_511 = arith.constant 5 : i32
      %swap3A_512 = arith.index_cast %swap3A_511 : i32 to index
      %swap3A_513 = arith.constant 96 : index
      %swap3A_514 = tpu.vector_load %arg7[%swap3A_512, %swap3A_513] {strides = array<i32>} : memref<8x128xf32, #tpu.memory_space<vmem>>, vector<16xf32>,
      tpu.vector_store %arg7[%swap3A_512, %swap3A_513], %gather3A_510 {strides = array<i32>} : memref<8x128xf32, #tpu.memory_space<vmem>>, vector<16xf32>,
      %broadcast_in_dim3A_515 = arith.constant 6 : i32
      %broadcast_in_dim3A_516 = vector.broadcast %broadcast_in_dim3A_515 : i32 to vector<16xi32>
      %gather3A_517 = tpu.vector_load_idx %arg5[%get3A_468, %broadcast_in_dim3A_516, %add3A_472] : memref<64x8x128xf32, #tpu.memory_space<vmem>>[vector<16xi32>, vector<16xi32>, vector<16xi32>], vector<16xf32>,
      %swap3A_518 = arith.constant 6 : i32
      %swap3A_519 = arith.index_cast %swap3A_518 : i32 to index
      %swap3A_520 = arith.constant 96 : index
      %swap3A_521 = tpu.vector_load %arg7[%swap3A_519, %swap3A_520] {strides = array<i32>} : memref<8x128xf32, #tpu.memory_space<vmem>>, vector<16xf32>,
      tpu.vector_store %arg7[%swap3A_519, %swap3A_520], %gather3A_517 {strides = array<i32>} : memref<8x128xf32, #tpu.memory_space<vmem>>, vector<16xf32>,
      %broadcast_in_dim3A_522 = arith.constant 7 : i32
      %broadcast_in_dim3A_523 = vector.broadcast %broadcast_in_dim3A_522 : i32 to vector<16xi32>
      %gather3A_524 = tpu.vector_load_idx %arg5[%get3A_468, %broadcast_in_dim3A_523, %add3A_472] : memref<64x8x128xf32, #tpu.memory_space<vmem>>[vector<16xi32>, vector<16xi32>, vector<16xi32>], vector<16xf32>,
      %swap3A_525 = arith.constant 7 : i32
      %swap3A_526 = arith.index_cast %swap3A_525 : i32 to index
      %swap3A_527 = arith.constant 96 : index
      %swap3A_528 = tpu.vector_load %arg7[%swap3A_526, %swap3A_527] {strides = array<i32>} : memref<8x128xf32, #tpu.memory_space<vmem>>, vector<16xf32>,
      tpu.vector_store %arg7[%swap3A_526, %swap3A_527], %gather3A_524 {strides = array<i32>} : memref<8x128xf32, #tpu.memory_space<vmem>>, vector<16xf32>,
      %get3A_529 = arith.constant 0 : i32
      %get3A_530 = arith.index_cast %get3A_529 : i32 to index
      %get3A_531 = arith.constant 112 : index
      %get3A_532 = tpu.vector_load %arg6[%get3A_530, %get3A_531] {strides = array<i32>} : memref<1x128xi32, #tpu.memory_space<vmem>>, vector<16xi32>,
      %iota3A_533 = tpu.iota {dimensions = array<i32: 0>} : vector<16xi32>
      %add3A_534 = arith.constant 112 : i32
      %add3A_535 = vector.broadcast %add3A_534 : i32 to vector<16xi32>
      %add3A_536 = arith.addi %iota3A_533, %add3A_535 : vector<16xi32>
      %broadcast_in_dim3A_537 = arith.constant 0 : i32
      %broadcast_in_dim3A_538 = vector.broadcast %broadcast_in_dim3A_537 : i32 to vector<16xi32>
      %gather3A_539 = tpu.vector_load_idx %arg5[%get3A_532, %broadcast_in_dim3A_538, %add3A_536] : memref<64x8x128xf32, #tpu.memory_space<vmem>>[vector<16xi32>, vector<16xi32>, vector<16xi32>], vector<16xf32>,
      %swap3A_540 = arith.constant 0 : i32
      %swap3A_541 = arith.index_cast %swap3A_540 : i32 to index
      %swap3A_542 = arith.constant 112 : index
      %swap3A_543 = tpu.vector_load %arg7[%swap3A_541, %swap3A_542] {strides = array<i32>} : memref<8x128xf32, #tpu.memory_space<vmem>>, vector<16xf32>,
      tpu.vector_store %arg7[%swap3A_541, %swap3A_542], %gather3A_539 {strides = array<i32>} : memref<8x128xf32, #tpu.memory_space<vmem>>, vector<16xf32>,
      %broadcast_in_dim3A_544 = arith.constant 1 : i32
      %broadcast_in_dim3A_545 = vector.broadcast %broadcast_in_dim3A_544 : i32 to vector<16xi32>
      %gather3A_546 = tpu.vector_load_idx %arg5[%get3A_532, %broadcast_in_dim3A_545, %add3A_536] : memref<64x8x128xf32, #tpu.memory_space<vmem>>[vector<16xi32>, vector<16xi32>, vector<16xi32>], vector<16xf32>,
      %swap3A_547 = arith.constant 1 : i32
      %swap3A_548 = arith.index_cast %swap3A_547 : i32 to index
      %swap3A_549 = arith.constant 112 : index
      %swap3A_550 = tpu.vector_load %arg7[%swap3A_548, %swap3A_549] {strides = array<i32>} : memref<8x128xf32, #tpu.memory_space<vmem>>, vector<16xf32>,
      tpu.vector_store %arg7[%swap3A_548, %swap3A_549], %gather3A_546 {strides = array<i32>} : memref<8x128xf32, #tpu.memory_space<vmem>>, vector<16xf32>,
      %broadcast_in_dim3A_551 = arith.constant 2 : i32
      %broadcast_in_dim3A_552 = vector.broadcast %broadcast_in_dim3A_551 : i32 to vector<16xi32>
      %gather3A_553 = tpu.vector_load_idx %arg5[%get3A_532, %broadcast_in_dim3A_552, %add3A_536] : memref<64x8x128xf32, #tpu.memory_space<vmem>>[vector<16xi32>, vector<16xi32>, vector<16xi32>], vector<16xf32>,
      %swap3A_554 = arith.constant 2 : i32
      %swap3A_555 = arith.index_cast %swap3A_554 : i32 to index
      %swap3A_556 = arith.constant 112 : index
      %swap3A_557 = tpu.vector_load %arg7[%swap3A_555, %swap3A_556] {strides = array<i32>} : memref<8x128xf32, #tpu.memory_space<vmem>>, vector<16xf32>,
      tpu.vector_store %arg7[%swap3A_555, %swap3A_556], %gather3A_553 {strides = array<i32>} : memref<8x128xf32, #tpu.memory_space<vmem>>, vector<16xf32>,
      %broadcast_in_dim3A_558 = arith.constant 3 : i32
      %broadcast_in_dim3A_559 = vector.broadcast %broadcast_in_dim3A_558 : i32 to vector<16xi32>
      %gather3A_560 = tpu.vector_load_idx %arg5[%get3A_532, %broadcast_in_dim3A_559, %add3A_536] : memref<64x8x128xf32, #tpu.memory_space<vmem>>[vector<16xi32>, vector<16xi32>, vector<16xi32>], vector<16xf32>,
      %swap3A_561 = arith.constant 3 : i32
      %swap3A_562 = arith.index_cast %swap3A_561 : i32 to index
      %swap3A_563 = arith.constant 112 : index
      %swap3A_564 = tpu.vector_load %arg7[%swap3A_562, %swap3A_563] {strides = array<i32>} : memref<8x128xf32, #tpu.memory_space<vmem>>, vector<16xf32>,
      tpu.vector_store %arg7[%swap3A_562, %swap3A_563], %gather3A_560 {strides = array<i32>} : memref<8x128xf32, #tpu.memory_space<vmem>>, vector<16xf32>,
      %broadcast_in_dim3A_565 = arith.constant 4 : i32
      %broadcast_in_dim3A_566 = vector.broadcast %broadcast_in_dim3A_565 : i32 to vector<16xi32>
      %gather3A_567 = tpu.vector_load_idx %arg5[%get3A_532, %broadcast_in_dim3A_566, %add3A_536] : memref<64x8x128xf32, #tpu.memory_space<vmem>>[vector<16xi32>, vector<16xi32>, vector<16xi32>], vector<16xf32>,
      %swap3A_568 = arith.constant 4 : i32
      %swap3A_569 = arith.index_cast %swap3A_568 : i32 to index
      %swap3A_570 = arith.constant 112 : index
      %swap3A_571 = tpu.vector_load %arg7[%swap3A_569, %swap3A_570] {strides = array<i32>} : memref<8x128xf32, #tpu.memory_space<vmem>>, vector<16xf32>,
      tpu.vector_store %arg7[%swap3A_569, %swap3A_570], %gather3A_567 {strides = array<i32>} : memref<8x128xf32, #tpu.memory_space<vmem>>, vector<16xf32>,
      %broadcast_in_dim3A_572 = arith.constant 5 : i32
      %broadcast_in_dim3A_573 = vector.broadcast %broadcast_in_dim3A_572 : i32 to vector<16xi32>
      %gather3A_574 = tpu.vector_load_idx %arg5[%get3A_532, %broadcast_in_dim3A_573, %add3A_536] : memref<64x8x128xf32, #tpu.memory_space<vmem>>[vector<16xi32>, vector<16xi32>, vector<16xi32>], vector<16xf32>,
      %swap3A_575 = arith.constant 5 : i32
      %swap3A_576 = arith.index_cast %swap3A_575 : i32 to index
      %swap3A_577 = arith.constant 112 : index
      %swap3A_578 = tpu.vector_load %arg7[%swap3A_576, %swap3A_577] {strides = array<i32>} : memref<8x128xf32, #tpu.memory_space<vmem>>, vector<16xf32>,
      tpu.vector_store %arg7[%swap3A_576, %swap3A_577], %gather3A_574 {strides = array<i32>} : memref<8x128xf32, #tpu.memory_space<vmem>>, vector<16xf32>,
      %broadcast_in_dim3A_579 = arith.constant 6 : i32
      %broadcast_in_dim3A_580 = vector.broadcast %broadcast_in_dim3A_579 : i32 to vector<16xi32>
      %gather3A_581 = tpu.vector_load_idx %arg5[%get3A_532, %broadcast_in_dim3A_580, %add3A_536] : memref<64x8x128xf32, #tpu.memory_space<vmem>>[vector<16xi32>, vector<16xi32>, vector<16xi32>], vector<16xf32>,
      %swap3A_582 = arith.constant 6 : i32
      %swap3A_583 = arith.index_cast %swap3A_582 : i32 to index
      %swap3A_584 = arith.constant 112 : index
      %swap3A_585 = tpu.vector_load %arg7[%swap3A_583, %swap3A_584] {strides = array<i32>} : memref<8x128xf32, #tpu.memory_space<vmem>>, vector<16xf32>,
      tpu.vector_store %arg7[%swap3A_583, %swap3A_584], %gather3A_581 {strides = array<i32>} : memref<8x128xf32, #tpu.memory_space<vmem>>, vector<16xf32>,
      %broadcast_in_dim3A_586 = arith.constant 7 : i32
      %broadcast_in_dim3A_587 = vector.broadcast %broadcast_in_dim3A_586 : i32 to vector<16xi32>
      %gather3A_588 = tpu.vector_load_idx %arg5[%get3A_532, %broadcast_in_dim3A_587, %add3A_536] : memref<64x8x128xf32, #tpu.memory_space<vmem>>[vector<16xi32>, vector<16xi32>, vector<16xi32>], vector<16xf32>,
      %swap3A_589 = arith.constant 7 : i32
      %swap3A_590 = arith.index_cast %swap3A_589 : i32 to index
      %swap3A_591 = arith.constant 112 : index
      %swap3A_592 = tpu.vector_load %arg7[%swap3A_590, %swap3A_591] {strides = array<i32>} : memref<8x128xf32, #tpu.memory_space<vmem>>, vector<16xf32>,
      tpu.vector_store %arg7[%swap3A_590, %swap3A_591], %gather3A_588 {strides = array<i32>} : memref<8x128xf32, #tpu.memory_space<vmem>>, vector<16xf32>,
      %mul3A_593 = arith.constant 8 : i32
      %mul3A_594 = arith.muli %select_n3A_63, %mul3A_593 : i32
      %mul3A_595 = arith.constant 128 : i32
      %mul3A_596 = arith.muli %select_n3A_79, %mul3A_595 : i32
      "tpu.region"() ({
        %run_scoped3A = tpu.sem_alloc : memref<!tpu.dma_semaphore, #tpu.memory_space<semaphore_mem>>
        %dma_start3A = tpu.memref_slice %arg4[%select_n3A, %mul3A_594, %mul3A_596] : memref<13x32x1024xf32, #tpu.memory_space<hbm>> -> memref<1x8x128xf32, #tpu.memory_space<hbm>>
        %dma_start3A_597 = tpu.memref_squeeze %dma_start3A : memref<1x8x128xf32, #tpu.memory_space<hbm>> -> memref<8x128xf32, #tpu.memory_space<hbm>>
        %dma_start3A_598 = tpu.memref_slice %arg4[%select_n3A, %mul3A_594, %mul3A_596] : memref<13x32x1024xf32, #tpu.memory_space<hbm>> -> memref<1x8x128xf32, #tpu.memory_space<hbm>>
        %dma_start3A_599 = tpu.memref_squeeze %dma_start3A_598 : memref<1x8x128xf32, #tpu.memory_space<hbm>> -> memref<8x128xf32, #tpu.memory_space<hbm>>
        tpu.enqueue_dma source(%arg7 : memref<8x128xf32, #tpu.memory_space<vmem>>) target(%dma_start3A_599 : memref<8x128xf32, #tpu.memory_space<hbm>>) target_semaphore(%run_scoped3A : memref<!tpu.dma_semaphore, #tpu.memory_space<semaphore_mem>>)
        %dma_wait3A = tpu.memref_slice %arg4[%select_n3A, %mul3A_594, %mul3A_596] : memref<13x32x1024xf32, #tpu.memory_space<hbm>> -> memref<1x8x128xf32, #tpu.memory_space<hbm>>
        %dma_wait3A_600 = tpu.memref_squeeze %dma_wait3A : memref<1x8x128xf32, #tpu.memory_space<hbm>> -> memref<8x128xf32, #tpu.memory_space<hbm>>
        %dma_wait3A_601 = tpu.memref_slice %arg4[%select_n3A, %mul3A_594, %mul3A_596] : memref<13x32x1024xf32, #tpu.memory_space<hbm>> -> memref<1x8x128xf32, #tpu.memory_space<hbm>>
        %dma_wait3A_602 = tpu.memref_squeeze %dma_wait3A_601 : memref<1x8x128xf32, #tpu.memory_space<hbm>> -> memref<8x128xf32, #tpu.memory_space<hbm>>
        tpu.wait_dma2 semaphore(%run_scoped3A : memref<!tpu.dma_semaphore, #tpu.memory_space<semaphore_mem>>) src(%arg7 : memref<8x128xf32, #tpu.memory_space<vmem>>) dst(%dma_wait3A_602 : memref<8x128xf32, #tpu.memory_space<hbm>>)
        tpu.yield
      }) : () -> ()
    }
    %scan3A_5 = arith.constant 13 : i32
    return
  }
}

module attributes {stable_mosaic.version = 14 : i64} {
  func.func @_sample_body(%arg0: i32, %arg1: memref<1x2xi32, #tpu.memory_space<vmem>>, %arg2: memref<1024x128xf32, #tpu.memory_space<vmem>>, %arg3: memref<1024x2xi32, #tpu.memory_space<vmem>>) attributes {dimension_semantics = [#tpu.dimension_semantics<arbitrary>], iteration_bounds = array<i64: 8>, scalar_prefetch = 0 : i64, scratch_operands = 0 : i64, tpu.core_type = #tpu.core_type<tc>, window_params = [{pipeline_mode = #tpu.pipeline_mode<synchronous>, transform_indices = @transform_0, window_bounds = array<i64: 1, 2>}, {pipeline_mode = #tpu.pipeline_mode<synchronous>, transform_indices = @transform_1, window_bounds = array<i64: 1024, 128>}, {transform_indices = @transform_2, window_bounds = array<i64: 1024, 2>}]} {
    %get3A = arith.constant 0 : index
    %get3A_0 = arith.constant 0 : index
    %get3A_1 = vector.load %arg1[%get3A, %get3A_0] : memref<1x2xi32, #tpu.memory_space<vmem>>, vector<1x1xi32>
    %get3A_2 = vector.extract %get3A_1[0, 0] : i32 from vector<1x1xi32>
    %get3A_3 = arith.constant 0 : index
    %get3A_4 = arith.constant 1 : index
    %get3A_5 = vector.load %arg1[%get3A_3, %get3A_4] : memref<1x2xi32, #tpu.memory_space<vmem>>, vector<1x1xi32>
    %get3A_6 = vector.extract %get3A_5[0, 0] : i32 from vector<1x1xi32>
    %xor3A = arith.xori %get3A_2, %get3A_6 : i32
    %xor3A_7 = arith.constant 466688986 : i32
    %xor3A_8 = arith.xori %xor3A, %xor3A_7 : i32
    %mul3A = arith.constant 131072 : i32
    %mul3A_9 = arith.muli %arg0, %mul3A : i32
    %iota3A = tpu.iota {dimensions = array<i32: 0>} : vector<1024x128xi32>
    %iota3A_10 = tpu.iota {dimensions = array<i32: 1>} : vector<1024x128xi32>
    %mul3A_11 = arith.constant 128 : i32
    %mul3A_12 = vector.broadcast %mul3A_11 : i32 to vector<1024x128xi32>
    %mul3A_13 = arith.muli %iota3A, %mul3A_12 : vector<1024x128xi32>
    %add3A = vector.broadcast %mul3A_9 : i32 to vector<1024x128xi32>
    %add3A_14 = arith.addi %add3A, %mul3A_13 : vector<1024x128xi32>
    %add3A_15 = arith.addi %add3A_14, %iota3A_10 : vector<1024x128xi32>
    %broadcast_in_dim3A = arith.constant 0 : i32
    %broadcast_in_dim3A_16 = vector.broadcast %broadcast_in_dim3A : i32 to vector<1024x128xi32>
    %add3A_17 = vector.broadcast %get3A_2 : i32 to vector<1024x128xi32>
    %add3A_18 = arith.addi %broadcast_in_dim3A_16, %add3A_17 : vector<1024x128xi32>
    %add3A_19 = vector.broadcast %get3A_6 : i32 to vector<1024x128xi32>
    %add3A_20 = arith.addi %add3A_15, %add3A_19 : vector<1024x128xi32>
    %add3A_21 = arith.addi %add3A_18, %add3A_20 : vector<1024x128xi32>
    %shift_left3A = arith.constant 13 : i32
    %shift_left3A_22 = vector.broadcast %shift_left3A : i32 to vector<1024x128xi32>
    %shift_left3A_23 = arith.shli %add3A_20, %shift_left3A_22 : vector<1024x128xi32>
    %shift_right_logical3A = arith.constant 19 : i32
    %shift_right_logical3A_24 = vector.broadcast %shift_right_logical3A : i32 to vector<1024x128xi32>
    %shift_right_logical3A_25 = arith.shrui %add3A_20, %shift_right_logical3A_24 : vector<1024x128xi32>
    %or3A = arith.ori %shift_left3A_23, %shift_right_logical3A_25 : vector<1024x128xi32>
    %xor3A_26 = arith.xori %add3A_21, %or3A : vector<1024x128xi32>
    %add3A_27 = arith.addi %add3A_21, %xor3A_26 : vector<1024x128xi32>
    %shift_left3A_28 = arith.constant 15 : i32
    %shift_left3A_29 = vector.broadcast %shift_left3A_28 : i32 to vector<1024x128xi32>
    %shift_left3A_30 = arith.shli %xor3A_26, %shift_left3A_29 : vector<1024x128xi32>
    %shift_right_logical3A_31 = arith.constant 17 : i32
    %shift_right_logical3A_32 = vector.broadcast %shift_right_logical3A_31 : i32 to vector<1024x128xi32>
    %shift_right_logical3A_33 = arith.shrui %xor3A_26, %shift_right_logical3A_32 : vector<1024x128xi32>
    %or3A_34 = arith.ori %shift_left3A_30, %shift_right_logical3A_33 : vector<1024x128xi32>
    %xor3A_35 = arith.xori %add3A_27, %or3A_34 : vector<1024x128xi32>
    %add3A_36 = arith.addi %add3A_27, %xor3A_35 : vector<1024x128xi32>
    %shift_left3A_37 = arith.constant 26 : i32
    %shift_left3A_38 = vector.broadcast %shift_left3A_37 : i32 to vector<1024x128xi32>
    %shift_left3A_39 = arith.shli %xor3A_35, %shift_left3A_38 : vector<1024x128xi32>
    %shift_right_logical3A_40 = arith.constant 6 : i32
    %shift_right_logical3A_41 = vector.broadcast %shift_right_logical3A_40 : i32 to vector<1024x128xi32>
    %shift_right_logical3A_42 = arith.shrui %xor3A_35, %shift_right_logical3A_41 : vector<1024x128xi32>
    %or3A_43 = arith.ori %shift_left3A_39, %shift_right_logical3A_42 : vector<1024x128xi32>
    %xor3A_44 = arith.xori %add3A_36, %or3A_43 : vector<1024x128xi32>
    %add3A_45 = arith.addi %add3A_36, %xor3A_44 : vector<1024x128xi32>
    %shift_left3A_46 = arith.constant 6 : i32
    %shift_left3A_47 = vector.broadcast %shift_left3A_46 : i32 to vector<1024x128xi32>
    %shift_left3A_48 = arith.shli %xor3A_44, %shift_left3A_47 : vector<1024x128xi32>
    %shift_right_logical3A_49 = arith.constant 26 : i32
    %shift_right_logical3A_50 = vector.broadcast %shift_right_logical3A_49 : i32 to vector<1024x128xi32>
    %shift_right_logical3A_51 = arith.shrui %xor3A_44, %shift_right_logical3A_50 : vector<1024x128xi32>
    %or3A_52 = arith.ori %shift_left3A_48, %shift_right_logical3A_51 : vector<1024x128xi32>
    %xor3A_53 = arith.xori %add3A_45, %or3A_52 : vector<1024x128xi32>
    %add3A_54 = vector.broadcast %get3A_6 : i32 to vector<1024x128xi32>
    %add3A_55 = arith.addi %add3A_45, %add3A_54 : vector<1024x128xi32>
    %add3A_56 = vector.broadcast %xor3A_8 : i32 to vector<1024x128xi32>
    %add3A_57 = arith.addi %xor3A_53, %add3A_56 : vector<1024x128xi32>
    %add3A_58 = arith.constant 1 : i32
    %add3A_59 = vector.broadcast %add3A_58 : i32 to vector<1024x128xi32>
    %add3A_60 = arith.addi %add3A_57, %add3A_59 : vector<1024x128xi32>
    %add3A_61 = arith.addi %add3A_55, %add3A_60 : vector<1024x128xi32>
    %shift_left3A_62 = arith.constant 17 : i32
    %shift_left3A_63 = vector.broadcast %shift_left3A_62 : i32 to vector<1024x128xi32>
    %shift_left3A_64 = arith.shli %add3A_60, %shift_left3A_63 : vector<1024x128xi32>
    %shift_right_logical3A_65 = arith.constant 15 : i32
    %shift_right_logical3A_66 = vector.broadcast %shift_right_logical3A_65 : i32 to vector<1024x128xi32>
    %shift_right_logical3A_67 = arith.shrui %add3A_60, %shift_right_logical3A_66 : vector<1024x128xi32>
    %or3A_68 = arith.ori %shift_left3A_64, %shift_right_logical3A_67 : vector<1024x128xi32>
    %xor3A_69 = arith.xori %add3A_61, %or3A_68 : vector<1024x128xi32>
    %add3A_70 = arith.addi %add3A_61, %xor3A_69 : vector<1024x128xi32>
    %shift_left3A_71 = arith.constant 29 : i32
    %shift_left3A_72 = vector.broadcast %shift_left3A_71 : i32 to vector<1024x128xi32>
    %shift_left3A_73 = arith.shli %xor3A_69, %shift_left3A_72 : vector<1024x128xi32>
    %shift_right_logical3A_74 = arith.constant 3 : i32
    %shift_right_logical3A_75 = vector.broadcast %shift_right_logical3A_74 : i32 to vector<1024x128xi32>
    %shift_right_logical3A_76 = arith.shrui %xor3A_69, %shift_right_logical3A_75 : vector<1024x128xi32>
    %or3A_77 = arith.ori %shift_left3A_73, %shift_right_logical3A_76 : vector<1024x128xi32>
    %xor3A_78 = arith.xori %add3A_70, %or3A_77 : vector<1024x128xi32>
    %add3A_79 = arith.addi %add3A_70, %xor3A_78 : vector<1024x128xi32>
    %shift_left3A_80 = arith.constant 16 : i32
    %shift_left3A_81 = vector.broadcast %shift_left3A_80 : i32 to vector<1024x128xi32>
    %shift_left3A_82 = arith.shli %xor3A_78, %shift_left3A_81 : vector<1024x128xi32>
    %shift_right_logical3A_83 = arith.constant 16 : i32
    %shift_right_logical3A_84 = vector.broadcast %shift_right_logical3A_83 : i32 to vector<1024x128xi32>
    %shift_right_logical3A_85 = arith.shrui %xor3A_78, %shift_right_logical3A_84 : vector<1024x128xi32>
    %or3A_86 = arith.ori %shift_left3A_82, %shift_right_logical3A_85 : vector<1024x128xi32>
    %xor3A_87 = arith.xori %add3A_79, %or3A_86 : vector<1024x128xi32>
    %add3A_88 = arith.addi %add3A_79, %xor3A_87 : vector<1024x128xi32>
    %shift_left3A_89 = arith.constant 24 : i32
    %shift_left3A_90 = vector.broadcast %shift_left3A_89 : i32 to vector<1024x128xi32>
    %shift_left3A_91 = arith.shli %xor3A_87, %shift_left3A_90 : vector<1024x128xi32>
    %shift_right_logical3A_92 = arith.constant 8 : i32
    %shift_right_logical3A_93 = vector.broadcast %shift_right_logical3A_92 : i32 to vector<1024x128xi32>
    %shift_right_logical3A_94 = arith.shrui %xor3A_87, %shift_right_logical3A_93 : vector<1024x128xi32>
    %or3A_95 = arith.ori %shift_left3A_91, %shift_right_logical3A_94 : vector<1024x128xi32>
    %xor3A_96 = arith.xori %add3A_88, %or3A_95 : vector<1024x128xi32>
    %add3A_97 = vector.broadcast %xor3A_8 : i32 to vector<1024x128xi32>
    %add3A_98 = arith.addi %add3A_88, %add3A_97 : vector<1024x128xi32>
    %add3A_99 = vector.broadcast %get3A_2 : i32 to vector<1024x128xi32>
    %add3A_100 = arith.addi %xor3A_96, %add3A_99 : vector<1024x128xi32>
    %add3A_101 = arith.constant 2 : i32
    %add3A_102 = vector.broadcast %add3A_101 : i32 to vector<1024x128xi32>
    %add3A_103 = arith.addi %add3A_100, %add3A_102 : vector<1024x128xi32>
    %add3A_104 = arith.addi %add3A_98, %add3A_103 : vector<1024x128xi32>
    %shift_left3A_105 = arith.constant 13 : i32
    %shift_left3A_106 = vector.broadcast %shift_left3A_105 : i32 to vector<1024x128xi32>
    %shift_left3A_107 = arith.shli %add3A_103, %shift_left3A_106 : vector<1024x128xi32>
    %shift_right_logical3A_108 = arith.constant 19 : i32
    %shift_right_logical3A_109 = vector.broadcast %shift_right_logical3A_108 : i32 to vector<1024x128xi32>
    %shift_right_logical3A_110 = arith.shrui %add3A_103, %shift_right_logical3A_109 : vector<1024x128xi32>
    %or3A_111 = arith.ori %shift_left3A_107, %shift_right_logical3A_110 : vector<1024x128xi32>
    %xor3A_112 = arith.xori %add3A_104, %or3A_111 : vector<1024x128xi32>
    %add3A_113 = arith.addi %add3A_104, %xor3A_112 : vector<1024x128xi32>
    %shift_left3A_114 = arith.constant 15 : i32
    %shift_left3A_115 = vector.broadcast %shift_left3A_114 : i32 to vector<1024x128xi32>
    %shift_left3A_116 = arith.shli %xor3A_112, %shift_left3A_115 : vector<1024x128xi32>
    %shift_right_logical3A_117 = arith.constant 17 : i32
    %shift_right_logical3A_118 = vector.broadcast %shift_right_logical3A_117 : i32 to vector<1024x128xi32>
    %shift_right_logical3A_119 = arith.shrui %xor3A_112, %shift_right_logical3A_118 : vector<1024x128xi32>
    %or3A_120 = arith.ori %shift_left3A_116, %shift_right_logical3A_119 : vector<1024x128xi32>
    %xor3A_121 = arith.xori %add3A_113, %or3A_120 : vector<1024x128xi32>
    %add3A_122 = arith.addi %add3A_113, %xor3A_121 : vector<1024x128xi32>
    %shift_left3A_123 = arith.constant 26 : i32
    %shift_left3A_124 = vector.broadcast %shift_left3A_123 : i32 to vector<1024x128xi32>
    %shift_left3A_125 = arith.shli %xor3A_121, %shift_left3A_124 : vector<1024x128xi32>
    %shift_right_logical3A_126 = arith.constant 6 : i32
    %shift_right_logical3A_127 = vector.broadcast %shift_right_logical3A_126 : i32 to vector<1024x128xi32>
    %shift_right_logical3A_128 = arith.shrui %xor3A_121, %shift_right_logical3A_127 : vector<1024x128xi32>
    %or3A_129 = arith.ori %shift_left3A_125, %shift_right_logical3A_128 : vector<1024x128xi32>
    %xor3A_130 = arith.xori %add3A_122, %or3A_129 : vector<1024x128xi32>
    %add3A_131 = arith.addi %add3A_122, %xor3A_130 : vector<1024x128xi32>
    %shift_left3A_132 = arith.constant 6 : i32
    %shift_left3A_133 = vector.broadcast %shift_left3A_132 : i32 to vector<1024x128xi32>
    %shift_left3A_134 = arith.shli %xor3A_130, %shift_left3A_133 : vector<1024x128xi32>
    %shift_right_logical3A_135 = arith.constant 26 : i32
    %shift_right_logical3A_136 = vector.broadcast %shift_right_logical3A_135 : i32 to vector<1024x128xi32>
    %shift_right_logical3A_137 = arith.shrui %xor3A_130, %shift_right_logical3A_136 : vector<1024x128xi32>
    %or3A_138 = arith.ori %shift_left3A_134, %shift_right_logical3A_137 : vector<1024x128xi32>
    %xor3A_139 = arith.xori %add3A_131, %or3A_138 : vector<1024x128xi32>
    %add3A_140 = vector.broadcast %get3A_2 : i32 to vector<1024x128xi32>
    %add3A_141 = arith.addi %add3A_131, %add3A_140 : vector<1024x128xi32>
    %add3A_142 = vector.broadcast %get3A_6 : i32 to vector<1024x128xi32>
    %add3A_143 = arith.addi %xor3A_139, %add3A_142 : vector<1024x128xi32>
    %add3A_144 = arith.constant 3 : i32
    %add3A_145 = vector.broadcast %add3A_144 : i32 to vector<1024x128xi32>
    %add3A_146 = arith.addi %add3A_143, %add3A_145 : vector<1024x128xi32>
    %add3A_147 = arith.addi %add3A_141, %add3A_146 : vector<1024x128xi32>
    %shift_left3A_148 = arith.constant 17 : i32
    %shift_left3A_149 = vector.broadcast %shift_left3A_148 : i32 to vector<1024x128xi32>
    %shift_left3A_150 = arith.shli %add3A_146, %shift_left3A_149 : vector<1024x128xi32>
    %shift_right_logical3A_151 = arith.constant 15 : i32
    %shift_right_logical3A_152 = vector.broadcast %shift_right_logical3A_151 : i32 to vector<1024x128xi32>
    %shift_right_logical3A_153 = arith.shrui %add3A_146, %shift_right_logical3A_152 : vector<1024x128xi32>
    %or3A_154 = arith.ori %shift_left3A_150, %shift_right_logical3A_153 : vector<1024x128xi32>
    %xor3A_155 = arith.xori %add3A_147, %or3A_154 : vector<1024x128xi32>
    %add3A_156 = arith.addi %add3A_147, %xor3A_155 : vector<1024x128xi32>
    %shift_left3A_157 = arith.constant 29 : i32
    %shift_left3A_158 = vector.broadcast %shift_left3A_157 : i32 to vector<1024x128xi32>
    %shift_left3A_159 = arith.shli %xor3A_155, %shift_left3A_158 : vector<1024x128xi32>
    %shift_right_logical3A_160 = arith.constant 3 : i32
    %shift_right_logical3A_161 = vector.broadcast %shift_right_logical3A_160 : i32 to vector<1024x128xi32>
    %shift_right_logical3A_162 = arith.shrui %xor3A_155, %shift_right_logical3A_161 : vector<1024x128xi32>
    %or3A_163 = arith.ori %shift_left3A_159, %shift_right_logical3A_162 : vector<1024x128xi32>
    %xor3A_164 = arith.xori %add3A_156, %or3A_163 : vector<1024x128xi32>
    %add3A_165 = arith.addi %add3A_156, %xor3A_164 : vector<1024x128xi32>
    %shift_left3A_166 = arith.constant 16 : i32
    %shift_left3A_167 = vector.broadcast %shift_left3A_166 : i32 to vector<1024x128xi32>
    %shift_left3A_168 = arith.shli %xor3A_164, %shift_left3A_167 : vector<1024x128xi32>
    %shift_right_logical3A_169 = arith.constant 16 : i32
    %shift_right_logical3A_170 = vector.broadcast %shift_right_logical3A_169 : i32 to vector<1024x128xi32>
    %shift_right_logical3A_171 = arith.shrui %xor3A_164, %shift_right_logical3A_170 : vector<1024x128xi32>
    %or3A_172 = arith.ori %shift_left3A_168, %shift_right_logical3A_171 : vector<1024x128xi32>
    %xor3A_173 = arith.xori %add3A_165, %or3A_172 : vector<1024x128xi32>
    %add3A_174 = arith.addi %add3A_165, %xor3A_173 : vector<1024x128xi32>
    %shift_left3A_175 = arith.constant 24 : i32
    %shift_left3A_176 = vector.broadcast %shift_left3A_175 : i32 to vector<1024x128xi32>
    %shift_left3A_177 = arith.shli %xor3A_173, %shift_left3A_176 : vector<1024x128xi32>
    %shift_right_logical3A_178 = arith.constant 8 : i32
    %shift_right_logical3A_179 = vector.broadcast %shift_right_logical3A_178 : i32 to vector<1024x128xi32>
    %shift_right_logical3A_180 = arith.shrui %xor3A_173, %shift_right_logical3A_179 : vector<1024x128xi32>
    %or3A_181 = arith.ori %shift_left3A_177, %shift_right_logical3A_180 : vector<1024x128xi32>
    %xor3A_182 = arith.xori %add3A_174, %or3A_181 : vector<1024x128xi32>
    %add3A_183 = vector.broadcast %get3A_6 : i32 to vector<1024x128xi32>
    %add3A_184 = arith.addi %add3A_174, %add3A_183 : vector<1024x128xi32>
    %add3A_185 = vector.broadcast %xor3A_8 : i32 to vector<1024x128xi32>
    %add3A_186 = arith.addi %xor3A_182, %add3A_185 : vector<1024x128xi32>
    %add3A_187 = arith.constant 4 : i32
    %add3A_188 = vector.broadcast %add3A_187 : i32 to vector<1024x128xi32>
    %add3A_189 = arith.addi %add3A_186, %add3A_188 : vector<1024x128xi32>
    %add3A_190 = arith.addi %add3A_184, %add3A_189 : vector<1024x128xi32>
    %shift_left3A_191 = arith.constant 13 : i32
    %shift_left3A_192 = vector.broadcast %shift_left3A_191 : i32 to vector<1024x128xi32>
    %shift_left3A_193 = arith.shli %add3A_189, %shift_left3A_192 : vector<1024x128xi32>
    %shift_right_logical3A_194 = arith.constant 19 : i32
    %shift_right_logical3A_195 = vector.broadcast %shift_right_logical3A_194 : i32 to vector<1024x128xi32>
    %shift_right_logical3A_196 = arith.shrui %add3A_189, %shift_right_logical3A_195 : vector<1024x128xi32>
    %or3A_197 = arith.ori %shift_left3A_193, %shift_right_logical3A_196 : vector<1024x128xi32>
    %xor3A_198 = arith.xori %add3A_190, %or3A_197 : vector<1024x128xi32>
    %add3A_199 = arith.addi %add3A_190, %xor3A_198 : vector<1024x128xi32>
    %shift_left3A_200 = arith.constant 15 : i32
    %shift_left3A_201 = vector.broadcast %shift_left3A_200 : i32 to vector<1024x128xi32>
    %shift_left3A_202 = arith.shli %xor3A_198, %shift_left3A_201 : vector<1024x128xi32>
    %shift_right_logical3A_203 = arith.constant 17 : i32
    %shift_right_logical3A_204 = vector.broadcast %shift_right_logical3A_203 : i32 to vector<1024x128xi32>
    %shift_right_logical3A_205 = arith.shrui %xor3A_198, %shift_right_logical3A_204 : vector<1024x128xi32>
    %or3A_206 = arith.ori %shift_left3A_202, %shift_right_logical3A_205 : vector<1024x128xi32>
    %xor3A_207 = arith.xori %add3A_199, %or3A_206 : vector<1024x128xi32>
    %add3A_208 = arith.addi %add3A_199, %xor3A_207 : vector<1024x128xi32>
    %shift_left3A_209 = arith.constant 26 : i32
    %shift_left3A_210 = vector.broadcast %shift_left3A_209 : i32 to vector<1024x128xi32>
    %shift_left3A_211 = arith.shli %xor3A_207, %shift_left3A_210 : vector<1024x128xi32>
    %shift_right_logical3A_212 = arith.constant 6 : i32
    %shift_right_logical3A_213 = vector.broadcast %shift_right_logical3A_212 : i32 to vector<1024x128xi32>
    %shift_right_logical3A_214 = arith.shrui %xor3A_207, %shift_right_logical3A_213 : vector<1024x128xi32>
    %or3A_215 = arith.ori %shift_left3A_211, %shift_right_logical3A_214 : vector<1024x128xi32>
    %xor3A_216 = arith.xori %add3A_208, %or3A_215 : vector<1024x128xi32>
    %add3A_217 = arith.addi %add3A_208, %xor3A_216 : vector<1024x128xi32>
    %shift_left3A_218 = arith.constant 6 : i32
    %shift_left3A_219 = vector.broadcast %shift_left3A_218 : i32 to vector<1024x128xi32>
    %shift_left3A_220 = arith.shli %xor3A_216, %shift_left3A_219 : vector<1024x128xi32>
    %shift_right_logical3A_221 = arith.constant 26 : i32
    %shift_right_logical3A_222 = vector.broadcast %shift_right_logical3A_221 : i32 to vector<1024x128xi32>
    %shift_right_logical3A_223 = arith.shrui %xor3A_216, %shift_right_logical3A_222 : vector<1024x128xi32>
    %or3A_224 = arith.ori %shift_left3A_220, %shift_right_logical3A_223 : vector<1024x128xi32>
    %xor3A_225 = arith.xori %add3A_217, %or3A_224 : vector<1024x128xi32>
    %add3A_226 = vector.broadcast %xor3A_8 : i32 to vector<1024x128xi32>
    %add3A_227 = arith.addi %add3A_217, %add3A_226 : vector<1024x128xi32>
    %add3A_228 = vector.broadcast %get3A_2 : i32 to vector<1024x128xi32>
    %add3A_229 = arith.addi %xor3A_225, %add3A_228 : vector<1024x128xi32>
    %add3A_230 = arith.constant 5 : i32
    %add3A_231 = vector.broadcast %add3A_230 : i32 to vector<1024x128xi32>
    %add3A_232 = arith.addi %add3A_229, %add3A_231 : vector<1024x128xi32>
    %xor3A_233 = arith.xori %add3A_227, %add3A_232 : vector<1024x128xi32>
    %shift_right_logical3A_234 = arith.constant 9 : i32
    %shift_right_logical3A_235 = vector.broadcast %shift_right_logical3A_234 : i32 to vector<1024x128xi32>
    %shift_right_logical3A_236 = arith.shrui %xor3A_233, %shift_right_logical3A_235 : vector<1024x128xi32>
    %or3A_237 = arith.constant 1065353216 : i32
    %or3A_238 = vector.broadcast %or3A_237 : i32 to vector<1024x128xi32>
    %or3A_239 = arith.ori %shift_right_logical3A_236, %or3A_238 : vector<1024x128xi32>
    %bitcast_convert_type3A = tpu.bitcast %or3A_239 : vector<1024x128xi32> -> vector<1024x128xf32>
    %sub3A = arith.constant 1.000000e+00 : f32
    %sub3A_240 = vector.broadcast %sub3A : f32 to vector<1024x128xf32>
    %sub3A_241 = arith.subf %bitcast_convert_type3A, %sub3A_240 : vector<1024x128xf32>
    %sub3A_242 = arith.constant 1.000000e+00 : f32
    %sub3A_243 = arith.constant 1.17549435E-38 : f32
    %sub3A_244 = arith.subf %sub3A_242, %sub3A_243 : f32
    %mul3A_245 = vector.broadcast %sub3A_244 : f32 to vector<1024x128xf32>
    %mul3A_246 = arith.mulf %sub3A_241, %mul3A_245 : vector<1024x128xf32>
    %add3A_247 = arith.constant 1.17549435E-38 : f32
    %add3A_248 = vector.broadcast %add3A_247 : f32 to vector<1024x128xf32>
    %add3A_249 = arith.addf %mul3A_246, %add3A_248 : vector<1024x128xf32>
    %max3A = arith.constant 1.17549435E-38 : f32
    %max3A_250 = vector.broadcast %max3A : f32 to vector<1024x128xf32>
    %max3A_251 = arith.maximumf %max3A_250, %add3A_249 : vector<1024x128xf32>
    %log3A = math.log %max3A_251 : vector<1024x128xf32>
    %neg3A = arith.constant 0.000000e+00 : f32
    %neg3A_252 = vector.broadcast %neg3A : f32 to vector<1024x128xf32>
    %neg3A_253 = arith.subf %neg3A_252, %log3A : vector<1024x128xf32>
    %log3A_254 = math.log %neg3A_253 : vector<1024x128xf32>
    %neg3A_255 = arith.constant 0.000000e+00 : f32
    %neg3A_256 = vector.broadcast %neg3A_255 : f32 to vector<1024x128xf32>
    %neg3A_257 = arith.subf %neg3A_256, %log3A_254 : vector<1024x128xf32>
    %get3A_258 = arith.constant 0 : index
    %get3A_259 = arith.constant 0 : index
    %get3A_260 = vector.load %arg2[%get3A_258, %get3A_259] : memref<1024x128xf32, #tpu.memory_space<vmem>>, vector<1024x128xf32>
    %add3A_261 = arith.addf %neg3A_257, %get3A_260 : vector<1024x128xf32>
    %iota3A_262 = tpu.iota {dimensions = array<i32: 1>} : vector<1024x64xi32>
    %slice3A = vector.extract_strided_slice %add3A_261 {offsets = [0, 0], sizes = [1024, 64], strides = [1, 1]} : vector<1024x128xf32> to vector<1024x64xf32>
    %reduce_max3A = arith.constant dense<0xFF800000> : vector<1024xf32>
    %reduce_max3A_263 = vector.multi_reduction <maximumf>, %slice3A, %reduce_max3A [1] : vector<1024x64xf32> to vector<1024xf32>
    %broadcast_in_dim3A_264 = vector.shape_cast %reduce_max3A_263 : vector<1024xf32> to vector<1024x1xf32>
    %eq3A = vector.broadcast %broadcast_in_dim3A_264 : vector<1024x1xf32> to vector<1024x64xf32>
    %eq3A_265 = arith.cmpf oeq, %slice3A, %eq3A : vector<1024x64xf32>
    %jit3A = arith.constant 64 : i32
    %broadcast_in_dim3A_266 = vector.broadcast %jit3A : i32 to vector<1024x64xi32>
    %select_n3A = arith.select %eq3A_265, %iota3A_262, %broadcast_in_dim3A_266 : vector<1024x64xi1>, vector<1024x64xi32>
    %reduce_min3A = arith.constant dense<2147483647> : vector<1024xi32>
    %reduce_min3A_267 = vector.multi_reduction <minsi>, %select_n3A, %reduce_min3A [1] : vector<1024x64xi32> to vector<1024xi32>
    %broadcast_in_dim3A_268 = vector.shape_cast %reduce_min3A_267 : vector<1024xi32> to vector<1024x1xi32>
    %swap3A = arith.constant 0 : index
    %swap3A_269 = arith.constant 0 : index
    %swap3A_270 = vector.load %arg3[%swap3A, %swap3A_269] : memref<1024x2xi32, #tpu.memory_space<vmem>>, vector<1024x1xi32>
    tpu.vector_store %arg3[%swap3A, %swap3A_269], %broadcast_in_dim3A_268 {strides = array<i32>} : memref<1024x2xi32, #tpu.memory_space<vmem>>, vector<1024x1xi32>,
    %slice3A_271 = vector.extract_strided_slice %add3A_261 {offsets = [0, 64], sizes = [1024, 64], strides = [1, 1]} : vector<1024x128xf32> to vector<1024x64xf32>
    %reduce_max3A_272 = arith.constant dense<0xFF800000> : vector<1024xf32>
    %reduce_max3A_273 = vector.multi_reduction <maximumf>, %slice3A_271, %reduce_max3A_272 [1] : vector<1024x64xf32> to vector<1024xf32>
    %broadcast_in_dim3A_274 = vector.shape_cast %reduce_max3A_273 : vector<1024xf32> to vector<1024x1xf32>
    %eq3A_275 = vector.broadcast %broadcast_in_dim3A_274 : vector<1024x1xf32> to vector<1024x64xf32>
    %eq3A_276 = arith.cmpf oeq, %slice3A_271, %eq3A_275 : vector<1024x64xf32>
    %jit3A_277 = arith.constant 64 : i32
    %broadcast_in_dim3A_278 = vector.broadcast %jit3A_277 : i32 to vector<1024x64xi32>
    %select_n3A_279 = arith.select %eq3A_276, %iota3A_262, %broadcast_in_dim3A_278 : vector<1024x64xi1>, vector<1024x64xi32>
    %reduce_min3A_280 = arith.constant dense<2147483647> : vector<1024xi32>
    %reduce_min3A_281 = vector.multi_reduction <minsi>, %select_n3A_279, %reduce_min3A_280 [1] : vector<1024x64xi32> to vector<1024xi32>
    %broadcast_in_dim3A_282 = vector.shape_cast %reduce_min3A_281 : vector<1024xi32> to vector<1024x1xi32>
    %swap3A_283 = arith.constant 0 : index
    %swap3A_284 = arith.constant 1 : index
    %swap3A_285 = vector.load %arg3[%swap3A_283, %swap3A_284] : memref<1024x2xi32, #tpu.memory_space<vmem>>, vector<1024x1xi32>
    tpu.vector_store %arg3[%swap3A_283, %swap3A_284], %broadcast_in_dim3A_282 {strides = array<i32>} : memref<1024x2xi32, #tpu.memory_space<vmem>>, vector<1024x1xi32>,
    return
  }
  func.func @transform_0(%arg0: i32) -> (i32, i32) {
    %c0_i32 = arith.constant 0 : i32
    %c0_i32_0 = arith.constant 0 : i32
    %c0_i32_1 = arith.constant 0 : i32
    return %c0_i32, %c0_i32_0 : i32, i32
  }
  func.func @transform_1(%arg0: i32) -> (i32, i32) {
    %c0_i32 = arith.constant 0 : i32
    %c0_i32_0 = arith.constant 0 : i32
    %c0_i32_1 = arith.constant 0 : i32
    return %c0_i32, %c0_i32_0 : i32, i32
  }
  func.func @transform_2(%arg0: i32) -> (i32, i32) {
    %c0_i32 = arith.constant 0 : i32
    %c0_i32_0 = arith.constant 0 : i32
    return %arg0, %c0_i32 : i32, i32
  }
}

module attributes {stable_mosaic.version = 14 : i64} {
  func.func @_select_body_one(%arg0: i32, %arg1: i32, %arg2: memref<1x64x32x512xf32, #tpu.memory_space<vmem>>, %arg3: memref<1x1x512xi32, #tpu.memory_space<vmem>>, %arg4: memref<1x32x512xf32, #tpu.memory_space<vmem>>) attributes {dimension_semantics = [#tpu.dimension_semantics<arbitrary>, #tpu.dimension_semantics<arbitrary>], iteration_bounds = array<i64: 3, 2>, scalar_prefetch = 0 : i64, scratch_operands = 0 : i64, tpu.core_type = #tpu.core_type<tc>, window_params = [{transform_indices = @transform_0, window_bounds = array<i64: 1, 64, 32, 512>}, {transform_indices = @transform_1, window_bounds = array<i64: 1, 1, 512>}, {transform_indices = @transform_2, window_bounds = array<i64: 1, 32, 512>}]} {
    %get3A = arith.constant 0 : index
    %get3A_0 = arith.constant 0 : index
    %get3A_1 = arith.constant 0 : index
    %get3A_2 = vector.load %arg3[%get3A, %get3A_0, %get3A_1] : memref<1x1x512xi32, #tpu.memory_space<vmem>>, vector<1x1x512xi32>
    %get3A_3 = vector.shape_cast %get3A_2 : vector<1x1x512xi32> to vector<1x512xi32>
    %get3A_4 = arith.constant 0 : index
    %get3A_5 = arith.constant 0 : index
    %get3A_6 = arith.constant 0 : index
    %get3A_7 = arith.constant 0 : index
    %get3A_8 = vector.load %arg2[%get3A_4, %get3A_5, %get3A_6, %get3A_7] : memref<1x64x32x512xf32, #tpu.memory_space<vmem>>, vector<1x1x32x512xf32>
    %get3A_9 = vector.shape_cast %get3A_8 : vector<1x1x32x512xf32> to vector<32x512xf32>
    %eq3A = arith.constant 1 : i32
    %eq3A_10 = vector.broadcast %eq3A : i32 to vector<1x512xi32>
    %eq3A_11 = arith.cmpi eq, %get3A_3, %eq3A_10 : vector<1x512xi32>
    %get3A_12 = arith.constant 0 : index
    %get3A_13 = arith.constant 1 : index
    %get3A_14 = arith.constant 0 : index
    %get3A_15 = arith.constant 0 : index
    %get3A_16 = vector.load %arg2[%get3A_12, %get3A_13, %get3A_14, %get3A_15] : memref<1x64x32x512xf32, #tpu.memory_space<vmem>>, vector<1x1x32x512xf32>
    %get3A_17 = vector.shape_cast %get3A_16 : vector<1x1x32x512xf32> to vector<32x512xf32>
    %broadcast_in_dim3A = vector.shape_cast %eq3A_11 : vector<1x512xi1> to vector<1x512xi1>
    %broadcast_in_dim3A_18 = vector.broadcast %broadcast_in_dim3A : vector<1x512xi1> to vector<32x512xi1>
    %select_n3A = arith.select %broadcast_in_dim3A_18, %get3A_17, %get3A_9 : vector<32x512xi1>, vector<32x512xf32>
    %eq3A_19 = arith.constant 2 : i32
    %eq3A_20 = vector.broadcast %eq3A_19 : i32 to vector<1x512xi32>
    %eq3A_21 = arith.cmpi eq, %get3A_3, %eq3A_20 : vector<1x512xi32>
    %get3A_22 = arith.constant 0 : index
    %get3A_23 = arith.constant 2 : index
    %get3A_24 = arith.constant 0 : index
    %get3A_25 = arith.constant 0 : index
    %get3A_26 = vector.load %arg2[%get3A_22, %get3A_23, %get3A_24, %get3A_25] : memref<1x64x32x512xf32, #tpu.memory_space<vmem>>, vector<1x1x32x512xf32>
    %get3A_27 = vector.shape_cast %get3A_26 : vector<1x1x32x512xf32> to vector<32x512xf32>
    %broadcast_in_dim3A_28 = vector.shape_cast %eq3A_21 : vector<1x512xi1> to vector<1x512xi1>
    %broadcast_in_dim3A_29 = vector.broadcast %broadcast_in_dim3A_28 : vector<1x512xi1> to vector<32x512xi1>
    %select_n3A_30 = arith.select %broadcast_in_dim3A_29, %get3A_27, %select_n3A : vector<32x512xi1>, vector<32x512xf32>
    %eq3A_31 = arith.constant 3 : i32
    %eq3A_32 = vector.broadcast %eq3A_31 : i32 to vector<1x512xi32>
    %eq3A_33 = arith.cmpi eq, %get3A_3, %eq3A_32 : vector<1x512xi32>
    %get3A_34 = arith.constant 0 : index
    %get3A_35 = arith.constant 3 : index
    %get3A_36 = arith.constant 0 : index
    %get3A_37 = arith.constant 0 : index
    %get3A_38 = vector.load %arg2[%get3A_34, %get3A_35, %get3A_36, %get3A_37] : memref<1x64x32x512xf32, #tpu.memory_space<vmem>>, vector<1x1x32x512xf32>
    %get3A_39 = vector.shape_cast %get3A_38 : vector<1x1x32x512xf32> to vector<32x512xf32>
    %broadcast_in_dim3A_40 = vector.shape_cast %eq3A_33 : vector<1x512xi1> to vector<1x512xi1>
    %broadcast_in_dim3A_41 = vector.broadcast %broadcast_in_dim3A_40 : vector<1x512xi1> to vector<32x512xi1>
    %select_n3A_42 = arith.select %broadcast_in_dim3A_41, %get3A_39, %select_n3A_30 : vector<32x512xi1>, vector<32x512xf32>
    %eq3A_43 = arith.constant 4 : i32
    %eq3A_44 = vector.broadcast %eq3A_43 : i32 to vector<1x512xi32>
    %eq3A_45 = arith.cmpi eq, %get3A_3, %eq3A_44 : vector<1x512xi32>
    %get3A_46 = arith.constant 0 : index
    %get3A_47 = arith.constant 4 : index
    %get3A_48 = arith.constant 0 : index
    %get3A_49 = arith.constant 0 : index
    %get3A_50 = vector.load %arg2[%get3A_46, %get3A_47, %get3A_48, %get3A_49] : memref<1x64x32x512xf32, #tpu.memory_space<vmem>>, vector<1x1x32x512xf32>
    %get3A_51 = vector.shape_cast %get3A_50 : vector<1x1x32x512xf32> to vector<32x512xf32>
    %broadcast_in_dim3A_52 = vector.shape_cast %eq3A_45 : vector<1x512xi1> to vector<1x512xi1>
    %broadcast_in_dim3A_53 = vector.broadcast %broadcast_in_dim3A_52 : vector<1x512xi1> to vector<32x512xi1>
    %select_n3A_54 = arith.select %broadcast_in_dim3A_53, %get3A_51, %select_n3A_42 : vector<32x512xi1>, vector<32x512xf32>
    %eq3A_55 = arith.constant 5 : i32
    %eq3A_56 = vector.broadcast %eq3A_55 : i32 to vector<1x512xi32>
    %eq3A_57 = arith.cmpi eq, %get3A_3, %eq3A_56 : vector<1x512xi32>
    %get3A_58 = arith.constant 0 : index
    %get3A_59 = arith.constant 5 : index
    %get3A_60 = arith.constant 0 : index
    %get3A_61 = arith.constant 0 : index
    %get3A_62 = vector.load %arg2[%get3A_58, %get3A_59, %get3A_60, %get3A_61] : memref<1x64x32x512xf32, #tpu.memory_space<vmem>>, vector<1x1x32x512xf32>
    %get3A_63 = vector.shape_cast %get3A_62 : vector<1x1x32x512xf32> to vector<32x512xf32>
    %broadcast_in_dim3A_64 = vector.shape_cast %eq3A_57 : vector<1x512xi1> to vector<1x512xi1>
    %broadcast_in_dim3A_65 = vector.broadcast %broadcast_in_dim3A_64 : vector<1x512xi1> to vector<32x512xi1>
    %select_n3A_66 = arith.select %broadcast_in_dim3A_65, %get3A_63, %select_n3A_54 : vector<32x512xi1>, vector<32x512xf32>
    %eq3A_67 = arith.constant 6 : i32
    %eq3A_68 = vector.broadcast %eq3A_67 : i32 to vector<1x512xi32>
    %eq3A_69 = arith.cmpi eq, %get3A_3, %eq3A_68 : vector<1x512xi32>
    %get3A_70 = arith.constant 0 : index
    %get3A_71 = arith.constant 6 : index
    %get3A_72 = arith.constant 0 : index
    %get3A_73 = arith.constant 0 : index
    %get3A_74 = vector.load %arg2[%get3A_70, %get3A_71, %get3A_72, %get3A_73] : memref<1x64x32x512xf32, #tpu.memory_space<vmem>>, vector<1x1x32x512xf32>
    %get3A_75 = vector.shape_cast %get3A_74 : vector<1x1x32x512xf32> to vector<32x512xf32>
    %broadcast_in_dim3A_76 = vector.shape_cast %eq3A_69 : vector<1x512xi1> to vector<1x512xi1>
    %broadcast_in_dim3A_77 = vector.broadcast %broadcast_in_dim3A_76 : vector<1x512xi1> to vector<32x512xi1>
    %select_n3A_78 = arith.select %broadcast_in_dim3A_77, %get3A_75, %select_n3A_66 : vector<32x512xi1>, vector<32x512xf32>
    %eq3A_79 = arith.constant 7 : i32
    %eq3A_80 = vector.broadcast %eq3A_79 : i32 to vector<1x512xi32>
    %eq3A_81 = arith.cmpi eq, %get3A_3, %eq3A_80 : vector<1x512xi32>
    %get3A_82 = arith.constant 0 : index
    %get3A_83 = arith.constant 7 : index
    %get3A_84 = arith.constant 0 : index
    %get3A_85 = arith.constant 0 : index
    %get3A_86 = vector.load %arg2[%get3A_82, %get3A_83, %get3A_84, %get3A_85] : memref<1x64x32x512xf32, #tpu.memory_space<vmem>>, vector<1x1x32x512xf32>
    %get3A_87 = vector.shape_cast %get3A_86 : vector<1x1x32x512xf32> to vector<32x512xf32>
    %broadcast_in_dim3A_88 = vector.shape_cast %eq3A_81 : vector<1x512xi1> to vector<1x512xi1>
    %broadcast_in_dim3A_89 = vector.broadcast %broadcast_in_dim3A_88 : vector<1x512xi1> to vector<32x512xi1>
    %select_n3A_90 = arith.select %broadcast_in_dim3A_89, %get3A_87, %select_n3A_78 : vector<32x512xi1>, vector<32x512xf32>
    %eq3A_91 = arith.constant 8 : i32
    %eq3A_92 = vector.broadcast %eq3A_91 : i32 to vector<1x512xi32>
    %eq3A_93 = arith.cmpi eq, %get3A_3, %eq3A_92 : vector<1x512xi32>
    %get3A_94 = arith.constant 0 : index
    %get3A_95 = arith.constant 8 : index
    %get3A_96 = arith.constant 0 : index
    %get3A_97 = arith.constant 0 : index
    %get3A_98 = vector.load %arg2[%get3A_94, %get3A_95, %get3A_96, %get3A_97] : memref<1x64x32x512xf32, #tpu.memory_space<vmem>>, vector<1x1x32x512xf32>
    %get3A_99 = vector.shape_cast %get3A_98 : vector<1x1x32x512xf32> to vector<32x512xf32>
    %broadcast_in_dim3A_100 = vector.shape_cast %eq3A_93 : vector<1x512xi1> to vector<1x512xi1>
    %broadcast_in_dim3A_101 = vector.broadcast %broadcast_in_dim3A_100 : vector<1x512xi1> to vector<32x512xi1>
    %select_n3A_102 = arith.select %broadcast_in_dim3A_101, %get3A_99, %select_n3A_90 : vector<32x512xi1>, vector<32x512xf32>
    %eq3A_103 = arith.constant 9 : i32
    %eq3A_104 = vector.broadcast %eq3A_103 : i32 to vector<1x512xi32>
    %eq3A_105 = arith.cmpi eq, %get3A_3, %eq3A_104 : vector<1x512xi32>
    %get3A_106 = arith.constant 0 : index
    %get3A_107 = arith.constant 9 : index
    %get3A_108 = arith.constant 0 : index
    %get3A_109 = arith.constant 0 : index
    %get3A_110 = vector.load %arg2[%get3A_106, %get3A_107, %get3A_108, %get3A_109] : memref<1x64x32x512xf32, #tpu.memory_space<vmem>>, vector<1x1x32x512xf32>
    %get3A_111 = vector.shape_cast %get3A_110 : vector<1x1x32x512xf32> to vector<32x512xf32>
    %broadcast_in_dim3A_112 = vector.shape_cast %eq3A_105 : vector<1x512xi1> to vector<1x512xi1>
    %broadcast_in_dim3A_113 = vector.broadcast %broadcast_in_dim3A_112 : vector<1x512xi1> to vector<32x512xi1>
    %select_n3A_114 = arith.select %broadcast_in_dim3A_113, %get3A_111, %select_n3A_102 : vector<32x512xi1>, vector<32x512xf32>
    %eq3A_115 = arith.constant 10 : i32
    %eq3A_116 = vector.broadcast %eq3A_115 : i32 to vector<1x512xi32>
    %eq3A_117 = arith.cmpi eq, %get3A_3, %eq3A_116 : vector<1x512xi32>
    %get3A_118 = arith.constant 0 : index
    %get3A_119 = arith.constant 10 : index
    %get3A_120 = arith.constant 0 : index
    %get3A_121 = arith.constant 0 : index
    %get3A_122 = vector.load %arg2[%get3A_118, %get3A_119, %get3A_120, %get3A_121] : memref<1x64x32x512xf32, #tpu.memory_space<vmem>>, vector<1x1x32x512xf32>
    %get3A_123 = vector.shape_cast %get3A_122 : vector<1x1x32x512xf32> to vector<32x512xf32>
    %broadcast_in_dim3A_124 = vector.shape_cast %eq3A_117 : vector<1x512xi1> to vector<1x512xi1>
    %broadcast_in_dim3A_125 = vector.broadcast %broadcast_in_dim3A_124 : vector<1x512xi1> to vector<32x512xi1>
    %select_n3A_126 = arith.select %broadcast_in_dim3A_125, %get3A_123, %select_n3A_114 : vector<32x512xi1>, vector<32x512xf32>
    %eq3A_127 = arith.constant 11 : i32
    %eq3A_128 = vector.broadcast %eq3A_127 : i32 to vector<1x512xi32>
    %eq3A_129 = arith.cmpi eq, %get3A_3, %eq3A_128 : vector<1x512xi32>
    %get3A_130 = arith.constant 0 : index
    %get3A_131 = arith.constant 11 : index
    %get3A_132 = arith.constant 0 : index
    %get3A_133 = arith.constant 0 : index
    %get3A_134 = vector.load %arg2[%get3A_130, %get3A_131, %get3A_132, %get3A_133] : memref<1x64x32x512xf32, #tpu.memory_space<vmem>>, vector<1x1x32x512xf32>
    %get3A_135 = vector.shape_cast %get3A_134 : vector<1x1x32x512xf32> to vector<32x512xf32>
    %broadcast_in_dim3A_136 = vector.shape_cast %eq3A_129 : vector<1x512xi1> to vector<1x512xi1>
    %broadcast_in_dim3A_137 = vector.broadcast %broadcast_in_dim3A_136 : vector<1x512xi1> to vector<32x512xi1>
    %select_n3A_138 = arith.select %broadcast_in_dim3A_137, %get3A_135, %select_n3A_126 : vector<32x512xi1>, vector<32x512xf32>
    %eq3A_139 = arith.constant 12 : i32
    %eq3A_140 = vector.broadcast %eq3A_139 : i32 to vector<1x512xi32>
    %eq3A_141 = arith.cmpi eq, %get3A_3, %eq3A_140 : vector<1x512xi32>
    %get3A_142 = arith.constant 0 : index
    %get3A_143 = arith.constant 12 : index
    %get3A_144 = arith.constant 0 : index
    %get3A_145 = arith.constant 0 : index
    %get3A_146 = vector.load %arg2[%get3A_142, %get3A_143, %get3A_144, %get3A_145] : memref<1x64x32x512xf32, #tpu.memory_space<vmem>>, vector<1x1x32x512xf32>
    %get3A_147 = vector.shape_cast %get3A_146 : vector<1x1x32x512xf32> to vector<32x512xf32>
    %broadcast_in_dim3A_148 = vector.shape_cast %eq3A_141 : vector<1x512xi1> to vector<1x512xi1>
    %broadcast_in_dim3A_149 = vector.broadcast %broadcast_in_dim3A_148 : vector<1x512xi1> to vector<32x512xi1>
    %select_n3A_150 = arith.select %broadcast_in_dim3A_149, %get3A_147, %select_n3A_138 : vector<32x512xi1>, vector<32x512xf32>
    %eq3A_151 = arith.constant 13 : i32
    %eq3A_152 = vector.broadcast %eq3A_151 : i32 to vector<1x512xi32>
    %eq3A_153 = arith.cmpi eq, %get3A_3, %eq3A_152 : vector<1x512xi32>
    %get3A_154 = arith.constant 0 : index
    %get3A_155 = arith.constant 13 : index
    %get3A_156 = arith.constant 0 : index
    %get3A_157 = arith.constant 0 : index
    %get3A_158 = vector.load %arg2[%get3A_154, %get3A_155, %get3A_156, %get3A_157] : memref<1x64x32x512xf32, #tpu.memory_space<vmem>>, vector<1x1x32x512xf32>
    %get3A_159 = vector.shape_cast %get3A_158 : vector<1x1x32x512xf32> to vector<32x512xf32>
    %broadcast_in_dim3A_160 = vector.shape_cast %eq3A_153 : vector<1x512xi1> to vector<1x512xi1>
    %broadcast_in_dim3A_161 = vector.broadcast %broadcast_in_dim3A_160 : vector<1x512xi1> to vector<32x512xi1>
    %select_n3A_162 = arith.select %broadcast_in_dim3A_161, %get3A_159, %select_n3A_150 : vector<32x512xi1>, vector<32x512xf32>
    %eq3A_163 = arith.constant 14 : i32
    %eq3A_164 = vector.broadcast %eq3A_163 : i32 to vector<1x512xi32>
    %eq3A_165 = arith.cmpi eq, %get3A_3, %eq3A_164 : vector<1x512xi32>
    %get3A_166 = arith.constant 0 : index
    %get3A_167 = arith.constant 14 : index
    %get3A_168 = arith.constant 0 : index
    %get3A_169 = arith.constant 0 : index
    %get3A_170 = vector.load %arg2[%get3A_166, %get3A_167, %get3A_168, %get3A_169] : memref<1x64x32x512xf32, #tpu.memory_space<vmem>>, vector<1x1x32x512xf32>
    %get3A_171 = vector.shape_cast %get3A_170 : vector<1x1x32x512xf32> to vector<32x512xf32>
    %broadcast_in_dim3A_172 = vector.shape_cast %eq3A_165 : vector<1x512xi1> to vector<1x512xi1>
    %broadcast_in_dim3A_173 = vector.broadcast %broadcast_in_dim3A_172 : vector<1x512xi1> to vector<32x512xi1>
    %select_n3A_174 = arith.select %broadcast_in_dim3A_173, %get3A_171, %select_n3A_162 : vector<32x512xi1>, vector<32x512xf32>
    %eq3A_175 = arith.constant 15 : i32
    %eq3A_176 = vector.broadcast %eq3A_175 : i32 to vector<1x512xi32>
    %eq3A_177 = arith.cmpi eq, %get3A_3, %eq3A_176 : vector<1x512xi32>
    %get3A_178 = arith.constant 0 : index
    %get3A_179 = arith.constant 15 : index
    %get3A_180 = arith.constant 0 : index
    %get3A_181 = arith.constant 0 : index
    %get3A_182 = vector.load %arg2[%get3A_178, %get3A_179, %get3A_180, %get3A_181] : memref<1x64x32x512xf32, #tpu.memory_space<vmem>>, vector<1x1x32x512xf32>
    %get3A_183 = vector.shape_cast %get3A_182 : vector<1x1x32x512xf32> to vector<32x512xf32>
    %broadcast_in_dim3A_184 = vector.shape_cast %eq3A_177 : vector<1x512xi1> to vector<1x512xi1>
    %broadcast_in_dim3A_185 = vector.broadcast %broadcast_in_dim3A_184 : vector<1x512xi1> to vector<32x512xi1>
    %select_n3A_186 = arith.select %broadcast_in_dim3A_185, %get3A_183, %select_n3A_174 : vector<32x512xi1>, vector<32x512xf32>
    %eq3A_187 = arith.constant 16 : i32
    %eq3A_188 = vector.broadcast %eq3A_187 : i32 to vector<1x512xi32>
    %eq3A_189 = arith.cmpi eq, %get3A_3, %eq3A_188 : vector<1x512xi32>
    %get3A_190 = arith.constant 0 : index
    %get3A_191 = arith.constant 16 : index
    %get3A_192 = arith.constant 0 : index
    %get3A_193 = arith.constant 0 : index
    %get3A_194 = vector.load %arg2[%get3A_190, %get3A_191, %get3A_192, %get3A_193] : memref<1x64x32x512xf32, #tpu.memory_space<vmem>>, vector<1x1x32x512xf32>
    %get3A_195 = vector.shape_cast %get3A_194 : vector<1x1x32x512xf32> to vector<32x512xf32>
    %broadcast_in_dim3A_196 = vector.shape_cast %eq3A_189 : vector<1x512xi1> to vector<1x512xi1>
    %broadcast_in_dim3A_197 = vector.broadcast %broadcast_in_dim3A_196 : vector<1x512xi1> to vector<32x512xi1>
    %select_n3A_198 = arith.select %broadcast_in_dim3A_197, %get3A_195, %select_n3A_186 : vector<32x512xi1>, vector<32x512xf32>
    %eq3A_199 = arith.constant 17 : i32
    %eq3A_200 = vector.broadcast %eq3A_199 : i32 to vector<1x512xi32>
    %eq3A_201 = arith.cmpi eq, %get3A_3, %eq3A_200 : vector<1x512xi32>
    %get3A_202 = arith.constant 0 : index
    %get3A_203 = arith.constant 17 : index
    %get3A_204 = arith.constant 0 : index
    %get3A_205 = arith.constant 0 : index
    %get3A_206 = vector.load %arg2[%get3A_202, %get3A_203, %get3A_204, %get3A_205] : memref<1x64x32x512xf32, #tpu.memory_space<vmem>>, vector<1x1x32x512xf32>
    %get3A_207 = vector.shape_cast %get3A_206 : vector<1x1x32x512xf32> to vector<32x512xf32>
    %broadcast_in_dim3A_208 = vector.shape_cast %eq3A_201 : vector<1x512xi1> to vector<1x512xi1>
    %broadcast_in_dim3A_209 = vector.broadcast %broadcast_in_dim3A_208 : vector<1x512xi1> to vector<32x512xi1>
    %select_n3A_210 = arith.select %broadcast_in_dim3A_209, %get3A_207, %select_n3A_198 : vector<32x512xi1>, vector<32x512xf32>
    %eq3A_211 = arith.constant 18 : i32
    %eq3A_212 = vector.broadcast %eq3A_211 : i32 to vector<1x512xi32>
    %eq3A_213 = arith.cmpi eq, %get3A_3, %eq3A_212 : vector<1x512xi32>
    %get3A_214 = arith.constant 0 : index
    %get3A_215 = arith.constant 18 : index
    %get3A_216 = arith.constant 0 : index
    %get3A_217 = arith.constant 0 : index
    %get3A_218 = vector.load %arg2[%get3A_214, %get3A_215, %get3A_216, %get3A_217] : memref<1x64x32x512xf32, #tpu.memory_space<vmem>>, vector<1x1x32x512xf32>
    %get3A_219 = vector.shape_cast %get3A_218 : vector<1x1x32x512xf32> to vector<32x512xf32>
    %broadcast_in_dim3A_220 = vector.shape_cast %eq3A_213 : vector<1x512xi1> to vector<1x512xi1>
    %broadcast_in_dim3A_221 = vector.broadcast %broadcast_in_dim3A_220 : vector<1x512xi1> to vector<32x512xi1>
    %select_n3A_222 = arith.select %broadcast_in_dim3A_221, %get3A_219, %select_n3A_210 : vector<32x512xi1>, vector<32x512xf32>
    %eq3A_223 = arith.constant 19 : i32
    %eq3A_224 = vector.broadcast %eq3A_223 : i32 to vector<1x512xi32>
    %eq3A_225 = arith.cmpi eq, %get3A_3, %eq3A_224 : vector<1x512xi32>
    %get3A_226 = arith.constant 0 : index
    %get3A_227 = arith.constant 19 : index
    %get3A_228 = arith.constant 0 : index
    %get3A_229 = arith.constant 0 : index
    %get3A_230 = vector.load %arg2[%get3A_226, %get3A_227, %get3A_228, %get3A_229] : memref<1x64x32x512xf32, #tpu.memory_space<vmem>>, vector<1x1x32x512xf32>
    %get3A_231 = vector.shape_cast %get3A_230 : vector<1x1x32x512xf32> to vector<32x512xf32>
    %broadcast_in_dim3A_232 = vector.shape_cast %eq3A_225 : vector<1x512xi1> to vector<1x512xi1>
    %broadcast_in_dim3A_233 = vector.broadcast %broadcast_in_dim3A_232 : vector<1x512xi1> to vector<32x512xi1>
    %select_n3A_234 = arith.select %broadcast_in_dim3A_233, %get3A_231, %select_n3A_222 : vector<32x512xi1>, vector<32x512xf32>
    %eq3A_235 = arith.constant 20 : i32
    %eq3A_236 = vector.broadcast %eq3A_235 : i32 to vector<1x512xi32>
    %eq3A_237 = arith.cmpi eq, %get3A_3, %eq3A_236 : vector<1x512xi32>
    %get3A_238 = arith.constant 0 : index
    %get3A_239 = arith.constant 20 : index
    %get3A_240 = arith.constant 0 : index
    %get3A_241 = arith.constant 0 : index
    %get3A_242 = vector.load %arg2[%get3A_238, %get3A_239, %get3A_240, %get3A_241] : memref<1x64x32x512xf32, #tpu.memory_space<vmem>>, vector<1x1x32x512xf32>
    %get3A_243 = vector.shape_cast %get3A_242 : vector<1x1x32x512xf32> to vector<32x512xf32>
    %broadcast_in_dim3A_244 = vector.shape_cast %eq3A_237 : vector<1x512xi1> to vector<1x512xi1>
    %broadcast_in_dim3A_245 = vector.broadcast %broadcast_in_dim3A_244 : vector<1x512xi1> to vector<32x512xi1>
    %select_n3A_246 = arith.select %broadcast_in_dim3A_245, %get3A_243, %select_n3A_234 : vector<32x512xi1>, vector<32x512xf32>
    %eq3A_247 = arith.constant 21 : i32
    %eq3A_248 = vector.broadcast %eq3A_247 : i32 to vector<1x512xi32>
    %eq3A_249 = arith.cmpi eq, %get3A_3, %eq3A_248 : vector<1x512xi32>
    %get3A_250 = arith.constant 0 : index
    %get3A_251 = arith.constant 21 : index
    %get3A_252 = arith.constant 0 : index
    %get3A_253 = arith.constant 0 : index
    %get3A_254 = vector.load %arg2[%get3A_250, %get3A_251, %get3A_252, %get3A_253] : memref<1x64x32x512xf32, #tpu.memory_space<vmem>>, vector<1x1x32x512xf32>
    %get3A_255 = vector.shape_cast %get3A_254 : vector<1x1x32x512xf32> to vector<32x512xf32>
    %broadcast_in_dim3A_256 = vector.shape_cast %eq3A_249 : vector<1x512xi1> to vector<1x512xi1>
    %broadcast_in_dim3A_257 = vector.broadcast %broadcast_in_dim3A_256 : vector<1x512xi1> to vector<32x512xi1>
    %select_n3A_258 = arith.select %broadcast_in_dim3A_257, %get3A_255, %select_n3A_246 : vector<32x512xi1>, vector<32x512xf32>
    %eq3A_259 = arith.constant 22 : i32
    %eq3A_260 = vector.broadcast %eq3A_259 : i32 to vector<1x512xi32>
    %eq3A_261 = arith.cmpi eq, %get3A_3, %eq3A_260 : vector<1x512xi32>
    %get3A_262 = arith.constant 0 : index
    %get3A_263 = arith.constant 22 : index
    %get3A_264 = arith.constant 0 : index
    %get3A_265 = arith.constant 0 : index
    %get3A_266 = vector.load %arg2[%get3A_262, %get3A_263, %get3A_264, %get3A_265] : memref<1x64x32x512xf32, #tpu.memory_space<vmem>>, vector<1x1x32x512xf32>
    %get3A_267 = vector.shape_cast %get3A_266 : vector<1x1x32x512xf32> to vector<32x512xf32>
    %broadcast_in_dim3A_268 = vector.shape_cast %eq3A_261 : vector<1x512xi1> to vector<1x512xi1>
    %broadcast_in_dim3A_269 = vector.broadcast %broadcast_in_dim3A_268 : vector<1x512xi1> to vector<32x512xi1>
    %select_n3A_270 = arith.select %broadcast_in_dim3A_269, %get3A_267, %select_n3A_258 : vector<32x512xi1>, vector<32x512xf32>
    %eq3A_271 = arith.constant 23 : i32
    %eq3A_272 = vector.broadcast %eq3A_271 : i32 to vector<1x512xi32>
    %eq3A_273 = arith.cmpi eq, %get3A_3, %eq3A_272 : vector<1x512xi32>
    %get3A_274 = arith.constant 0 : index
    %get3A_275 = arith.constant 23 : index
    %get3A_276 = arith.constant 0 : index
    %get3A_277 = arith.constant 0 : index
    %get3A_278 = vector.load %arg2[%get3A_274, %get3A_275, %get3A_276, %get3A_277] : memref<1x64x32x512xf32, #tpu.memory_space<vmem>>, vector<1x1x32x512xf32>
    %get3A_279 = vector.shape_cast %get3A_278 : vector<1x1x32x512xf32> to vector<32x512xf32>
    %broadcast_in_dim3A_280 = vector.shape_cast %eq3A_273 : vector<1x512xi1> to vector<1x512xi1>
    %broadcast_in_dim3A_281 = vector.broadcast %broadcast_in_dim3A_280 : vector<1x512xi1> to vector<32x512xi1>
    %select_n3A_282 = arith.select %broadcast_in_dim3A_281, %get3A_279, %select_n3A_270 : vector<32x512xi1>, vector<32x512xf32>
    %eq3A_283 = arith.constant 24 : i32
    %eq3A_284 = vector.broadcast %eq3A_283 : i32 to vector<1x512xi32>
    %eq3A_285 = arith.cmpi eq, %get3A_3, %eq3A_284 : vector<1x512xi32>
    %get3A_286 = arith.constant 0 : index
    %get3A_287 = arith.constant 24 : index
    %get3A_288 = arith.constant 0 : index
    %get3A_289 = arith.constant 0 : index
    %get3A_290 = vector.load %arg2[%get3A_286, %get3A_287, %get3A_288, %get3A_289] : memref<1x64x32x512xf32, #tpu.memory_space<vmem>>, vector<1x1x32x512xf32>
    %get3A_291 = vector.shape_cast %get3A_290 : vector<1x1x32x512xf32> to vector<32x512xf32>
    %broadcast_in_dim3A_292 = vector.shape_cast %eq3A_285 : vector<1x512xi1> to vector<1x512xi1>
    %broadcast_in_dim3A_293 = vector.broadcast %broadcast_in_dim3A_292 : vector<1x512xi1> to vector<32x512xi1>
    %select_n3A_294 = arith.select %broadcast_in_dim3A_293, %get3A_291, %select_n3A_282 : vector<32x512xi1>, vector<32x512xf32>
    %eq3A_295 = arith.constant 25 : i32
    %eq3A_296 = vector.broadcast %eq3A_295 : i32 to vector<1x512xi32>
    %eq3A_297 = arith.cmpi eq, %get3A_3, %eq3A_296 : vector<1x512xi32>
    %get3A_298 = arith.constant 0 : index
    %get3A_299 = arith.constant 25 : index
    %get3A_300 = arith.constant 0 : index
    %get3A_301 = arith.constant 0 : index
    %get3A_302 = vector.load %arg2[%get3A_298, %get3A_299, %get3A_300, %get3A_301] : memref<1x64x32x512xf32, #tpu.memory_space<vmem>>, vector<1x1x32x512xf32>
    %get3A_303 = vector.shape_cast %get3A_302 : vector<1x1x32x512xf32> to vector<32x512xf32>
    %broadcast_in_dim3A_304 = vector.shape_cast %eq3A_297 : vector<1x512xi1> to vector<1x512xi1>
    %broadcast_in_dim3A_305 = vector.broadcast %broadcast_in_dim3A_304 : vector<1x512xi1> to vector<32x512xi1>
    %select_n3A_306 = arith.select %broadcast_in_dim3A_305, %get3A_303, %select_n3A_294 : vector<32x512xi1>, vector<32x512xf32>
    %eq3A_307 = arith.constant 26 : i32
    %eq3A_308 = vector.broadcast %eq3A_307 : i32 to vector<1x512xi32>
    %eq3A_309 = arith.cmpi eq, %get3A_3, %eq3A_308 : vector<1x512xi32>
    %get3A_310 = arith.constant 0 : index
    %get3A_311 = arith.constant 26 : index
    %get3A_312 = arith.constant 0 : index
    %get3A_313 = arith.constant 0 : index
    %get3A_314 = vector.load %arg2[%get3A_310, %get3A_311, %get3A_312, %get3A_313] : memref<1x64x32x512xf32, #tpu.memory_space<vmem>>, vector<1x1x32x512xf32>
    %get3A_315 = vector.shape_cast %get3A_314 : vector<1x1x32x512xf32> to vector<32x512xf32>
    %broadcast_in_dim3A_316 = vector.shape_cast %eq3A_309 : vector<1x512xi1> to vector<1x512xi1>
    %broadcast_in_dim3A_317 = vector.broadcast %broadcast_in_dim3A_316 : vector<1x512xi1> to vector<32x512xi1>
    %select_n3A_318 = arith.select %broadcast_in_dim3A_317, %get3A_315, %select_n3A_306 : vector<32x512xi1>, vector<32x512xf32>
    %eq3A_319 = arith.constant 27 : i32
    %eq3A_320 = vector.broadcast %eq3A_319 : i32 to vector<1x512xi32>
    %eq3A_321 = arith.cmpi eq, %get3A_3, %eq3A_320 : vector<1x512xi32>
    %get3A_322 = arith.constant 0 : index
    %get3A_323 = arith.constant 27 : index
    %get3A_324 = arith.constant 0 : index
    %get3A_325 = arith.constant 0 : index
    %get3A_326 = vector.load %arg2[%get3A_322, %get3A_323, %get3A_324, %get3A_325] : memref<1x64x32x512xf32, #tpu.memory_space<vmem>>, vector<1x1x32x512xf32>
    %get3A_327 = vector.shape_cast %get3A_326 : vector<1x1x32x512xf32> to vector<32x512xf32>
    %broadcast_in_dim3A_328 = vector.shape_cast %eq3A_321 : vector<1x512xi1> to vector<1x512xi1>
    %broadcast_in_dim3A_329 = vector.broadcast %broadcast_in_dim3A_328 : vector<1x512xi1> to vector<32x512xi1>
    %select_n3A_330 = arith.select %broadcast_in_dim3A_329, %get3A_327, %select_n3A_318 : vector<32x512xi1>, vector<32x512xf32>
    %eq3A_331 = arith.constant 28 : i32
    %eq3A_332 = vector.broadcast %eq3A_331 : i32 to vector<1x512xi32>
    %eq3A_333 = arith.cmpi eq, %get3A_3, %eq3A_332 : vector<1x512xi32>
    %get3A_334 = arith.constant 0 : index
    %get3A_335 = arith.constant 28 : index
    %get3A_336 = arith.constant 0 : index
    %get3A_337 = arith.constant 0 : index
    %get3A_338 = vector.load %arg2[%get3A_334, %get3A_335, %get3A_336, %get3A_337] : memref<1x64x32x512xf32, #tpu.memory_space<vmem>>, vector<1x1x32x512xf32>
    %get3A_339 = vector.shape_cast %get3A_338 : vector<1x1x32x512xf32> to vector<32x512xf32>
    %broadcast_in_dim3A_340 = vector.shape_cast %eq3A_333 : vector<1x512xi1> to vector<1x512xi1>
    %broadcast_in_dim3A_341 = vector.broadcast %broadcast_in_dim3A_340 : vector<1x512xi1> to vector<32x512xi1>
    %select_n3A_342 = arith.select %broadcast_in_dim3A_341, %get3A_339, %select_n3A_330 : vector<32x512xi1>, vector<32x512xf32>
    %eq3A_343 = arith.constant 29 : i32
    %eq3A_344 = vector.broadcast %eq3A_343 : i32 to vector<1x512xi32>
    %eq3A_345 = arith.cmpi eq, %get3A_3, %eq3A_344 : vector<1x512xi32>
    %get3A_346 = arith.constant 0 : index
    %get3A_347 = arith.constant 29 : index
    %get3A_348 = arith.constant 0 : index
    %get3A_349 = arith.constant 0 : index
    %get3A_350 = vector.load %arg2[%get3A_346, %get3A_347, %get3A_348, %get3A_349] : memref<1x64x32x512xf32, #tpu.memory_space<vmem>>, vector<1x1x32x512xf32>
    %get3A_351 = vector.shape_cast %get3A_350 : vector<1x1x32x512xf32> to vector<32x512xf32>
    %broadcast_in_dim3A_352 = vector.shape_cast %eq3A_345 : vector<1x512xi1> to vector<1x512xi1>
    %broadcast_in_dim3A_353 = vector.broadcast %broadcast_in_dim3A_352 : vector<1x512xi1> to vector<32x512xi1>
    %select_n3A_354 = arith.select %broadcast_in_dim3A_353, %get3A_351, %select_n3A_342 : vector<32x512xi1>, vector<32x512xf32>
    %eq3A_355 = arith.constant 30 : i32
    %eq3A_356 = vector.broadcast %eq3A_355 : i32 to vector<1x512xi32>
    %eq3A_357 = arith.cmpi eq, %get3A_3, %eq3A_356 : vector<1x512xi32>
    %get3A_358 = arith.constant 0 : index
    %get3A_359 = arith.constant 30 : index
    %get3A_360 = arith.constant 0 : index
    %get3A_361 = arith.constant 0 : index
    %get3A_362 = vector.load %arg2[%get3A_358, %get3A_359, %get3A_360, %get3A_361] : memref<1x64x32x512xf32, #tpu.memory_space<vmem>>, vector<1x1x32x512xf32>
    %get3A_363 = vector.shape_cast %get3A_362 : vector<1x1x32x512xf32> to vector<32x512xf32>
    %broadcast_in_dim3A_364 = vector.shape_cast %eq3A_357 : vector<1x512xi1> to vector<1x512xi1>
    %broadcast_in_dim3A_365 = vector.broadcast %broadcast_in_dim3A_364 : vector<1x512xi1> to vector<32x512xi1>
    %select_n3A_366 = arith.select %broadcast_in_dim3A_365, %get3A_363, %select_n3A_354 : vector<32x512xi1>, vector<32x512xf32>
    %eq3A_367 = arith.constant 31 : i32
    %eq3A_368 = vector.broadcast %eq3A_367 : i32 to vector<1x512xi32>
    %eq3A_369 = arith.cmpi eq, %get3A_3, %eq3A_368 : vector<1x512xi32>
    %get3A_370 = arith.constant 0 : index
    %get3A_371 = arith.constant 31 : index
    %get3A_372 = arith.constant 0 : index
    %get3A_373 = arith.constant 0 : index
    %get3A_374 = vector.load %arg2[%get3A_370, %get3A_371, %get3A_372, %get3A_373] : memref<1x64x32x512xf32, #tpu.memory_space<vmem>>, vector<1x1x32x512xf32>
    %get3A_375 = vector.shape_cast %get3A_374 : vector<1x1x32x512xf32> to vector<32x512xf32>
    %broadcast_in_dim3A_376 = vector.shape_cast %eq3A_369 : vector<1x512xi1> to vector<1x512xi1>
    %broadcast_in_dim3A_377 = vector.broadcast %broadcast_in_dim3A_376 : vector<1x512xi1> to vector<32x512xi1>
    %select_n3A_378 = arith.select %broadcast_in_dim3A_377, %get3A_375, %select_n3A_366 : vector<32x512xi1>, vector<32x512xf32>
    %eq3A_379 = arith.constant 32 : i32
    %eq3A_380 = vector.broadcast %eq3A_379 : i32 to vector<1x512xi32>
    %eq3A_381 = arith.cmpi eq, %get3A_3, %eq3A_380 : vector<1x512xi32>
    %get3A_382 = arith.constant 0 : index
    %get3A_383 = arith.constant 32 : index
    %get3A_384 = arith.constant 0 : index
    %get3A_385 = arith.constant 0 : index
    %get3A_386 = vector.load %arg2[%get3A_382, %get3A_383, %get3A_384, %get3A_385] : memref<1x64x32x512xf32, #tpu.memory_space<vmem>>, vector<1x1x32x512xf32>
    %get3A_387 = vector.shape_cast %get3A_386 : vector<1x1x32x512xf32> to vector<32x512xf32>
    %broadcast_in_dim3A_388 = vector.shape_cast %eq3A_381 : vector<1x512xi1> to vector<1x512xi1>
    %broadcast_in_dim3A_389 = vector.broadcast %broadcast_in_dim3A_388 : vector<1x512xi1> to vector<32x512xi1>
    %select_n3A_390 = arith.select %broadcast_in_dim3A_389, %get3A_387, %select_n3A_378 : vector<32x512xi1>, vector<32x512xf32>
    %eq3A_391 = arith.constant 33 : i32
    %eq3A_392 = vector.broadcast %eq3A_391 : i32 to vector<1x512xi32>
    %eq3A_393 = arith.cmpi eq, %get3A_3, %eq3A_392 : vector<1x512xi32>
    %get3A_394 = arith.constant 0 : index
    %get3A_395 = arith.constant 33 : index
    %get3A_396 = arith.constant 0 : index
    %get3A_397 = arith.constant 0 : index
    %get3A_398 = vector.load %arg2[%get3A_394, %get3A_395, %get3A_396, %get3A_397] : memref<1x64x32x512xf32, #tpu.memory_space<vmem>>, vector<1x1x32x512xf32>
    %get3A_399 = vector.shape_cast %get3A_398 : vector<1x1x32x512xf32> to vector<32x512xf32>
    %broadcast_in_dim3A_400 = vector.shape_cast %eq3A_393 : vector<1x512xi1> to vector<1x512xi1>
    %broadcast_in_dim3A_401 = vector.broadcast %broadcast_in_dim3A_400 : vector<1x512xi1> to vector<32x512xi1>
    %select_n3A_402 = arith.select %broadcast_in_dim3A_401, %get3A_399, %select_n3A_390 : vector<32x512xi1>, vector<32x512xf32>
    %eq3A_403 = arith.constant 34 : i32
    %eq3A_404 = vector.broadcast %eq3A_403 : i32 to vector<1x512xi32>
    %eq3A_405 = arith.cmpi eq, %get3A_3, %eq3A_404 : vector<1x512xi32>
    %get3A_406 = arith.constant 0 : index
    %get3A_407 = arith.constant 34 : index
    %get3A_408 = arith.constant 0 : index
    %get3A_409 = arith.constant 0 : index
    %get3A_410 = vector.load %arg2[%get3A_406, %get3A_407, %get3A_408, %get3A_409] : memref<1x64x32x512xf32, #tpu.memory_space<vmem>>, vector<1x1x32x512xf32>
    %get3A_411 = vector.shape_cast %get3A_410 : vector<1x1x32x512xf32> to vector<32x512xf32>
    %broadcast_in_dim3A_412 = vector.shape_cast %eq3A_405 : vector<1x512xi1> to vector<1x512xi1>
    %broadcast_in_dim3A_413 = vector.broadcast %broadcast_in_dim3A_412 : vector<1x512xi1> to vector<32x512xi1>
    %select_n3A_414 = arith.select %broadcast_in_dim3A_413, %get3A_411, %select_n3A_402 : vector<32x512xi1>, vector<32x512xf32>
    %eq3A_415 = arith.constant 35 : i32
    %eq3A_416 = vector.broadcast %eq3A_415 : i32 to vector<1x512xi32>
    %eq3A_417 = arith.cmpi eq, %get3A_3, %eq3A_416 : vector<1x512xi32>
    %get3A_418 = arith.constant 0 : index
    %get3A_419 = arith.constant 35 : index
    %get3A_420 = arith.constant 0 : index
    %get3A_421 = arith.constant 0 : index
    %get3A_422 = vector.load %arg2[%get3A_418, %get3A_419, %get3A_420, %get3A_421] : memref<1x64x32x512xf32, #tpu.memory_space<vmem>>, vector<1x1x32x512xf32>
    %get3A_423 = vector.shape_cast %get3A_422 : vector<1x1x32x512xf32> to vector<32x512xf32>
    %broadcast_in_dim3A_424 = vector.shape_cast %eq3A_417 : vector<1x512xi1> to vector<1x512xi1>
    %broadcast_in_dim3A_425 = vector.broadcast %broadcast_in_dim3A_424 : vector<1x512xi1> to vector<32x512xi1>
    %select_n3A_426 = arith.select %broadcast_in_dim3A_425, %get3A_423, %select_n3A_414 : vector<32x512xi1>, vector<32x512xf32>
    %eq3A_427 = arith.constant 36 : i32
    %eq3A_428 = vector.broadcast %eq3A_427 : i32 to vector<1x512xi32>
    %eq3A_429 = arith.cmpi eq, %get3A_3, %eq3A_428 : vector<1x512xi32>
    %get3A_430 = arith.constant 0 : index
    %get3A_431 = arith.constant 36 : index
    %get3A_432 = arith.constant 0 : index
    %get3A_433 = arith.constant 0 : index
    %get3A_434 = vector.load %arg2[%get3A_430, %get3A_431, %get3A_432, %get3A_433] : memref<1x64x32x512xf32, #tpu.memory_space<vmem>>, vector<1x1x32x512xf32>
    %get3A_435 = vector.shape_cast %get3A_434 : vector<1x1x32x512xf32> to vector<32x512xf32>
    %broadcast_in_dim3A_436 = vector.shape_cast %eq3A_429 : vector<1x512xi1> to vector<1x512xi1>
    %broadcast_in_dim3A_437 = vector.broadcast %broadcast_in_dim3A_436 : vector<1x512xi1> to vector<32x512xi1>
    %select_n3A_438 = arith.select %broadcast_in_dim3A_437, %get3A_435, %select_n3A_426 : vector<32x512xi1>, vector<32x512xf32>
    %eq3A_439 = arith.constant 37 : i32
    %eq3A_440 = vector.broadcast %eq3A_439 : i32 to vector<1x512xi32>
    %eq3A_441 = arith.cmpi eq, %get3A_3, %eq3A_440 : vector<1x512xi32>
    %get3A_442 = arith.constant 0 : index
    %get3A_443 = arith.constant 37 : index
    %get3A_444 = arith.constant 0 : index
    %get3A_445 = arith.constant 0 : index
    %get3A_446 = vector.load %arg2[%get3A_442, %get3A_443, %get3A_444, %get3A_445] : memref<1x64x32x512xf32, #tpu.memory_space<vmem>>, vector<1x1x32x512xf32>
    %get3A_447 = vector.shape_cast %get3A_446 : vector<1x1x32x512xf32> to vector<32x512xf32>
    %broadcast_in_dim3A_448 = vector.shape_cast %eq3A_441 : vector<1x512xi1> to vector<1x512xi1>
    %broadcast_in_dim3A_449 = vector.broadcast %broadcast_in_dim3A_448 : vector<1x512xi1> to vector<32x512xi1>
    %select_n3A_450 = arith.select %broadcast_in_dim3A_449, %get3A_447, %select_n3A_438 : vector<32x512xi1>, vector<32x512xf32>
    %eq3A_451 = arith.constant 38 : i32
    %eq3A_452 = vector.broadcast %eq3A_451 : i32 to vector<1x512xi32>
    %eq3A_453 = arith.cmpi eq, %get3A_3, %eq3A_452 : vector<1x512xi32>
    %get3A_454 = arith.constant 0 : index
    %get3A_455 = arith.constant 38 : index
    %get3A_456 = arith.constant 0 : index
    %get3A_457 = arith.constant 0 : index
    %get3A_458 = vector.load %arg2[%get3A_454, %get3A_455, %get3A_456, %get3A_457] : memref<1x64x32x512xf32, #tpu.memory_space<vmem>>, vector<1x1x32x512xf32>
    %get3A_459 = vector.shape_cast %get3A_458 : vector<1x1x32x512xf32> to vector<32x512xf32>
    %broadcast_in_dim3A_460 = vector.shape_cast %eq3A_453 : vector<1x512xi1> to vector<1x512xi1>
    %broadcast_in_dim3A_461 = vector.broadcast %broadcast_in_dim3A_460 : vector<1x512xi1> to vector<32x512xi1>
    %select_n3A_462 = arith.select %broadcast_in_dim3A_461, %get3A_459, %select_n3A_450 : vector<32x512xi1>, vector<32x512xf32>
    %eq3A_463 = arith.constant 39 : i32
    %eq3A_464 = vector.broadcast %eq3A_463 : i32 to vector<1x512xi32>
    %eq3A_465 = arith.cmpi eq, %get3A_3, %eq3A_464 : vector<1x512xi32>
    %get3A_466 = arith.constant 0 : index
    %get3A_467 = arith.constant 39 : index
    %get3A_468 = arith.constant 0 : index
    %get3A_469 = arith.constant 0 : index
    %get3A_470 = vector.load %arg2[%get3A_466, %get3A_467, %get3A_468, %get3A_469] : memref<1x64x32x512xf32, #tpu.memory_space<vmem>>, vector<1x1x32x512xf32>
    %get3A_471 = vector.shape_cast %get3A_470 : vector<1x1x32x512xf32> to vector<32x512xf32>
    %broadcast_in_dim3A_472 = vector.shape_cast %eq3A_465 : vector<1x512xi1> to vector<1x512xi1>
    %broadcast_in_dim3A_473 = vector.broadcast %broadcast_in_dim3A_472 : vector<1x512xi1> to vector<32x512xi1>
    %select_n3A_474 = arith.select %broadcast_in_dim3A_473, %get3A_471, %select_n3A_462 : vector<32x512xi1>, vector<32x512xf32>
    %eq3A_475 = arith.constant 40 : i32
    %eq3A_476 = vector.broadcast %eq3A_475 : i32 to vector<1x512xi32>
    %eq3A_477 = arith.cmpi eq, %get3A_3, %eq3A_476 : vector<1x512xi32>
    %get3A_478 = arith.constant 0 : index
    %get3A_479 = arith.constant 40 : index
    %get3A_480 = arith.constant 0 : index
    %get3A_481 = arith.constant 0 : index
    %get3A_482 = vector.load %arg2[%get3A_478, %get3A_479, %get3A_480, %get3A_481] : memref<1x64x32x512xf32, #tpu.memory_space<vmem>>, vector<1x1x32x512xf32>
    %get3A_483 = vector.shape_cast %get3A_482 : vector<1x1x32x512xf32> to vector<32x512xf32>
    %broadcast_in_dim3A_484 = vector.shape_cast %eq3A_477 : vector<1x512xi1> to vector<1x512xi1>
    %broadcast_in_dim3A_485 = vector.broadcast %broadcast_in_dim3A_484 : vector<1x512xi1> to vector<32x512xi1>
    %select_n3A_486 = arith.select %broadcast_in_dim3A_485, %get3A_483, %select_n3A_474 : vector<32x512xi1>, vector<32x512xf32>
    %eq3A_487 = arith.constant 41 : i32
    %eq3A_488 = vector.broadcast %eq3A_487 : i32 to vector<1x512xi32>
    %eq3A_489 = arith.cmpi eq, %get3A_3, %eq3A_488 : vector<1x512xi32>
    %get3A_490 = arith.constant 0 : index
    %get3A_491 = arith.constant 41 : index
    %get3A_492 = arith.constant 0 : index
    %get3A_493 = arith.constant 0 : index
    %get3A_494 = vector.load %arg2[%get3A_490, %get3A_491, %get3A_492, %get3A_493] : memref<1x64x32x512xf32, #tpu.memory_space<vmem>>, vector<1x1x32x512xf32>
    %get3A_495 = vector.shape_cast %get3A_494 : vector<1x1x32x512xf32> to vector<32x512xf32>
    %broadcast_in_dim3A_496 = vector.shape_cast %eq3A_489 : vector<1x512xi1> to vector<1x512xi1>
    %broadcast_in_dim3A_497 = vector.broadcast %broadcast_in_dim3A_496 : vector<1x512xi1> to vector<32x512xi1>
    %select_n3A_498 = arith.select %broadcast_in_dim3A_497, %get3A_495, %select_n3A_486 : vector<32x512xi1>, vector<32x512xf32>
    %eq3A_499 = arith.constant 42 : i32
    %eq3A_500 = vector.broadcast %eq3A_499 : i32 to vector<1x512xi32>
    %eq3A_501 = arith.cmpi eq, %get3A_3, %eq3A_500 : vector<1x512xi32>
    %get3A_502 = arith.constant 0 : index
    %get3A_503 = arith.constant 42 : index
    %get3A_504 = arith.constant 0 : index
    %get3A_505 = arith.constant 0 : index
    %get3A_506 = vector.load %arg2[%get3A_502, %get3A_503, %get3A_504, %get3A_505] : memref<1x64x32x512xf32, #tpu.memory_space<vmem>>, vector<1x1x32x512xf32>
    %get3A_507 = vector.shape_cast %get3A_506 : vector<1x1x32x512xf32> to vector<32x512xf32>
    %broadcast_in_dim3A_508 = vector.shape_cast %eq3A_501 : vector<1x512xi1> to vector<1x512xi1>
    %broadcast_in_dim3A_509 = vector.broadcast %broadcast_in_dim3A_508 : vector<1x512xi1> to vector<32x512xi1>
    %select_n3A_510 = arith.select %broadcast_in_dim3A_509, %get3A_507, %select_n3A_498 : vector<32x512xi1>, vector<32x512xf32>
    %eq3A_511 = arith.constant 43 : i32
    %eq3A_512 = vector.broadcast %eq3A_511 : i32 to vector<1x512xi32>
    %eq3A_513 = arith.cmpi eq, %get3A_3, %eq3A_512 : vector<1x512xi32>
    %get3A_514 = arith.constant 0 : index
    %get3A_515 = arith.constant 43 : index
    %get3A_516 = arith.constant 0 : index
    %get3A_517 = arith.constant 0 : index
    %get3A_518 = vector.load %arg2[%get3A_514, %get3A_515, %get3A_516, %get3A_517] : memref<1x64x32x512xf32, #tpu.memory_space<vmem>>, vector<1x1x32x512xf32>
    %get3A_519 = vector.shape_cast %get3A_518 : vector<1x1x32x512xf32> to vector<32x512xf32>
    %broadcast_in_dim3A_520 = vector.shape_cast %eq3A_513 : vector<1x512xi1> to vector<1x512xi1>
    %broadcast_in_dim3A_521 = vector.broadcast %broadcast_in_dim3A_520 : vector<1x512xi1> to vector<32x512xi1>
    %select_n3A_522 = arith.select %broadcast_in_dim3A_521, %get3A_519, %select_n3A_510 : vector<32x512xi1>, vector<32x512xf32>
    %eq3A_523 = arith.constant 44 : i32
    %eq3A_524 = vector.broadcast %eq3A_523 : i32 to vector<1x512xi32>
    %eq3A_525 = arith.cmpi eq, %get3A_3, %eq3A_524 : vector<1x512xi32>
    %get3A_526 = arith.constant 0 : index
    %get3A_527 = arith.constant 44 : index
    %get3A_528 = arith.constant 0 : index
    %get3A_529 = arith.constant 0 : index
    %get3A_530 = vector.load %arg2[%get3A_526, %get3A_527, %get3A_528, %get3A_529] : memref<1x64x32x512xf32, #tpu.memory_space<vmem>>, vector<1x1x32x512xf32>
    %get3A_531 = vector.shape_cast %get3A_530 : vector<1x1x32x512xf32> to vector<32x512xf32>
    %broadcast_in_dim3A_532 = vector.shape_cast %eq3A_525 : vector<1x512xi1> to vector<1x512xi1>
    %broadcast_in_dim3A_533 = vector.broadcast %broadcast_in_dim3A_532 : vector<1x512xi1> to vector<32x512xi1>
    %select_n3A_534 = arith.select %broadcast_in_dim3A_533, %get3A_531, %select_n3A_522 : vector<32x512xi1>, vector<32x512xf32>
    %eq3A_535 = arith.constant 45 : i32
    %eq3A_536 = vector.broadcast %eq3A_535 : i32 to vector<1x512xi32>
    %eq3A_537 = arith.cmpi eq, %get3A_3, %eq3A_536 : vector<1x512xi32>
    %get3A_538 = arith.constant 0 : index
    %get3A_539 = arith.constant 45 : index
    %get3A_540 = arith.constant 0 : index
    %get3A_541 = arith.constant 0 : index
    %get3A_542 = vector.load %arg2[%get3A_538, %get3A_539, %get3A_540, %get3A_541] : memref<1x64x32x512xf32, #tpu.memory_space<vmem>>, vector<1x1x32x512xf32>
    %get3A_543 = vector.shape_cast %get3A_542 : vector<1x1x32x512xf32> to vector<32x512xf32>
    %broadcast_in_dim3A_544 = vector.shape_cast %eq3A_537 : vector<1x512xi1> to vector<1x512xi1>
    %broadcast_in_dim3A_545 = vector.broadcast %broadcast_in_dim3A_544 : vector<1x512xi1> to vector<32x512xi1>
    %select_n3A_546 = arith.select %broadcast_in_dim3A_545, %get3A_543, %select_n3A_534 : vector<32x512xi1>, vector<32x512xf32>
    %eq3A_547 = arith.constant 46 : i32
    %eq3A_548 = vector.broadcast %eq3A_547 : i32 to vector<1x512xi32>
    %eq3A_549 = arith.cmpi eq, %get3A_3, %eq3A_548 : vector<1x512xi32>
    %get3A_550 = arith.constant 0 : index
    %get3A_551 = arith.constant 46 : index
    %get3A_552 = arith.constant 0 : index
    %get3A_553 = arith.constant 0 : index
    %get3A_554 = vector.load %arg2[%get3A_550, %get3A_551, %get3A_552, %get3A_553] : memref<1x64x32x512xf32, #tpu.memory_space<vmem>>, vector<1x1x32x512xf32>
    %get3A_555 = vector.shape_cast %get3A_554 : vector<1x1x32x512xf32> to vector<32x512xf32>
    %broadcast_in_dim3A_556 = vector.shape_cast %eq3A_549 : vector<1x512xi1> to vector<1x512xi1>
    %broadcast_in_dim3A_557 = vector.broadcast %broadcast_in_dim3A_556 : vector<1x512xi1> to vector<32x512xi1>
    %select_n3A_558 = arith.select %broadcast_in_dim3A_557, %get3A_555, %select_n3A_546 : vector<32x512xi1>, vector<32x512xf32>
    %eq3A_559 = arith.constant 47 : i32
    %eq3A_560 = vector.broadcast %eq3A_559 : i32 to vector<1x512xi32>
    %eq3A_561 = arith.cmpi eq, %get3A_3, %eq3A_560 : vector<1x512xi32>
    %get3A_562 = arith.constant 0 : index
    %get3A_563 = arith.constant 47 : index
    %get3A_564 = arith.constant 0 : index
    %get3A_565 = arith.constant 0 : index
    %get3A_566 = vector.load %arg2[%get3A_562, %get3A_563, %get3A_564, %get3A_565] : memref<1x64x32x512xf32, #tpu.memory_space<vmem>>, vector<1x1x32x512xf32>
    %get3A_567 = vector.shape_cast %get3A_566 : vector<1x1x32x512xf32> to vector<32x512xf32>
    %broadcast_in_dim3A_568 = vector.shape_cast %eq3A_561 : vector<1x512xi1> to vector<1x512xi1>
    %broadcast_in_dim3A_569 = vector.broadcast %broadcast_in_dim3A_568 : vector<1x512xi1> to vector<32x512xi1>
    %select_n3A_570 = arith.select %broadcast_in_dim3A_569, %get3A_567, %select_n3A_558 : vector<32x512xi1>, vector<32x512xf32>
    %eq3A_571 = arith.constant 48 : i32
    %eq3A_572 = vector.broadcast %eq3A_571 : i32 to vector<1x512xi32>
    %eq3A_573 = arith.cmpi eq, %get3A_3, %eq3A_572 : vector<1x512xi32>
    %get3A_574 = arith.constant 0 : index
    %get3A_575 = arith.constant 48 : index
    %get3A_576 = arith.constant 0 : index
    %get3A_577 = arith.constant 0 : index
    %get3A_578 = vector.load %arg2[%get3A_574, %get3A_575, %get3A_576, %get3A_577] : memref<1x64x32x512xf32, #tpu.memory_space<vmem>>, vector<1x1x32x512xf32>
    %get3A_579 = vector.shape_cast %get3A_578 : vector<1x1x32x512xf32> to vector<32x512xf32>
    %broadcast_in_dim3A_580 = vector.shape_cast %eq3A_573 : vector<1x512xi1> to vector<1x512xi1>
    %broadcast_in_dim3A_581 = vector.broadcast %broadcast_in_dim3A_580 : vector<1x512xi1> to vector<32x512xi1>
    %select_n3A_582 = arith.select %broadcast_in_dim3A_581, %get3A_579, %select_n3A_570 : vector<32x512xi1>, vector<32x512xf32>
    %eq3A_583 = arith.constant 49 : i32
    %eq3A_584 = vector.broadcast %eq3A_583 : i32 to vector<1x512xi32>
    %eq3A_585 = arith.cmpi eq, %get3A_3, %eq3A_584 : vector<1x512xi32>
    %get3A_586 = arith.constant 0 : index
    %get3A_587 = arith.constant 49 : index
    %get3A_588 = arith.constant 0 : index
    %get3A_589 = arith.constant 0 : index
    %get3A_590 = vector.load %arg2[%get3A_586, %get3A_587, %get3A_588, %get3A_589] : memref<1x64x32x512xf32, #tpu.memory_space<vmem>>, vector<1x1x32x512xf32>
    %get3A_591 = vector.shape_cast %get3A_590 : vector<1x1x32x512xf32> to vector<32x512xf32>
    %broadcast_in_dim3A_592 = vector.shape_cast %eq3A_585 : vector<1x512xi1> to vector<1x512xi1>
    %broadcast_in_dim3A_593 = vector.broadcast %broadcast_in_dim3A_592 : vector<1x512xi1> to vector<32x512xi1>
    %select_n3A_594 = arith.select %broadcast_in_dim3A_593, %get3A_591, %select_n3A_582 : vector<32x512xi1>, vector<32x512xf32>
    %eq3A_595 = arith.constant 50 : i32
    %eq3A_596 = vector.broadcast %eq3A_595 : i32 to vector<1x512xi32>
    %eq3A_597 = arith.cmpi eq, %get3A_3, %eq3A_596 : vector<1x512xi32>
    %get3A_598 = arith.constant 0 : index
    %get3A_599 = arith.constant 50 : index
    %get3A_600 = arith.constant 0 : index
    %get3A_601 = arith.constant 0 : index
    %get3A_602 = vector.load %arg2[%get3A_598, %get3A_599, %get3A_600, %get3A_601] : memref<1x64x32x512xf32, #tpu.memory_space<vmem>>, vector<1x1x32x512xf32>
    %get3A_603 = vector.shape_cast %get3A_602 : vector<1x1x32x512xf32> to vector<32x512xf32>
    %broadcast_in_dim3A_604 = vector.shape_cast %eq3A_597 : vector<1x512xi1> to vector<1x512xi1>
    %broadcast_in_dim3A_605 = vector.broadcast %broadcast_in_dim3A_604 : vector<1x512xi1> to vector<32x512xi1>
    %select_n3A_606 = arith.select %broadcast_in_dim3A_605, %get3A_603, %select_n3A_594 : vector<32x512xi1>, vector<32x512xf32>
    %eq3A_607 = arith.constant 51 : i32
    %eq3A_608 = vector.broadcast %eq3A_607 : i32 to vector<1x512xi32>
    %eq3A_609 = arith.cmpi eq, %get3A_3, %eq3A_608 : vector<1x512xi32>
    %get3A_610 = arith.constant 0 : index
    %get3A_611 = arith.constant 51 : index
    %get3A_612 = arith.constant 0 : index
    %get3A_613 = arith.constant 0 : index
    %get3A_614 = vector.load %arg2[%get3A_610, %get3A_611, %get3A_612, %get3A_613] : memref<1x64x32x512xf32, #tpu.memory_space<vmem>>, vector<1x1x32x512xf32>
    %get3A_615 = vector.shape_cast %get3A_614 : vector<1x1x32x512xf32> to vector<32x512xf32>
    %broadcast_in_dim3A_616 = vector.shape_cast %eq3A_609 : vector<1x512xi1> to vector<1x512xi1>
    %broadcast_in_dim3A_617 = vector.broadcast %broadcast_in_dim3A_616 : vector<1x512xi1> to vector<32x512xi1>
    %select_n3A_618 = arith.select %broadcast_in_dim3A_617, %get3A_615, %select_n3A_606 : vector<32x512xi1>, vector<32x512xf32>
    %eq3A_619 = arith.constant 52 : i32
    %eq3A_620 = vector.broadcast %eq3A_619 : i32 to vector<1x512xi32>
    %eq3A_621 = arith.cmpi eq, %get3A_3, %eq3A_620 : vector<1x512xi32>
    %get3A_622 = arith.constant 0 : index
    %get3A_623 = arith.constant 52 : index
    %get3A_624 = arith.constant 0 : index
    %get3A_625 = arith.constant 0 : index
    %get3A_626 = vector.load %arg2[%get3A_622, %get3A_623, %get3A_624, %get3A_625] : memref<1x64x32x512xf32, #tpu.memory_space<vmem>>, vector<1x1x32x512xf32>
    %get3A_627 = vector.shape_cast %get3A_626 : vector<1x1x32x512xf32> to vector<32x512xf32>
    %broadcast_in_dim3A_628 = vector.shape_cast %eq3A_621 : vector<1x512xi1> to vector<1x512xi1>
    %broadcast_in_dim3A_629 = vector.broadcast %broadcast_in_dim3A_628 : vector<1x512xi1> to vector<32x512xi1>
    %select_n3A_630 = arith.select %broadcast_in_dim3A_629, %get3A_627, %select_n3A_618 : vector<32x512xi1>, vector<32x512xf32>
    %eq3A_631 = arith.constant 53 : i32
    %eq3A_632 = vector.broadcast %eq3A_631 : i32 to vector<1x512xi32>
    %eq3A_633 = arith.cmpi eq, %get3A_3, %eq3A_632 : vector<1x512xi32>
    %get3A_634 = arith.constant 0 : index
    %get3A_635 = arith.constant 53 : index
    %get3A_636 = arith.constant 0 : index
    %get3A_637 = arith.constant 0 : index
    %get3A_638 = vector.load %arg2[%get3A_634, %get3A_635, %get3A_636, %get3A_637] : memref<1x64x32x512xf32, #tpu.memory_space<vmem>>, vector<1x1x32x512xf32>
    %get3A_639 = vector.shape_cast %get3A_638 : vector<1x1x32x512xf32> to vector<32x512xf32>
    %broadcast_in_dim3A_640 = vector.shape_cast %eq3A_633 : vector<1x512xi1> to vector<1x512xi1>
    %broadcast_in_dim3A_641 = vector.broadcast %broadcast_in_dim3A_640 : vector<1x512xi1> to vector<32x512xi1>
    %select_n3A_642 = arith.select %broadcast_in_dim3A_641, %get3A_639, %select_n3A_630 : vector<32x512xi1>, vector<32x512xf32>
    %eq3A_643 = arith.constant 54 : i32
    %eq3A_644 = vector.broadcast %eq3A_643 : i32 to vector<1x512xi32>
    %eq3A_645 = arith.cmpi eq, %get3A_3, %eq3A_644 : vector<1x512xi32>
    %get3A_646 = arith.constant 0 : index
    %get3A_647 = arith.constant 54 : index
    %get3A_648 = arith.constant 0 : index
    %get3A_649 = arith.constant 0 : index
    %get3A_650 = vector.load %arg2[%get3A_646, %get3A_647, %get3A_648, %get3A_649] : memref<1x64x32x512xf32, #tpu.memory_space<vmem>>, vector<1x1x32x512xf32>
    %get3A_651 = vector.shape_cast %get3A_650 : vector<1x1x32x512xf32> to vector<32x512xf32>
    %broadcast_in_dim3A_652 = vector.shape_cast %eq3A_645 : vector<1x512xi1> to vector<1x512xi1>
    %broadcast_in_dim3A_653 = vector.broadcast %broadcast_in_dim3A_652 : vector<1x512xi1> to vector<32x512xi1>
    %select_n3A_654 = arith.select %broadcast_in_dim3A_653, %get3A_651, %select_n3A_642 : vector<32x512xi1>, vector<32x512xf32>
    %eq3A_655 = arith.constant 55 : i32
    %eq3A_656 = vector.broadcast %eq3A_655 : i32 to vector<1x512xi32>
    %eq3A_657 = arith.cmpi eq, %get3A_3, %eq3A_656 : vector<1x512xi32>
    %get3A_658 = arith.constant 0 : index
    %get3A_659 = arith.constant 55 : index
    %get3A_660 = arith.constant 0 : index
    %get3A_661 = arith.constant 0 : index
    %get3A_662 = vector.load %arg2[%get3A_658, %get3A_659, %get3A_660, %get3A_661] : memref<1x64x32x512xf32, #tpu.memory_space<vmem>>, vector<1x1x32x512xf32>
    %get3A_663 = vector.shape_cast %get3A_662 : vector<1x1x32x512xf32> to vector<32x512xf32>
    %broadcast_in_dim3A_664 = vector.shape_cast %eq3A_657 : vector<1x512xi1> to vector<1x512xi1>
    %broadcast_in_dim3A_665 = vector.broadcast %broadcast_in_dim3A_664 : vector<1x512xi1> to vector<32x512xi1>
    %select_n3A_666 = arith.select %broadcast_in_dim3A_665, %get3A_663, %select_n3A_654 : vector<32x512xi1>, vector<32x512xf32>
    %eq3A_667 = arith.constant 56 : i32
    %eq3A_668 = vector.broadcast %eq3A_667 : i32 to vector<1x512xi32>
    %eq3A_669 = arith.cmpi eq, %get3A_3, %eq3A_668 : vector<1x512xi32>
    %get3A_670 = arith.constant 0 : index
    %get3A_671 = arith.constant 56 : index
    %get3A_672 = arith.constant 0 : index
    %get3A_673 = arith.constant 0 : index
    %get3A_674 = vector.load %arg2[%get3A_670, %get3A_671, %get3A_672, %get3A_673] : memref<1x64x32x512xf32, #tpu.memory_space<vmem>>, vector<1x1x32x512xf32>
    %get3A_675 = vector.shape_cast %get3A_674 : vector<1x1x32x512xf32> to vector<32x512xf32>
    %broadcast_in_dim3A_676 = vector.shape_cast %eq3A_669 : vector<1x512xi1> to vector<1x512xi1>
    %broadcast_in_dim3A_677 = vector.broadcast %broadcast_in_dim3A_676 : vector<1x512xi1> to vector<32x512xi1>
    %select_n3A_678 = arith.select %broadcast_in_dim3A_677, %get3A_675, %select_n3A_666 : vector<32x512xi1>, vector<32x512xf32>
    %eq3A_679 = arith.constant 57 : i32
    %eq3A_680 = vector.broadcast %eq3A_679 : i32 to vector<1x512xi32>
    %eq3A_681 = arith.cmpi eq, %get3A_3, %eq3A_680 : vector<1x512xi32>
    %get3A_682 = arith.constant 0 : index
    %get3A_683 = arith.constant 57 : index
    %get3A_684 = arith.constant 0 : index
    %get3A_685 = arith.constant 0 : index
    %get3A_686 = vector.load %arg2[%get3A_682, %get3A_683, %get3A_684, %get3A_685] : memref<1x64x32x512xf32, #tpu.memory_space<vmem>>, vector<1x1x32x512xf32>
    %get3A_687 = vector.shape_cast %get3A_686 : vector<1x1x32x512xf32> to vector<32x512xf32>
    %broadcast_in_dim3A_688 = vector.shape_cast %eq3A_681 : vector<1x512xi1> to vector<1x512xi1>
    %broadcast_in_dim3A_689 = vector.broadcast %broadcast_in_dim3A_688 : vector<1x512xi1> to vector<32x512xi1>
    %select_n3A_690 = arith.select %broadcast_in_dim3A_689, %get3A_687, %select_n3A_678 : vector<32x512xi1>, vector<32x512xf32>
    %eq3A_691 = arith.constant 58 : i32
    %eq3A_692 = vector.broadcast %eq3A_691 : i32 to vector<1x512xi32>
    %eq3A_693 = arith.cmpi eq, %get3A_3, %eq3A_692 : vector<1x512xi32>
    %get3A_694 = arith.constant 0 : index
    %get3A_695 = arith.constant 58 : index
    %get3A_696 = arith.constant 0 : index
    %get3A_697 = arith.constant 0 : index
    %get3A_698 = vector.load %arg2[%get3A_694, %get3A_695, %get3A_696, %get3A_697] : memref<1x64x32x512xf32, #tpu.memory_space<vmem>>, vector<1x1x32x512xf32>
    %get3A_699 = vector.shape_cast %get3A_698 : vector<1x1x32x512xf32> to vector<32x512xf32>
    %broadcast_in_dim3A_700 = vector.shape_cast %eq3A_693 : vector<1x512xi1> to vector<1x512xi1>
    %broadcast_in_dim3A_701 = vector.broadcast %broadcast_in_dim3A_700 : vector<1x512xi1> to vector<32x512xi1>
    %select_n3A_702 = arith.select %broadcast_in_dim3A_701, %get3A_699, %select_n3A_690 : vector<32x512xi1>, vector<32x512xf32>
    %eq3A_703 = arith.constant 59 : i32
    %eq3A_704 = vector.broadcast %eq3A_703 : i32 to vector<1x512xi32>
    %eq3A_705 = arith.cmpi eq, %get3A_3, %eq3A_704 : vector<1x512xi32>
    %get3A_706 = arith.constant 0 : index
    %get3A_707 = arith.constant 59 : index
    %get3A_708 = arith.constant 0 : index
    %get3A_709 = arith.constant 0 : index
    %get3A_710 = vector.load %arg2[%get3A_706, %get3A_707, %get3A_708, %get3A_709] : memref<1x64x32x512xf32, #tpu.memory_space<vmem>>, vector<1x1x32x512xf32>
    %get3A_711 = vector.shape_cast %get3A_710 : vector<1x1x32x512xf32> to vector<32x512xf32>
    %broadcast_in_dim3A_712 = vector.shape_cast %eq3A_705 : vector<1x512xi1> to vector<1x512xi1>
    %broadcast_in_dim3A_713 = vector.broadcast %broadcast_in_dim3A_712 : vector<1x512xi1> to vector<32x512xi1>
    %select_n3A_714 = arith.select %broadcast_in_dim3A_713, %get3A_711, %select_n3A_702 : vector<32x512xi1>, vector<32x512xf32>
    %eq3A_715 = arith.constant 60 : i32
    %eq3A_716 = vector.broadcast %eq3A_715 : i32 to vector<1x512xi32>
    %eq3A_717 = arith.cmpi eq, %get3A_3, %eq3A_716 : vector<1x512xi32>
    %get3A_718 = arith.constant 0 : index
    %get3A_719 = arith.constant 60 : index
    %get3A_720 = arith.constant 0 : index
    %get3A_721 = arith.constant 0 : index
    %get3A_722 = vector.load %arg2[%get3A_718, %get3A_719, %get3A_720, %get3A_721] : memref<1x64x32x512xf32, #tpu.memory_space<vmem>>, vector<1x1x32x512xf32>
    %get3A_723 = vector.shape_cast %get3A_722 : vector<1x1x32x512xf32> to vector<32x512xf32>
    %broadcast_in_dim3A_724 = vector.shape_cast %eq3A_717 : vector<1x512xi1> to vector<1x512xi1>
    %broadcast_in_dim3A_725 = vector.broadcast %broadcast_in_dim3A_724 : vector<1x512xi1> to vector<32x512xi1>
    %select_n3A_726 = arith.select %broadcast_in_dim3A_725, %get3A_723, %select_n3A_714 : vector<32x512xi1>, vector<32x512xf32>
    %eq3A_727 = arith.constant 61 : i32
    %eq3A_728 = vector.broadcast %eq3A_727 : i32 to vector<1x512xi32>
    %eq3A_729 = arith.cmpi eq, %get3A_3, %eq3A_728 : vector<1x512xi32>
    %get3A_730 = arith.constant 0 : index
    %get3A_731 = arith.constant 61 : index
    %get3A_732 = arith.constant 0 : index
    %get3A_733 = arith.constant 0 : index
    %get3A_734 = vector.load %arg2[%get3A_730, %get3A_731, %get3A_732, %get3A_733] : memref<1x64x32x512xf32, #tpu.memory_space<vmem>>, vector<1x1x32x512xf32>
    %get3A_735 = vector.shape_cast %get3A_734 : vector<1x1x32x512xf32> to vector<32x512xf32>
    %broadcast_in_dim3A_736 = vector.shape_cast %eq3A_729 : vector<1x512xi1> to vector<1x512xi1>
    %broadcast_in_dim3A_737 = vector.broadcast %broadcast_in_dim3A_736 : vector<1x512xi1> to vector<32x512xi1>
    %select_n3A_738 = arith.select %broadcast_in_dim3A_737, %get3A_735, %select_n3A_726 : vector<32x512xi1>, vector<32x512xf32>
    %eq3A_739 = arith.constant 62 : i32
    %eq3A_740 = vector.broadcast %eq3A_739 : i32 to vector<1x512xi32>
    %eq3A_741 = arith.cmpi eq, %get3A_3, %eq3A_740 : vector<1x512xi32>
    %get3A_742 = arith.constant 0 : index
    %get3A_743 = arith.constant 62 : index
    %get3A_744 = arith.constant 0 : index
    %get3A_745 = arith.constant 0 : index
    %get3A_746 = vector.load %arg2[%get3A_742, %get3A_743, %get3A_744, %get3A_745] : memref<1x64x32x512xf32, #tpu.memory_space<vmem>>, vector<1x1x32x512xf32>
    %get3A_747 = vector.shape_cast %get3A_746 : vector<1x1x32x512xf32> to vector<32x512xf32>
    %broadcast_in_dim3A_748 = vector.shape_cast %eq3A_741 : vector<1x512xi1> to vector<1x512xi1>
    %broadcast_in_dim3A_749 = vector.broadcast %broadcast_in_dim3A_748 : vector<1x512xi1> to vector<32x512xi1>
    %select_n3A_750 = arith.select %broadcast_in_dim3A_749, %get3A_747, %select_n3A_738 : vector<32x512xi1>, vector<32x512xf32>
    %eq3A_751 = arith.constant 63 : i32
    %eq3A_752 = vector.broadcast %eq3A_751 : i32 to vector<1x512xi32>
    %eq3A_753 = arith.cmpi eq, %get3A_3, %eq3A_752 : vector<1x512xi32>
    %get3A_754 = arith.constant 0 : index
    %get3A_755 = arith.constant 63 : index
    %get3A_756 = arith.constant 0 : index
    %get3A_757 = arith.constant 0 : index
    %get3A_758 = vector.load %arg2[%get3A_754, %get3A_755, %get3A_756, %get3A_757] : memref<1x64x32x512xf32, #tpu.memory_space<vmem>>, vector<1x1x32x512xf32>
    %get3A_759 = vector.shape_cast %get3A_758 : vector<1x1x32x512xf32> to vector<32x512xf32>
    %broadcast_in_dim3A_760 = vector.shape_cast %eq3A_753 : vector<1x512xi1> to vector<1x512xi1>
    %broadcast_in_dim3A_761 = vector.broadcast %broadcast_in_dim3A_760 : vector<1x512xi1> to vector<32x512xi1>
    %select_n3A_762 = arith.select %broadcast_in_dim3A_761, %get3A_759, %select_n3A_750 : vector<32x512xi1>, vector<32x512xf32>
    %swap3A = arith.constant 0 : index
    %swap3A_763 = arith.constant 0 : index
    %swap3A_764 = arith.constant 0 : index
    %swap3A_765 = vector.load %arg4[%swap3A, %swap3A_763, %swap3A_764] : memref<1x32x512xf32, #tpu.memory_space<vmem>>, vector<1x32x512xf32>
    %swap3A_766 = vector.shape_cast %swap3A_765 : vector<1x32x512xf32> to vector<32x512xf32>
    %swap3A_767 = vector.shape_cast %select_n3A_762 : vector<32x512xf32> to vector<1x32x512xf32>
    tpu.vector_store %arg4[%swap3A, %swap3A_763, %swap3A_764], %swap3A_767 {strides = array<i32>} : memref<1x32x512xf32, #tpu.memory_space<vmem>>, vector<1x32x512xf32>,
    return
  }
  func.func @transform_0(%arg0: i32, %arg1: i32) -> (i32, i32, i32, i32) {
    %add3A = arith.constant 13 : i32
    %add3A_0 = arith.addi %arg0, %add3A : i32
    %c0_i32 = arith.constant 0 : i32
    %c0_i32_1 = arith.constant 0 : i32
    %c0_i32_2 = arith.constant 0 : i32
    return %add3A_0, %c0_i32, %c0_i32_1, %arg1 : i32, i32, i32, i32
  }
  func.func @transform_1(%arg0: i32, %arg1: i32) -> (i32, i32, i32) {
    %add3A = arith.constant 13 : i32
    %add3A_0 = arith.addi %arg0, %add3A : i32
    %c0_i32 = arith.constant 0 : i32
    %c0_i32_1 = arith.constant 0 : i32
    return %add3A_0, %c0_i32, %arg1 : i32, i32, i32
  }
  func.func @transform_2(%arg0: i32, %arg1: i32) -> (i32, i32, i32) {
    %c0_i32 = arith.constant 0 : i32
    %c0_i32_0 = arith.constant 0 : i32
    return %arg0, %c0_i32, %arg1 : i32, i32, i32
  }
}

module attributes {stable_mosaic.version = 14 : i64} {
  func.func @_select_body_one(%arg0: i32, %arg1: i32, %arg2: memref<1x64x32x512xf32, #tpu.memory_space<vmem>>, %arg3: memref<1x1x512xi32, #tpu.memory_space<vmem>>, %arg4: memref<1x32x512xf32, #tpu.memory_space<vmem>>) attributes {dimension_semantics = [#tpu.dimension_semantics<arbitrary>, #tpu.dimension_semantics<arbitrary>], iteration_bounds = array<i64: 16, 2>, scalar_prefetch = 0 : i64, scratch_operands = 0 : i64, tpu.core_type = #tpu.core_type<tc>, window_params = [{transform_indices = @transform_0, window_bounds = array<i64: 1, 64, 32, 512>}, {transform_indices = @transform_1, window_bounds = array<i64: 1, 1, 512>}, {transform_indices = @transform_2, window_bounds = array<i64: 1, 32, 512>}]} {
    %get3A = arith.constant 0 : index
    %get3A_0 = arith.constant 0 : index
    %get3A_1 = arith.constant 0 : index
    %get3A_2 = vector.load %arg3[%get3A, %get3A_0, %get3A_1] : memref<1x1x512xi32, #tpu.memory_space<vmem>>, vector<1x1x512xi32>
    %get3A_3 = vector.shape_cast %get3A_2 : vector<1x1x512xi32> to vector<1x512xi32>
    %get3A_4 = arith.constant 0 : index
    %get3A_5 = arith.constant 0 : index
    %get3A_6 = arith.constant 0 : index
    %get3A_7 = arith.constant 0 : index
    %get3A_8 = vector.load %arg2[%get3A_4, %get3A_5, %get3A_6, %get3A_7] : memref<1x64x32x512xf32, #tpu.memory_space<vmem>>, vector<1x1x32x512xf32>
    %get3A_9 = vector.shape_cast %get3A_8 : vector<1x1x32x512xf32> to vector<32x512xf32>
    %eq3A = arith.constant 1 : i32
    %eq3A_10 = vector.broadcast %eq3A : i32 to vector<1x512xi32>
    %eq3A_11 = arith.cmpi eq, %get3A_3, %eq3A_10 : vector<1x512xi32>
    %get3A_12 = arith.constant 0 : index
    %get3A_13 = arith.constant 1 : index
    %get3A_14 = arith.constant 0 : index
    %get3A_15 = arith.constant 0 : index
    %get3A_16 = vector.load %arg2[%get3A_12, %get3A_13, %get3A_14, %get3A_15] : memref<1x64x32x512xf32, #tpu.memory_space<vmem>>, vector<1x1x32x512xf32>
    %get3A_17 = vector.shape_cast %get3A_16 : vector<1x1x32x512xf32> to vector<32x512xf32>
    %broadcast_in_dim3A = vector.shape_cast %eq3A_11 : vector<1x512xi1> to vector<1x512xi1>
    %broadcast_in_dim3A_18 = vector.broadcast %broadcast_in_dim3A : vector<1x512xi1> to vector<32x512xi1>
    %select_n3A = arith.select %broadcast_in_dim3A_18, %get3A_17, %get3A_9 : vector<32x512xi1>, vector<32x512xf32>
    %eq3A_19 = arith.constant 2 : i32
    %eq3A_20 = vector.broadcast %eq3A_19 : i32 to vector<1x512xi32>
    %eq3A_21 = arith.cmpi eq, %get3A_3, %eq3A_20 : vector<1x512xi32>
    %get3A_22 = arith.constant 0 : index
    %get3A_23 = arith.constant 2 : index
    %get3A_24 = arith.constant 0 : index
    %get3A_25 = arith.constant 0 : index
    %get3A_26 = vector.load %arg2[%get3A_22, %get3A_23, %get3A_24, %get3A_25] : memref<1x64x32x512xf32, #tpu.memory_space<vmem>>, vector<1x1x32x512xf32>
    %get3A_27 = vector.shape_cast %get3A_26 : vector<1x1x32x512xf32> to vector<32x512xf32>
    %broadcast_in_dim3A_28 = vector.shape_cast %eq3A_21 : vector<1x512xi1> to vector<1x512xi1>
    %broadcast_in_dim3A_29 = vector.broadcast %broadcast_in_dim3A_28 : vector<1x512xi1> to vector<32x512xi1>
    %select_n3A_30 = arith.select %broadcast_in_dim3A_29, %get3A_27, %select_n3A : vector<32x512xi1>, vector<32x512xf32>
    %eq3A_31 = arith.constant 3 : i32
    %eq3A_32 = vector.broadcast %eq3A_31 : i32 to vector<1x512xi32>
    %eq3A_33 = arith.cmpi eq, %get3A_3, %eq3A_32 : vector<1x512xi32>
    %get3A_34 = arith.constant 0 : index
    %get3A_35 = arith.constant 3 : index
    %get3A_36 = arith.constant 0 : index
    %get3A_37 = arith.constant 0 : index
    %get3A_38 = vector.load %arg2[%get3A_34, %get3A_35, %get3A_36, %get3A_37] : memref<1x64x32x512xf32, #tpu.memory_space<vmem>>, vector<1x1x32x512xf32>
    %get3A_39 = vector.shape_cast %get3A_38 : vector<1x1x32x512xf32> to vector<32x512xf32>
    %broadcast_in_dim3A_40 = vector.shape_cast %eq3A_33 : vector<1x512xi1> to vector<1x512xi1>
    %broadcast_in_dim3A_41 = vector.broadcast %broadcast_in_dim3A_40 : vector<1x512xi1> to vector<32x512xi1>
    %select_n3A_42 = arith.select %broadcast_in_dim3A_41, %get3A_39, %select_n3A_30 : vector<32x512xi1>, vector<32x512xf32>
    %eq3A_43 = arith.constant 4 : i32
    %eq3A_44 = vector.broadcast %eq3A_43 : i32 to vector<1x512xi32>
    %eq3A_45 = arith.cmpi eq, %get3A_3, %eq3A_44 : vector<1x512xi32>
    %get3A_46 = arith.constant 0 : index
    %get3A_47 = arith.constant 4 : index
    %get3A_48 = arith.constant 0 : index
    %get3A_49 = arith.constant 0 : index
    %get3A_50 = vector.load %arg2[%get3A_46, %get3A_47, %get3A_48, %get3A_49] : memref<1x64x32x512xf32, #tpu.memory_space<vmem>>, vector<1x1x32x512xf32>
    %get3A_51 = vector.shape_cast %get3A_50 : vector<1x1x32x512xf32> to vector<32x512xf32>
    %broadcast_in_dim3A_52 = vector.shape_cast %eq3A_45 : vector<1x512xi1> to vector<1x512xi1>
    %broadcast_in_dim3A_53 = vector.broadcast %broadcast_in_dim3A_52 : vector<1x512xi1> to vector<32x512xi1>
    %select_n3A_54 = arith.select %broadcast_in_dim3A_53, %get3A_51, %select_n3A_42 : vector<32x512xi1>, vector<32x512xf32>
    %eq3A_55 = arith.constant 5 : i32
    %eq3A_56 = vector.broadcast %eq3A_55 : i32 to vector<1x512xi32>
    %eq3A_57 = arith.cmpi eq, %get3A_3, %eq3A_56 : vector<1x512xi32>
    %get3A_58 = arith.constant 0 : index
    %get3A_59 = arith.constant 5 : index
    %get3A_60 = arith.constant 0 : index
    %get3A_61 = arith.constant 0 : index
    %get3A_62 = vector.load %arg2[%get3A_58, %get3A_59, %get3A_60, %get3A_61] : memref<1x64x32x512xf32, #tpu.memory_space<vmem>>, vector<1x1x32x512xf32>
    %get3A_63 = vector.shape_cast %get3A_62 : vector<1x1x32x512xf32> to vector<32x512xf32>
    %broadcast_in_dim3A_64 = vector.shape_cast %eq3A_57 : vector<1x512xi1> to vector<1x512xi1>
    %broadcast_in_dim3A_65 = vector.broadcast %broadcast_in_dim3A_64 : vector<1x512xi1> to vector<32x512xi1>
    %select_n3A_66 = arith.select %broadcast_in_dim3A_65, %get3A_63, %select_n3A_54 : vector<32x512xi1>, vector<32x512xf32>
    %eq3A_67 = arith.constant 6 : i32
    %eq3A_68 = vector.broadcast %eq3A_67 : i32 to vector<1x512xi32>
    %eq3A_69 = arith.cmpi eq, %get3A_3, %eq3A_68 : vector<1x512xi32>
    %get3A_70 = arith.constant 0 : index
    %get3A_71 = arith.constant 6 : index
    %get3A_72 = arith.constant 0 : index
    %get3A_73 = arith.constant 0 : index
    %get3A_74 = vector.load %arg2[%get3A_70, %get3A_71, %get3A_72, %get3A_73] : memref<1x64x32x512xf32, #tpu.memory_space<vmem>>, vector<1x1x32x512xf32>
    %get3A_75 = vector.shape_cast %get3A_74 : vector<1x1x32x512xf32> to vector<32x512xf32>
    %broadcast_in_dim3A_76 = vector.shape_cast %eq3A_69 : vector<1x512xi1> to vector<1x512xi1>
    %broadcast_in_dim3A_77 = vector.broadcast %broadcast_in_dim3A_76 : vector<1x512xi1> to vector<32x512xi1>
    %select_n3A_78 = arith.select %broadcast_in_dim3A_77, %get3A_75, %select_n3A_66 : vector<32x512xi1>, vector<32x512xf32>
    %eq3A_79 = arith.constant 7 : i32
    %eq3A_80 = vector.broadcast %eq3A_79 : i32 to vector<1x512xi32>
    %eq3A_81 = arith.cmpi eq, %get3A_3, %eq3A_80 : vector<1x512xi32>
    %get3A_82 = arith.constant 0 : index
    %get3A_83 = arith.constant 7 : index
    %get3A_84 = arith.constant 0 : index
    %get3A_85 = arith.constant 0 : index
    %get3A_86 = vector.load %arg2[%get3A_82, %get3A_83, %get3A_84, %get3A_85] : memref<1x64x32x512xf32, #tpu.memory_space<vmem>>, vector<1x1x32x512xf32>
    %get3A_87 = vector.shape_cast %get3A_86 : vector<1x1x32x512xf32> to vector<32x512xf32>
    %broadcast_in_dim3A_88 = vector.shape_cast %eq3A_81 : vector<1x512xi1> to vector<1x512xi1>
    %broadcast_in_dim3A_89 = vector.broadcast %broadcast_in_dim3A_88 : vector<1x512xi1> to vector<32x512xi1>
    %select_n3A_90 = arith.select %broadcast_in_dim3A_89, %get3A_87, %select_n3A_78 : vector<32x512xi1>, vector<32x512xf32>
    %eq3A_91 = arith.constant 8 : i32
    %eq3A_92 = vector.broadcast %eq3A_91 : i32 to vector<1x512xi32>
    %eq3A_93 = arith.cmpi eq, %get3A_3, %eq3A_92 : vector<1x512xi32>
    %get3A_94 = arith.constant 0 : index
    %get3A_95 = arith.constant 8 : index
    %get3A_96 = arith.constant 0 : index
    %get3A_97 = arith.constant 0 : index
    %get3A_98 = vector.load %arg2[%get3A_94, %get3A_95, %get3A_96, %get3A_97] : memref<1x64x32x512xf32, #tpu.memory_space<vmem>>, vector<1x1x32x512xf32>
    %get3A_99 = vector.shape_cast %get3A_98 : vector<1x1x32x512xf32> to vector<32x512xf32>
    %broadcast_in_dim3A_100 = vector.shape_cast %eq3A_93 : vector<1x512xi1> to vector<1x512xi1>
    %broadcast_in_dim3A_101 = vector.broadcast %broadcast_in_dim3A_100 : vector<1x512xi1> to vector<32x512xi1>
    %select_n3A_102 = arith.select %broadcast_in_dim3A_101, %get3A_99, %select_n3A_90 : vector<32x512xi1>, vector<32x512xf32>
    %eq3A_103 = arith.constant 9 : i32
    %eq3A_104 = vector.broadcast %eq3A_103 : i32 to vector<1x512xi32>
    %eq3A_105 = arith.cmpi eq, %get3A_3, %eq3A_104 : vector<1x512xi32>
    %get3A_106 = arith.constant 0 : index
    %get3A_107 = arith.constant 9 : index
    %get3A_108 = arith.constant 0 : index
    %get3A_109 = arith.constant 0 : index
    %get3A_110 = vector.load %arg2[%get3A_106, %get3A_107, %get3A_108, %get3A_109] : memref<1x64x32x512xf32, #tpu.memory_space<vmem>>, vector<1x1x32x512xf32>
    %get3A_111 = vector.shape_cast %get3A_110 : vector<1x1x32x512xf32> to vector<32x512xf32>
    %broadcast_in_dim3A_112 = vector.shape_cast %eq3A_105 : vector<1x512xi1> to vector<1x512xi1>
    %broadcast_in_dim3A_113 = vector.broadcast %broadcast_in_dim3A_112 : vector<1x512xi1> to vector<32x512xi1>
    %select_n3A_114 = arith.select %broadcast_in_dim3A_113, %get3A_111, %select_n3A_102 : vector<32x512xi1>, vector<32x512xf32>
    %eq3A_115 = arith.constant 10 : i32
    %eq3A_116 = vector.broadcast %eq3A_115 : i32 to vector<1x512xi32>
    %eq3A_117 = arith.cmpi eq, %get3A_3, %eq3A_116 : vector<1x512xi32>
    %get3A_118 = arith.constant 0 : index
    %get3A_119 = arith.constant 10 : index
    %get3A_120 = arith.constant 0 : index
    %get3A_121 = arith.constant 0 : index
    %get3A_122 = vector.load %arg2[%get3A_118, %get3A_119, %get3A_120, %get3A_121] : memref<1x64x32x512xf32, #tpu.memory_space<vmem>>, vector<1x1x32x512xf32>
    %get3A_123 = vector.shape_cast %get3A_122 : vector<1x1x32x512xf32> to vector<32x512xf32>
    %broadcast_in_dim3A_124 = vector.shape_cast %eq3A_117 : vector<1x512xi1> to vector<1x512xi1>
    %broadcast_in_dim3A_125 = vector.broadcast %broadcast_in_dim3A_124 : vector<1x512xi1> to vector<32x512xi1>
    %select_n3A_126 = arith.select %broadcast_in_dim3A_125, %get3A_123, %select_n3A_114 : vector<32x512xi1>, vector<32x512xf32>
    %eq3A_127 = arith.constant 11 : i32
    %eq3A_128 = vector.broadcast %eq3A_127 : i32 to vector<1x512xi32>
    %eq3A_129 = arith.cmpi eq, %get3A_3, %eq3A_128 : vector<1x512xi32>
    %get3A_130 = arith.constant 0 : index
    %get3A_131 = arith.constant 11 : index
    %get3A_132 = arith.constant 0 : index
    %get3A_133 = arith.constant 0 : index
    %get3A_134 = vector.load %arg2[%get3A_130, %get3A_131, %get3A_132, %get3A_133] : memref<1x64x32x512xf32, #tpu.memory_space<vmem>>, vector<1x1x32x512xf32>
    %get3A_135 = vector.shape_cast %get3A_134 : vector<1x1x32x512xf32> to vector<32x512xf32>
    %broadcast_in_dim3A_136 = vector.shape_cast %eq3A_129 : vector<1x512xi1> to vector<1x512xi1>
    %broadcast_in_dim3A_137 = vector.broadcast %broadcast_in_dim3A_136 : vector<1x512xi1> to vector<32x512xi1>
    %select_n3A_138 = arith.select %broadcast_in_dim3A_137, %get3A_135, %select_n3A_126 : vector<32x512xi1>, vector<32x512xf32>
    %eq3A_139 = arith.constant 12 : i32
    %eq3A_140 = vector.broadcast %eq3A_139 : i32 to vector<1x512xi32>
    %eq3A_141 = arith.cmpi eq, %get3A_3, %eq3A_140 : vector<1x512xi32>
    %get3A_142 = arith.constant 0 : index
    %get3A_143 = arith.constant 12 : index
    %get3A_144 = arith.constant 0 : index
    %get3A_145 = arith.constant 0 : index
    %get3A_146 = vector.load %arg2[%get3A_142, %get3A_143, %get3A_144, %get3A_145] : memref<1x64x32x512xf32, #tpu.memory_space<vmem>>, vector<1x1x32x512xf32>
    %get3A_147 = vector.shape_cast %get3A_146 : vector<1x1x32x512xf32> to vector<32x512xf32>
    %broadcast_in_dim3A_148 = vector.shape_cast %eq3A_141 : vector<1x512xi1> to vector<1x512xi1>
    %broadcast_in_dim3A_149 = vector.broadcast %broadcast_in_dim3A_148 : vector<1x512xi1> to vector<32x512xi1>
    %select_n3A_150 = arith.select %broadcast_in_dim3A_149, %get3A_147, %select_n3A_138 : vector<32x512xi1>, vector<32x512xf32>
    %eq3A_151 = arith.constant 13 : i32
    %eq3A_152 = vector.broadcast %eq3A_151 : i32 to vector<1x512xi32>
    %eq3A_153 = arith.cmpi eq, %get3A_3, %eq3A_152 : vector<1x512xi32>
    %get3A_154 = arith.constant 0 : index
    %get3A_155 = arith.constant 13 : index
    %get3A_156 = arith.constant 0 : index
    %get3A_157 = arith.constant 0 : index
    %get3A_158 = vector.load %arg2[%get3A_154, %get3A_155, %get3A_156, %get3A_157] : memref<1x64x32x512xf32, #tpu.memory_space<vmem>>, vector<1x1x32x512xf32>
    %get3A_159 = vector.shape_cast %get3A_158 : vector<1x1x32x512xf32> to vector<32x512xf32>
    %broadcast_in_dim3A_160 = vector.shape_cast %eq3A_153 : vector<1x512xi1> to vector<1x512xi1>
    %broadcast_in_dim3A_161 = vector.broadcast %broadcast_in_dim3A_160 : vector<1x512xi1> to vector<32x512xi1>
    %select_n3A_162 = arith.select %broadcast_in_dim3A_161, %get3A_159, %select_n3A_150 : vector<32x512xi1>, vector<32x512xf32>
    %eq3A_163 = arith.constant 14 : i32
    %eq3A_164 = vector.broadcast %eq3A_163 : i32 to vector<1x512xi32>
    %eq3A_165 = arith.cmpi eq, %get3A_3, %eq3A_164 : vector<1x512xi32>
    %get3A_166 = arith.constant 0 : index
    %get3A_167 = arith.constant 14 : index
    %get3A_168 = arith.constant 0 : index
    %get3A_169 = arith.constant 0 : index
    %get3A_170 = vector.load %arg2[%get3A_166, %get3A_167, %get3A_168, %get3A_169] : memref<1x64x32x512xf32, #tpu.memory_space<vmem>>, vector<1x1x32x512xf32>
    %get3A_171 = vector.shape_cast %get3A_170 : vector<1x1x32x512xf32> to vector<32x512xf32>
    %broadcast_in_dim3A_172 = vector.shape_cast %eq3A_165 : vector<1x512xi1> to vector<1x512xi1>
    %broadcast_in_dim3A_173 = vector.broadcast %broadcast_in_dim3A_172 : vector<1x512xi1> to vector<32x512xi1>
    %select_n3A_174 = arith.select %broadcast_in_dim3A_173, %get3A_171, %select_n3A_162 : vector<32x512xi1>, vector<32x512xf32>
    %eq3A_175 = arith.constant 15 : i32
    %eq3A_176 = vector.broadcast %eq3A_175 : i32 to vector<1x512xi32>
    %eq3A_177 = arith.cmpi eq, %get3A_3, %eq3A_176 : vector<1x512xi32>
    %get3A_178 = arith.constant 0 : index
    %get3A_179 = arith.constant 15 : index
    %get3A_180 = arith.constant 0 : index
    %get3A_181 = arith.constant 0 : index
    %get3A_182 = vector.load %arg2[%get3A_178, %get3A_179, %get3A_180, %get3A_181] : memref<1x64x32x512xf32, #tpu.memory_space<vmem>>, vector<1x1x32x512xf32>
    %get3A_183 = vector.shape_cast %get3A_182 : vector<1x1x32x512xf32> to vector<32x512xf32>
    %broadcast_in_dim3A_184 = vector.shape_cast %eq3A_177 : vector<1x512xi1> to vector<1x512xi1>
    %broadcast_in_dim3A_185 = vector.broadcast %broadcast_in_dim3A_184 : vector<1x512xi1> to vector<32x512xi1>
    %select_n3A_186 = arith.select %broadcast_in_dim3A_185, %get3A_183, %select_n3A_174 : vector<32x512xi1>, vector<32x512xf32>
    %eq3A_187 = arith.constant 16 : i32
    %eq3A_188 = vector.broadcast %eq3A_187 : i32 to vector<1x512xi32>
    %eq3A_189 = arith.cmpi eq, %get3A_3, %eq3A_188 : vector<1x512xi32>
    %get3A_190 = arith.constant 0 : index
    %get3A_191 = arith.constant 16 : index
    %get3A_192 = arith.constant 0 : index
    %get3A_193 = arith.constant 0 : index
    %get3A_194 = vector.load %arg2[%get3A_190, %get3A_191, %get3A_192, %get3A_193] : memref<1x64x32x512xf32, #tpu.memory_space<vmem>>, vector<1x1x32x512xf32>
    %get3A_195 = vector.shape_cast %get3A_194 : vector<1x1x32x512xf32> to vector<32x512xf32>
    %broadcast_in_dim3A_196 = vector.shape_cast %eq3A_189 : vector<1x512xi1> to vector<1x512xi1>
    %broadcast_in_dim3A_197 = vector.broadcast %broadcast_in_dim3A_196 : vector<1x512xi1> to vector<32x512xi1>
    %select_n3A_198 = arith.select %broadcast_in_dim3A_197, %get3A_195, %select_n3A_186 : vector<32x512xi1>, vector<32x512xf32>
    %eq3A_199 = arith.constant 17 : i32
    %eq3A_200 = vector.broadcast %eq3A_199 : i32 to vector<1x512xi32>
    %eq3A_201 = arith.cmpi eq, %get3A_3, %eq3A_200 : vector<1x512xi32>
    %get3A_202 = arith.constant 0 : index
    %get3A_203 = arith.constant 17 : index
    %get3A_204 = arith.constant 0 : index
    %get3A_205 = arith.constant 0 : index
    %get3A_206 = vector.load %arg2[%get3A_202, %get3A_203, %get3A_204, %get3A_205] : memref<1x64x32x512xf32, #tpu.memory_space<vmem>>, vector<1x1x32x512xf32>
    %get3A_207 = vector.shape_cast %get3A_206 : vector<1x1x32x512xf32> to vector<32x512xf32>
    %broadcast_in_dim3A_208 = vector.shape_cast %eq3A_201 : vector<1x512xi1> to vector<1x512xi1>
    %broadcast_in_dim3A_209 = vector.broadcast %broadcast_in_dim3A_208 : vector<1x512xi1> to vector<32x512xi1>
    %select_n3A_210 = arith.select %broadcast_in_dim3A_209, %get3A_207, %select_n3A_198 : vector<32x512xi1>, vector<32x512xf32>
    %eq3A_211 = arith.constant 18 : i32
    %eq3A_212 = vector.broadcast %eq3A_211 : i32 to vector<1x512xi32>
    %eq3A_213 = arith.cmpi eq, %get3A_3, %eq3A_212 : vector<1x512xi32>
    %get3A_214 = arith.constant 0 : index
    %get3A_215 = arith.constant 18 : index
    %get3A_216 = arith.constant 0 : index
    %get3A_217 = arith.constant 0 : index
    %get3A_218 = vector.load %arg2[%get3A_214, %get3A_215, %get3A_216, %get3A_217] : memref<1x64x32x512xf32, #tpu.memory_space<vmem>>, vector<1x1x32x512xf32>
    %get3A_219 = vector.shape_cast %get3A_218 : vector<1x1x32x512xf32> to vector<32x512xf32>
    %broadcast_in_dim3A_220 = vector.shape_cast %eq3A_213 : vector<1x512xi1> to vector<1x512xi1>
    %broadcast_in_dim3A_221 = vector.broadcast %broadcast_in_dim3A_220 : vector<1x512xi1> to vector<32x512xi1>
    %select_n3A_222 = arith.select %broadcast_in_dim3A_221, %get3A_219, %select_n3A_210 : vector<32x512xi1>, vector<32x512xf32>
    %eq3A_223 = arith.constant 19 : i32
    %eq3A_224 = vector.broadcast %eq3A_223 : i32 to vector<1x512xi32>
    %eq3A_225 = arith.cmpi eq, %get3A_3, %eq3A_224 : vector<1x512xi32>
    %get3A_226 = arith.constant 0 : index
    %get3A_227 = arith.constant 19 : index
    %get3A_228 = arith.constant 0 : index
    %get3A_229 = arith.constant 0 : index
    %get3A_230 = vector.load %arg2[%get3A_226, %get3A_227, %get3A_228, %get3A_229] : memref<1x64x32x512xf32, #tpu.memory_space<vmem>>, vector<1x1x32x512xf32>
    %get3A_231 = vector.shape_cast %get3A_230 : vector<1x1x32x512xf32> to vector<32x512xf32>
    %broadcast_in_dim3A_232 = vector.shape_cast %eq3A_225 : vector<1x512xi1> to vector<1x512xi1>
    %broadcast_in_dim3A_233 = vector.broadcast %broadcast_in_dim3A_232 : vector<1x512xi1> to vector<32x512xi1>
    %select_n3A_234 = arith.select %broadcast_in_dim3A_233, %get3A_231, %select_n3A_222 : vector<32x512xi1>, vector<32x512xf32>
    %eq3A_235 = arith.constant 20 : i32
    %eq3A_236 = vector.broadcast %eq3A_235 : i32 to vector<1x512xi32>
    %eq3A_237 = arith.cmpi eq, %get3A_3, %eq3A_236 : vector<1x512xi32>
    %get3A_238 = arith.constant 0 : index
    %get3A_239 = arith.constant 20 : index
    %get3A_240 = arith.constant 0 : index
    %get3A_241 = arith.constant 0 : index
    %get3A_242 = vector.load %arg2[%get3A_238, %get3A_239, %get3A_240, %get3A_241] : memref<1x64x32x512xf32, #tpu.memory_space<vmem>>, vector<1x1x32x512xf32>
    %get3A_243 = vector.shape_cast %get3A_242 : vector<1x1x32x512xf32> to vector<32x512xf32>
    %broadcast_in_dim3A_244 = vector.shape_cast %eq3A_237 : vector<1x512xi1> to vector<1x512xi1>
    %broadcast_in_dim3A_245 = vector.broadcast %broadcast_in_dim3A_244 : vector<1x512xi1> to vector<32x512xi1>
    %select_n3A_246 = arith.select %broadcast_in_dim3A_245, %get3A_243, %select_n3A_234 : vector<32x512xi1>, vector<32x512xf32>
    %eq3A_247 = arith.constant 21 : i32
    %eq3A_248 = vector.broadcast %eq3A_247 : i32 to vector<1x512xi32>
    %eq3A_249 = arith.cmpi eq, %get3A_3, %eq3A_248 : vector<1x512xi32>
    %get3A_250 = arith.constant 0 : index
    %get3A_251 = arith.constant 21 : index
    %get3A_252 = arith.constant 0 : index
    %get3A_253 = arith.constant 0 : index
    %get3A_254 = vector.load %arg2[%get3A_250, %get3A_251, %get3A_252, %get3A_253] : memref<1x64x32x512xf32, #tpu.memory_space<vmem>>, vector<1x1x32x512xf32>
    %get3A_255 = vector.shape_cast %get3A_254 : vector<1x1x32x512xf32> to vector<32x512xf32>
    %broadcast_in_dim3A_256 = vector.shape_cast %eq3A_249 : vector<1x512xi1> to vector<1x512xi1>
    %broadcast_in_dim3A_257 = vector.broadcast %broadcast_in_dim3A_256 : vector<1x512xi1> to vector<32x512xi1>
    %select_n3A_258 = arith.select %broadcast_in_dim3A_257, %get3A_255, %select_n3A_246 : vector<32x512xi1>, vector<32x512xf32>
    %eq3A_259 = arith.constant 22 : i32
    %eq3A_260 = vector.broadcast %eq3A_259 : i32 to vector<1x512xi32>
    %eq3A_261 = arith.cmpi eq, %get3A_3, %eq3A_260 : vector<1x512xi32>
    %get3A_262 = arith.constant 0 : index
    %get3A_263 = arith.constant 22 : index
    %get3A_264 = arith.constant 0 : index
    %get3A_265 = arith.constant 0 : index
    %get3A_266 = vector.load %arg2[%get3A_262, %get3A_263, %get3A_264, %get3A_265] : memref<1x64x32x512xf32, #tpu.memory_space<vmem>>, vector<1x1x32x512xf32>
    %get3A_267 = vector.shape_cast %get3A_266 : vector<1x1x32x512xf32> to vector<32x512xf32>
    %broadcast_in_dim3A_268 = vector.shape_cast %eq3A_261 : vector<1x512xi1> to vector<1x512xi1>
    %broadcast_in_dim3A_269 = vector.broadcast %broadcast_in_dim3A_268 : vector<1x512xi1> to vector<32x512xi1>
    %select_n3A_270 = arith.select %broadcast_in_dim3A_269, %get3A_267, %select_n3A_258 : vector<32x512xi1>, vector<32x512xf32>
    %eq3A_271 = arith.constant 23 : i32
    %eq3A_272 = vector.broadcast %eq3A_271 : i32 to vector<1x512xi32>
    %eq3A_273 = arith.cmpi eq, %get3A_3, %eq3A_272 : vector<1x512xi32>
    %get3A_274 = arith.constant 0 : index
    %get3A_275 = arith.constant 23 : index
    %get3A_276 = arith.constant 0 : index
    %get3A_277 = arith.constant 0 : index
    %get3A_278 = vector.load %arg2[%get3A_274, %get3A_275, %get3A_276, %get3A_277] : memref<1x64x32x512xf32, #tpu.memory_space<vmem>>, vector<1x1x32x512xf32>
    %get3A_279 = vector.shape_cast %get3A_278 : vector<1x1x32x512xf32> to vector<32x512xf32>
    %broadcast_in_dim3A_280 = vector.shape_cast %eq3A_273 : vector<1x512xi1> to vector<1x512xi1>
    %broadcast_in_dim3A_281 = vector.broadcast %broadcast_in_dim3A_280 : vector<1x512xi1> to vector<32x512xi1>
    %select_n3A_282 = arith.select %broadcast_in_dim3A_281, %get3A_279, %select_n3A_270 : vector<32x512xi1>, vector<32x512xf32>
    %eq3A_283 = arith.constant 24 : i32
    %eq3A_284 = vector.broadcast %eq3A_283 : i32 to vector<1x512xi32>
    %eq3A_285 = arith.cmpi eq, %get3A_3, %eq3A_284 : vector<1x512xi32>
    %get3A_286 = arith.constant 0 : index
    %get3A_287 = arith.constant 24 : index
    %get3A_288 = arith.constant 0 : index
    %get3A_289 = arith.constant 0 : index
    %get3A_290 = vector.load %arg2[%get3A_286, %get3A_287, %get3A_288, %get3A_289] : memref<1x64x32x512xf32, #tpu.memory_space<vmem>>, vector<1x1x32x512xf32>
    %get3A_291 = vector.shape_cast %get3A_290 : vector<1x1x32x512xf32> to vector<32x512xf32>
    %broadcast_in_dim3A_292 = vector.shape_cast %eq3A_285 : vector<1x512xi1> to vector<1x512xi1>
    %broadcast_in_dim3A_293 = vector.broadcast %broadcast_in_dim3A_292 : vector<1x512xi1> to vector<32x512xi1>
    %select_n3A_294 = arith.select %broadcast_in_dim3A_293, %get3A_291, %select_n3A_282 : vector<32x512xi1>, vector<32x512xf32>
    %eq3A_295 = arith.constant 25 : i32
    %eq3A_296 = vector.broadcast %eq3A_295 : i32 to vector<1x512xi32>
    %eq3A_297 = arith.cmpi eq, %get3A_3, %eq3A_296 : vector<1x512xi32>
    %get3A_298 = arith.constant 0 : index
    %get3A_299 = arith.constant 25 : index
    %get3A_300 = arith.constant 0 : index
    %get3A_301 = arith.constant 0 : index
    %get3A_302 = vector.load %arg2[%get3A_298, %get3A_299, %get3A_300, %get3A_301] : memref<1x64x32x512xf32, #tpu.memory_space<vmem>>, vector<1x1x32x512xf32>
    %get3A_303 = vector.shape_cast %get3A_302 : vector<1x1x32x512xf32> to vector<32x512xf32>
    %broadcast_in_dim3A_304 = vector.shape_cast %eq3A_297 : vector<1x512xi1> to vector<1x512xi1>
    %broadcast_in_dim3A_305 = vector.broadcast %broadcast_in_dim3A_304 : vector<1x512xi1> to vector<32x512xi1>
    %select_n3A_306 = arith.select %broadcast_in_dim3A_305, %get3A_303, %select_n3A_294 : vector<32x512xi1>, vector<32x512xf32>
    %eq3A_307 = arith.constant 26 : i32
    %eq3A_308 = vector.broadcast %eq3A_307 : i32 to vector<1x512xi32>
    %eq3A_309 = arith.cmpi eq, %get3A_3, %eq3A_308 : vector<1x512xi32>
    %get3A_310 = arith.constant 0 : index
    %get3A_311 = arith.constant 26 : index
    %get3A_312 = arith.constant 0 : index
    %get3A_313 = arith.constant 0 : index
    %get3A_314 = vector.load %arg2[%get3A_310, %get3A_311, %get3A_312, %get3A_313] : memref<1x64x32x512xf32, #tpu.memory_space<vmem>>, vector<1x1x32x512xf32>
    %get3A_315 = vector.shape_cast %get3A_314 : vector<1x1x32x512xf32> to vector<32x512xf32>
    %broadcast_in_dim3A_316 = vector.shape_cast %eq3A_309 : vector<1x512xi1> to vector<1x512xi1>
    %broadcast_in_dim3A_317 = vector.broadcast %broadcast_in_dim3A_316 : vector<1x512xi1> to vector<32x512xi1>
    %select_n3A_318 = arith.select %broadcast_in_dim3A_317, %get3A_315, %select_n3A_306 : vector<32x512xi1>, vector<32x512xf32>
    %eq3A_319 = arith.constant 27 : i32
    %eq3A_320 = vector.broadcast %eq3A_319 : i32 to vector<1x512xi32>
    %eq3A_321 = arith.cmpi eq, %get3A_3, %eq3A_320 : vector<1x512xi32>
    %get3A_322 = arith.constant 0 : index
    %get3A_323 = arith.constant 27 : index
    %get3A_324 = arith.constant 0 : index
    %get3A_325 = arith.constant 0 : index
    %get3A_326 = vector.load %arg2[%get3A_322, %get3A_323, %get3A_324, %get3A_325] : memref<1x64x32x512xf32, #tpu.memory_space<vmem>>, vector<1x1x32x512xf32>
    %get3A_327 = vector.shape_cast %get3A_326 : vector<1x1x32x512xf32> to vector<32x512xf32>
    %broadcast_in_dim3A_328 = vector.shape_cast %eq3A_321 : vector<1x512xi1> to vector<1x512xi1>
    %broadcast_in_dim3A_329 = vector.broadcast %broadcast_in_dim3A_328 : vector<1x512xi1> to vector<32x512xi1>
    %select_n3A_330 = arith.select %broadcast_in_dim3A_329, %get3A_327, %select_n3A_318 : vector<32x512xi1>, vector<32x512xf32>
    %eq3A_331 = arith.constant 28 : i32
    %eq3A_332 = vector.broadcast %eq3A_331 : i32 to vector<1x512xi32>
    %eq3A_333 = arith.cmpi eq, %get3A_3, %eq3A_332 : vector<1x512xi32>
    %get3A_334 = arith.constant 0 : index
    %get3A_335 = arith.constant 28 : index
    %get3A_336 = arith.constant 0 : index
    %get3A_337 = arith.constant 0 : index
    %get3A_338 = vector.load %arg2[%get3A_334, %get3A_335, %get3A_336, %get3A_337] : memref<1x64x32x512xf32, #tpu.memory_space<vmem>>, vector<1x1x32x512xf32>
    %get3A_339 = vector.shape_cast %get3A_338 : vector<1x1x32x512xf32> to vector<32x512xf32>
    %broadcast_in_dim3A_340 = vector.shape_cast %eq3A_333 : vector<1x512xi1> to vector<1x512xi1>
    %broadcast_in_dim3A_341 = vector.broadcast %broadcast_in_dim3A_340 : vector<1x512xi1> to vector<32x512xi1>
    %select_n3A_342 = arith.select %broadcast_in_dim3A_341, %get3A_339, %select_n3A_330 : vector<32x512xi1>, vector<32x512xf32>
    %eq3A_343 = arith.constant 29 : i32
    %eq3A_344 = vector.broadcast %eq3A_343 : i32 to vector<1x512xi32>
    %eq3A_345 = arith.cmpi eq, %get3A_3, %eq3A_344 : vector<1x512xi32>
    %get3A_346 = arith.constant 0 : index
    %get3A_347 = arith.constant 29 : index
    %get3A_348 = arith.constant 0 : index
    %get3A_349 = arith.constant 0 : index
    %get3A_350 = vector.load %arg2[%get3A_346, %get3A_347, %get3A_348, %get3A_349] : memref<1x64x32x512xf32, #tpu.memory_space<vmem>>, vector<1x1x32x512xf32>
    %get3A_351 = vector.shape_cast %get3A_350 : vector<1x1x32x512xf32> to vector<32x512xf32>
    %broadcast_in_dim3A_352 = vector.shape_cast %eq3A_345 : vector<1x512xi1> to vector<1x512xi1>
    %broadcast_in_dim3A_353 = vector.broadcast %broadcast_in_dim3A_352 : vector<1x512xi1> to vector<32x512xi1>
    %select_n3A_354 = arith.select %broadcast_in_dim3A_353, %get3A_351, %select_n3A_342 : vector<32x512xi1>, vector<32x512xf32>
    %eq3A_355 = arith.constant 30 : i32
    %eq3A_356 = vector.broadcast %eq3A_355 : i32 to vector<1x512xi32>
    %eq3A_357 = arith.cmpi eq, %get3A_3, %eq3A_356 : vector<1x512xi32>
    %get3A_358 = arith.constant 0 : index
    %get3A_359 = arith.constant 30 : index
    %get3A_360 = arith.constant 0 : index
    %get3A_361 = arith.constant 0 : index
    %get3A_362 = vector.load %arg2[%get3A_358, %get3A_359, %get3A_360, %get3A_361] : memref<1x64x32x512xf32, #tpu.memory_space<vmem>>, vector<1x1x32x512xf32>
    %get3A_363 = vector.shape_cast %get3A_362 : vector<1x1x32x512xf32> to vector<32x512xf32>
    %broadcast_in_dim3A_364 = vector.shape_cast %eq3A_357 : vector<1x512xi1> to vector<1x512xi1>
    %broadcast_in_dim3A_365 = vector.broadcast %broadcast_in_dim3A_364 : vector<1x512xi1> to vector<32x512xi1>
    %select_n3A_366 = arith.select %broadcast_in_dim3A_365, %get3A_363, %select_n3A_354 : vector<32x512xi1>, vector<32x512xf32>
    %eq3A_367 = arith.constant 31 : i32
    %eq3A_368 = vector.broadcast %eq3A_367 : i32 to vector<1x512xi32>
    %eq3A_369 = arith.cmpi eq, %get3A_3, %eq3A_368 : vector<1x512xi32>
    %get3A_370 = arith.constant 0 : index
    %get3A_371 = arith.constant 31 : index
    %get3A_372 = arith.constant 0 : index
    %get3A_373 = arith.constant 0 : index
    %get3A_374 = vector.load %arg2[%get3A_370, %get3A_371, %get3A_372, %get3A_373] : memref<1x64x32x512xf32, #tpu.memory_space<vmem>>, vector<1x1x32x512xf32>
    %get3A_375 = vector.shape_cast %get3A_374 : vector<1x1x32x512xf32> to vector<32x512xf32>
    %broadcast_in_dim3A_376 = vector.shape_cast %eq3A_369 : vector<1x512xi1> to vector<1x512xi1>
    %broadcast_in_dim3A_377 = vector.broadcast %broadcast_in_dim3A_376 : vector<1x512xi1> to vector<32x512xi1>
    %select_n3A_378 = arith.select %broadcast_in_dim3A_377, %get3A_375, %select_n3A_366 : vector<32x512xi1>, vector<32x512xf32>
    %eq3A_379 = arith.constant 32 : i32
    %eq3A_380 = vector.broadcast %eq3A_379 : i32 to vector<1x512xi32>
    %eq3A_381 = arith.cmpi eq, %get3A_3, %eq3A_380 : vector<1x512xi32>
    %get3A_382 = arith.constant 0 : index
    %get3A_383 = arith.constant 32 : index
    %get3A_384 = arith.constant 0 : index
    %get3A_385 = arith.constant 0 : index
    %get3A_386 = vector.load %arg2[%get3A_382, %get3A_383, %get3A_384, %get3A_385] : memref<1x64x32x512xf32, #tpu.memory_space<vmem>>, vector<1x1x32x512xf32>
    %get3A_387 = vector.shape_cast %get3A_386 : vector<1x1x32x512xf32> to vector<32x512xf32>
    %broadcast_in_dim3A_388 = vector.shape_cast %eq3A_381 : vector<1x512xi1> to vector<1x512xi1>
    %broadcast_in_dim3A_389 = vector.broadcast %broadcast_in_dim3A_388 : vector<1x512xi1> to vector<32x512xi1>
    %select_n3A_390 = arith.select %broadcast_in_dim3A_389, %get3A_387, %select_n3A_378 : vector<32x512xi1>, vector<32x512xf32>
    %eq3A_391 = arith.constant 33 : i32
    %eq3A_392 = vector.broadcast %eq3A_391 : i32 to vector<1x512xi32>
    %eq3A_393 = arith.cmpi eq, %get3A_3, %eq3A_392 : vector<1x512xi32>
    %get3A_394 = arith.constant 0 : index
    %get3A_395 = arith.constant 33 : index
    %get3A_396 = arith.constant 0 : index
    %get3A_397 = arith.constant 0 : index
    %get3A_398 = vector.load %arg2[%get3A_394, %get3A_395, %get3A_396, %get3A_397] : memref<1x64x32x512xf32, #tpu.memory_space<vmem>>, vector<1x1x32x512xf32>
    %get3A_399 = vector.shape_cast %get3A_398 : vector<1x1x32x512xf32> to vector<32x512xf32>
    %broadcast_in_dim3A_400 = vector.shape_cast %eq3A_393 : vector<1x512xi1> to vector<1x512xi1>
    %broadcast_in_dim3A_401 = vector.broadcast %broadcast_in_dim3A_400 : vector<1x512xi1> to vector<32x512xi1>
    %select_n3A_402 = arith.select %broadcast_in_dim3A_401, %get3A_399, %select_n3A_390 : vector<32x512xi1>, vector<32x512xf32>
    %eq3A_403 = arith.constant 34 : i32
    %eq3A_404 = vector.broadcast %eq3A_403 : i32 to vector<1x512xi32>
    %eq3A_405 = arith.cmpi eq, %get3A_3, %eq3A_404 : vector<1x512xi32>
    %get3A_406 = arith.constant 0 : index
    %get3A_407 = arith.constant 34 : index
    %get3A_408 = arith.constant 0 : index
    %get3A_409 = arith.constant 0 : index
    %get3A_410 = vector.load %arg2[%get3A_406, %get3A_407, %get3A_408, %get3A_409] : memref<1x64x32x512xf32, #tpu.memory_space<vmem>>, vector<1x1x32x512xf32>
    %get3A_411 = vector.shape_cast %get3A_410 : vector<1x1x32x512xf32> to vector<32x512xf32>
    %broadcast_in_dim3A_412 = vector.shape_cast %eq3A_405 : vector<1x512xi1> to vector<1x512xi1>
    %broadcast_in_dim3A_413 = vector.broadcast %broadcast_in_dim3A_412 : vector<1x512xi1> to vector<32x512xi1>
    %select_n3A_414 = arith.select %broadcast_in_dim3A_413, %get3A_411, %select_n3A_402 : vector<32x512xi1>, vector<32x512xf32>
    %eq3A_415 = arith.constant 35 : i32
    %eq3A_416 = vector.broadcast %eq3A_415 : i32 to vector<1x512xi32>
    %eq3A_417 = arith.cmpi eq, %get3A_3, %eq3A_416 : vector<1x512xi32>
    %get3A_418 = arith.constant 0 : index
    %get3A_419 = arith.constant 35 : index
    %get3A_420 = arith.constant 0 : index
    %get3A_421 = arith.constant 0 : index
    %get3A_422 = vector.load %arg2[%get3A_418, %get3A_419, %get3A_420, %get3A_421] : memref<1x64x32x512xf32, #tpu.memory_space<vmem>>, vector<1x1x32x512xf32>
    %get3A_423 = vector.shape_cast %get3A_422 : vector<1x1x32x512xf32> to vector<32x512xf32>
    %broadcast_in_dim3A_424 = vector.shape_cast %eq3A_417 : vector<1x512xi1> to vector<1x512xi1>
    %broadcast_in_dim3A_425 = vector.broadcast %broadcast_in_dim3A_424 : vector<1x512xi1> to vector<32x512xi1>
    %select_n3A_426 = arith.select %broadcast_in_dim3A_425, %get3A_423, %select_n3A_414 : vector<32x512xi1>, vector<32x512xf32>
    %eq3A_427 = arith.constant 36 : i32
    %eq3A_428 = vector.broadcast %eq3A_427 : i32 to vector<1x512xi32>
    %eq3A_429 = arith.cmpi eq, %get3A_3, %eq3A_428 : vector<1x512xi32>
    %get3A_430 = arith.constant 0 : index
    %get3A_431 = arith.constant 36 : index
    %get3A_432 = arith.constant 0 : index
    %get3A_433 = arith.constant 0 : index
    %get3A_434 = vector.load %arg2[%get3A_430, %get3A_431, %get3A_432, %get3A_433] : memref<1x64x32x512xf32, #tpu.memory_space<vmem>>, vector<1x1x32x512xf32>
    %get3A_435 = vector.shape_cast %get3A_434 : vector<1x1x32x512xf32> to vector<32x512xf32>
    %broadcast_in_dim3A_436 = vector.shape_cast %eq3A_429 : vector<1x512xi1> to vector<1x512xi1>
    %broadcast_in_dim3A_437 = vector.broadcast %broadcast_in_dim3A_436 : vector<1x512xi1> to vector<32x512xi1>
    %select_n3A_438 = arith.select %broadcast_in_dim3A_437, %get3A_435, %select_n3A_426 : vector<32x512xi1>, vector<32x512xf32>
    %eq3A_439 = arith.constant 37 : i32
    %eq3A_440 = vector.broadcast %eq3A_439 : i32 to vector<1x512xi32>
    %eq3A_441 = arith.cmpi eq, %get3A_3, %eq3A_440 : vector<1x512xi32>
    %get3A_442 = arith.constant 0 : index
    %get3A_443 = arith.constant 37 : index
    %get3A_444 = arith.constant 0 : index
    %get3A_445 = arith.constant 0 : index
    %get3A_446 = vector.load %arg2[%get3A_442, %get3A_443, %get3A_444, %get3A_445] : memref<1x64x32x512xf32, #tpu.memory_space<vmem>>, vector<1x1x32x512xf32>
    %get3A_447 = vector.shape_cast %get3A_446 : vector<1x1x32x512xf32> to vector<32x512xf32>
    %broadcast_in_dim3A_448 = vector.shape_cast %eq3A_441 : vector<1x512xi1> to vector<1x512xi1>
    %broadcast_in_dim3A_449 = vector.broadcast %broadcast_in_dim3A_448 : vector<1x512xi1> to vector<32x512xi1>
    %select_n3A_450 = arith.select %broadcast_in_dim3A_449, %get3A_447, %select_n3A_438 : vector<32x512xi1>, vector<32x512xf32>
    %eq3A_451 = arith.constant 38 : i32
    %eq3A_452 = vector.broadcast %eq3A_451 : i32 to vector<1x512xi32>
    %eq3A_453 = arith.cmpi eq, %get3A_3, %eq3A_452 : vector<1x512xi32>
    %get3A_454 = arith.constant 0 : index
    %get3A_455 = arith.constant 38 : index
    %get3A_456 = arith.constant 0 : index
    %get3A_457 = arith.constant 0 : index
    %get3A_458 = vector.load %arg2[%get3A_454, %get3A_455, %get3A_456, %get3A_457] : memref<1x64x32x512xf32, #tpu.memory_space<vmem>>, vector<1x1x32x512xf32>
    %get3A_459 = vector.shape_cast %get3A_458 : vector<1x1x32x512xf32> to vector<32x512xf32>
    %broadcast_in_dim3A_460 = vector.shape_cast %eq3A_453 : vector<1x512xi1> to vector<1x512xi1>
    %broadcast_in_dim3A_461 = vector.broadcast %broadcast_in_dim3A_460 : vector<1x512xi1> to vector<32x512xi1>
    %select_n3A_462 = arith.select %broadcast_in_dim3A_461, %get3A_459, %select_n3A_450 : vector<32x512xi1>, vector<32x512xf32>
    %eq3A_463 = arith.constant 39 : i32
    %eq3A_464 = vector.broadcast %eq3A_463 : i32 to vector<1x512xi32>
    %eq3A_465 = arith.cmpi eq, %get3A_3, %eq3A_464 : vector<1x512xi32>
    %get3A_466 = arith.constant 0 : index
    %get3A_467 = arith.constant 39 : index
    %get3A_468 = arith.constant 0 : index
    %get3A_469 = arith.constant 0 : index
    %get3A_470 = vector.load %arg2[%get3A_466, %get3A_467, %get3A_468, %get3A_469] : memref<1x64x32x512xf32, #tpu.memory_space<vmem>>, vector<1x1x32x512xf32>
    %get3A_471 = vector.shape_cast %get3A_470 : vector<1x1x32x512xf32> to vector<32x512xf32>
    %broadcast_in_dim3A_472 = vector.shape_cast %eq3A_465 : vector<1x512xi1> to vector<1x512xi1>
    %broadcast_in_dim3A_473 = vector.broadcast %broadcast_in_dim3A_472 : vector<1x512xi1> to vector<32x512xi1>
    %select_n3A_474 = arith.select %broadcast_in_dim3A_473, %get3A_471, %select_n3A_462 : vector<32x512xi1>, vector<32x512xf32>
    %eq3A_475 = arith.constant 40 : i32
    %eq3A_476 = vector.broadcast %eq3A_475 : i32 to vector<1x512xi32>
    %eq3A_477 = arith.cmpi eq, %get3A_3, %eq3A_476 : vector<1x512xi32>
    %get3A_478 = arith.constant 0 : index
    %get3A_479 = arith.constant 40 : index
    %get3A_480 = arith.constant 0 : index
    %get3A_481 = arith.constant 0 : index
    %get3A_482 = vector.load %arg2[%get3A_478, %get3A_479, %get3A_480, %get3A_481] : memref<1x64x32x512xf32, #tpu.memory_space<vmem>>, vector<1x1x32x512xf32>
    %get3A_483 = vector.shape_cast %get3A_482 : vector<1x1x32x512xf32> to vector<32x512xf32>
    %broadcast_in_dim3A_484 = vector.shape_cast %eq3A_477 : vector<1x512xi1> to vector<1x512xi1>
    %broadcast_in_dim3A_485 = vector.broadcast %broadcast_in_dim3A_484 : vector<1x512xi1> to vector<32x512xi1>
    %select_n3A_486 = arith.select %broadcast_in_dim3A_485, %get3A_483, %select_n3A_474 : vector<32x512xi1>, vector<32x512xf32>
    %eq3A_487 = arith.constant 41 : i32
    %eq3A_488 = vector.broadcast %eq3A_487 : i32 to vector<1x512xi32>
    %eq3A_489 = arith.cmpi eq, %get3A_3, %eq3A_488 : vector<1x512xi32>
    %get3A_490 = arith.constant 0 : index
    %get3A_491 = arith.constant 41 : index
    %get3A_492 = arith.constant 0 : index
    %get3A_493 = arith.constant 0 : index
    %get3A_494 = vector.load %arg2[%get3A_490, %get3A_491, %get3A_492, %get3A_493] : memref<1x64x32x512xf32, #tpu.memory_space<vmem>>, vector<1x1x32x512xf32>
    %get3A_495 = vector.shape_cast %get3A_494 : vector<1x1x32x512xf32> to vector<32x512xf32>
    %broadcast_in_dim3A_496 = vector.shape_cast %eq3A_489 : vector<1x512xi1> to vector<1x512xi1>
    %broadcast_in_dim3A_497 = vector.broadcast %broadcast_in_dim3A_496 : vector<1x512xi1> to vector<32x512xi1>
    %select_n3A_498 = arith.select %broadcast_in_dim3A_497, %get3A_495, %select_n3A_486 : vector<32x512xi1>, vector<32x512xf32>
    %eq3A_499 = arith.constant 42 : i32
    %eq3A_500 = vector.broadcast %eq3A_499 : i32 to vector<1x512xi32>
    %eq3A_501 = arith.cmpi eq, %get3A_3, %eq3A_500 : vector<1x512xi32>
    %get3A_502 = arith.constant 0 : index
    %get3A_503 = arith.constant 42 : index
    %get3A_504 = arith.constant 0 : index
    %get3A_505 = arith.constant 0 : index
    %get3A_506 = vector.load %arg2[%get3A_502, %get3A_503, %get3A_504, %get3A_505] : memref<1x64x32x512xf32, #tpu.memory_space<vmem>>, vector<1x1x32x512xf32>
    %get3A_507 = vector.shape_cast %get3A_506 : vector<1x1x32x512xf32> to vector<32x512xf32>
    %broadcast_in_dim3A_508 = vector.shape_cast %eq3A_501 : vector<1x512xi1> to vector<1x512xi1>
    %broadcast_in_dim3A_509 = vector.broadcast %broadcast_in_dim3A_508 : vector<1x512xi1> to vector<32x512xi1>
    %select_n3A_510 = arith.select %broadcast_in_dim3A_509, %get3A_507, %select_n3A_498 : vector<32x512xi1>, vector<32x512xf32>
    %eq3A_511 = arith.constant 43 : i32
    %eq3A_512 = vector.broadcast %eq3A_511 : i32 to vector<1x512xi32>
    %eq3A_513 = arith.cmpi eq, %get3A_3, %eq3A_512 : vector<1x512xi32>
    %get3A_514 = arith.constant 0 : index
    %get3A_515 = arith.constant 43 : index
    %get3A_516 = arith.constant 0 : index
    %get3A_517 = arith.constant 0 : index
    %get3A_518 = vector.load %arg2[%get3A_514, %get3A_515, %get3A_516, %get3A_517] : memref<1x64x32x512xf32, #tpu.memory_space<vmem>>, vector<1x1x32x512xf32>
    %get3A_519 = vector.shape_cast %get3A_518 : vector<1x1x32x512xf32> to vector<32x512xf32>
    %broadcast_in_dim3A_520 = vector.shape_cast %eq3A_513 : vector<1x512xi1> to vector<1x512xi1>
    %broadcast_in_dim3A_521 = vector.broadcast %broadcast_in_dim3A_520 : vector<1x512xi1> to vector<32x512xi1>
    %select_n3A_522 = arith.select %broadcast_in_dim3A_521, %get3A_519, %select_n3A_510 : vector<32x512xi1>, vector<32x512xf32>
    %eq3A_523 = arith.constant 44 : i32
    %eq3A_524 = vector.broadcast %eq3A_523 : i32 to vector<1x512xi32>
    %eq3A_525 = arith.cmpi eq, %get3A_3, %eq3A_524 : vector<1x512xi32>
    %get3A_526 = arith.constant 0 : index
    %get3A_527 = arith.constant 44 : index
    %get3A_528 = arith.constant 0 : index
    %get3A_529 = arith.constant 0 : index
    %get3A_530 = vector.load %arg2[%get3A_526, %get3A_527, %get3A_528, %get3A_529] : memref<1x64x32x512xf32, #tpu.memory_space<vmem>>, vector<1x1x32x512xf32>
    %get3A_531 = vector.shape_cast %get3A_530 : vector<1x1x32x512xf32> to vector<32x512xf32>
    %broadcast_in_dim3A_532 = vector.shape_cast %eq3A_525 : vector<1x512xi1> to vector<1x512xi1>
    %broadcast_in_dim3A_533 = vector.broadcast %broadcast_in_dim3A_532 : vector<1x512xi1> to vector<32x512xi1>
    %select_n3A_534 = arith.select %broadcast_in_dim3A_533, %get3A_531, %select_n3A_522 : vector<32x512xi1>, vector<32x512xf32>
    %eq3A_535 = arith.constant 45 : i32
    %eq3A_536 = vector.broadcast %eq3A_535 : i32 to vector<1x512xi32>
    %eq3A_537 = arith.cmpi eq, %get3A_3, %eq3A_536 : vector<1x512xi32>
    %get3A_538 = arith.constant 0 : index
    %get3A_539 = arith.constant 45 : index
    %get3A_540 = arith.constant 0 : index
    %get3A_541 = arith.constant 0 : index
    %get3A_542 = vector.load %arg2[%get3A_538, %get3A_539, %get3A_540, %get3A_541] : memref<1x64x32x512xf32, #tpu.memory_space<vmem>>, vector<1x1x32x512xf32>
    %get3A_543 = vector.shape_cast %get3A_542 : vector<1x1x32x512xf32> to vector<32x512xf32>
    %broadcast_in_dim3A_544 = vector.shape_cast %eq3A_537 : vector<1x512xi1> to vector<1x512xi1>
    %broadcast_in_dim3A_545 = vector.broadcast %broadcast_in_dim3A_544 : vector<1x512xi1> to vector<32x512xi1>
    %select_n3A_546 = arith.select %broadcast_in_dim3A_545, %get3A_543, %select_n3A_534 : vector<32x512xi1>, vector<32x512xf32>
    %eq3A_547 = arith.constant 46 : i32
    %eq3A_548 = vector.broadcast %eq3A_547 : i32 to vector<1x512xi32>
    %eq3A_549 = arith.cmpi eq, %get3A_3, %eq3A_548 : vector<1x512xi32>
    %get3A_550 = arith.constant 0 : index
    %get3A_551 = arith.constant 46 : index
    %get3A_552 = arith.constant 0 : index
    %get3A_553 = arith.constant 0 : index
    %get3A_554 = vector.load %arg2[%get3A_550, %get3A_551, %get3A_552, %get3A_553] : memref<1x64x32x512xf32, #tpu.memory_space<vmem>>, vector<1x1x32x512xf32>
    %get3A_555 = vector.shape_cast %get3A_554 : vector<1x1x32x512xf32> to vector<32x512xf32>
    %broadcast_in_dim3A_556 = vector.shape_cast %eq3A_549 : vector<1x512xi1> to vector<1x512xi1>
    %broadcast_in_dim3A_557 = vector.broadcast %broadcast_in_dim3A_556 : vector<1x512xi1> to vector<32x512xi1>
    %select_n3A_558 = arith.select %broadcast_in_dim3A_557, %get3A_555, %select_n3A_546 : vector<32x512xi1>, vector<32x512xf32>
    %eq3A_559 = arith.constant 47 : i32
    %eq3A_560 = vector.broadcast %eq3A_559 : i32 to vector<1x512xi32>
    %eq3A_561 = arith.cmpi eq, %get3A_3, %eq3A_560 : vector<1x512xi32>
    %get3A_562 = arith.constant 0 : index
    %get3A_563 = arith.constant 47 : index
    %get3A_564 = arith.constant 0 : index
    %get3A_565 = arith.constant 0 : index
    %get3A_566 = vector.load %arg2[%get3A_562, %get3A_563, %get3A_564, %get3A_565] : memref<1x64x32x512xf32, #tpu.memory_space<vmem>>, vector<1x1x32x512xf32>
    %get3A_567 = vector.shape_cast %get3A_566 : vector<1x1x32x512xf32> to vector<32x512xf32>
    %broadcast_in_dim3A_568 = vector.shape_cast %eq3A_561 : vector<1x512xi1> to vector<1x512xi1>
    %broadcast_in_dim3A_569 = vector.broadcast %broadcast_in_dim3A_568 : vector<1x512xi1> to vector<32x512xi1>
    %select_n3A_570 = arith.select %broadcast_in_dim3A_569, %get3A_567, %select_n3A_558 : vector<32x512xi1>, vector<32x512xf32>
    %eq3A_571 = arith.constant 48 : i32
    %eq3A_572 = vector.broadcast %eq3A_571 : i32 to vector<1x512xi32>
    %eq3A_573 = arith.cmpi eq, %get3A_3, %eq3A_572 : vector<1x512xi32>
    %get3A_574 = arith.constant 0 : index
    %get3A_575 = arith.constant 48 : index
    %get3A_576 = arith.constant 0 : index
    %get3A_577 = arith.constant 0 : index
    %get3A_578 = vector.load %arg2[%get3A_574, %get3A_575, %get3A_576, %get3A_577] : memref<1x64x32x512xf32, #tpu.memory_space<vmem>>, vector<1x1x32x512xf32>
    %get3A_579 = vector.shape_cast %get3A_578 : vector<1x1x32x512xf32> to vector<32x512xf32>
    %broadcast_in_dim3A_580 = vector.shape_cast %eq3A_573 : vector<1x512xi1> to vector<1x512xi1>
    %broadcast_in_dim3A_581 = vector.broadcast %broadcast_in_dim3A_580 : vector<1x512xi1> to vector<32x512xi1>
    %select_n3A_582 = arith.select %broadcast_in_dim3A_581, %get3A_579, %select_n3A_570 : vector<32x512xi1>, vector<32x512xf32>
    %eq3A_583 = arith.constant 49 : i32
    %eq3A_584 = vector.broadcast %eq3A_583 : i32 to vector<1x512xi32>
    %eq3A_585 = arith.cmpi eq, %get3A_3, %eq3A_584 : vector<1x512xi32>
    %get3A_586 = arith.constant 0 : index
    %get3A_587 = arith.constant 49 : index
    %get3A_588 = arith.constant 0 : index
    %get3A_589 = arith.constant 0 : index
    %get3A_590 = vector.load %arg2[%get3A_586, %get3A_587, %get3A_588, %get3A_589] : memref<1x64x32x512xf32, #tpu.memory_space<vmem>>, vector<1x1x32x512xf32>
    %get3A_591 = vector.shape_cast %get3A_590 : vector<1x1x32x512xf32> to vector<32x512xf32>
    %broadcast_in_dim3A_592 = vector.shape_cast %eq3A_585 : vector<1x512xi1> to vector<1x512xi1>
    %broadcast_in_dim3A_593 = vector.broadcast %broadcast_in_dim3A_592 : vector<1x512xi1> to vector<32x512xi1>
    %select_n3A_594 = arith.select %broadcast_in_dim3A_593, %get3A_591, %select_n3A_582 : vector<32x512xi1>, vector<32x512xf32>
    %eq3A_595 = arith.constant 50 : i32
    %eq3A_596 = vector.broadcast %eq3A_595 : i32 to vector<1x512xi32>
    %eq3A_597 = arith.cmpi eq, %get3A_3, %eq3A_596 : vector<1x512xi32>
    %get3A_598 = arith.constant 0 : index
    %get3A_599 = arith.constant 50 : index
    %get3A_600 = arith.constant 0 : index
    %get3A_601 = arith.constant 0 : index
    %get3A_602 = vector.load %arg2[%get3A_598, %get3A_599, %get3A_600, %get3A_601] : memref<1x64x32x512xf32, #tpu.memory_space<vmem>>, vector<1x1x32x512xf32>
    %get3A_603 = vector.shape_cast %get3A_602 : vector<1x1x32x512xf32> to vector<32x512xf32>
    %broadcast_in_dim3A_604 = vector.shape_cast %eq3A_597 : vector<1x512xi1> to vector<1x512xi1>
    %broadcast_in_dim3A_605 = vector.broadcast %broadcast_in_dim3A_604 : vector<1x512xi1> to vector<32x512xi1>
    %select_n3A_606 = arith.select %broadcast_in_dim3A_605, %get3A_603, %select_n3A_594 : vector<32x512xi1>, vector<32x512xf32>
    %eq3A_607 = arith.constant 51 : i32
    %eq3A_608 = vector.broadcast %eq3A_607 : i32 to vector<1x512xi32>
    %eq3A_609 = arith.cmpi eq, %get3A_3, %eq3A_608 : vector<1x512xi32>
    %get3A_610 = arith.constant 0 : index
    %get3A_611 = arith.constant 51 : index
    %get3A_612 = arith.constant 0 : index
    %get3A_613 = arith.constant 0 : index
    %get3A_614 = vector.load %arg2[%get3A_610, %get3A_611, %get3A_612, %get3A_613] : memref<1x64x32x512xf32, #tpu.memory_space<vmem>>, vector<1x1x32x512xf32>
    %get3A_615 = vector.shape_cast %get3A_614 : vector<1x1x32x512xf32> to vector<32x512xf32>
    %broadcast_in_dim3A_616 = vector.shape_cast %eq3A_609 : vector<1x512xi1> to vector<1x512xi1>
    %broadcast_in_dim3A_617 = vector.broadcast %broadcast_in_dim3A_616 : vector<1x512xi1> to vector<32x512xi1>
    %select_n3A_618 = arith.select %broadcast_in_dim3A_617, %get3A_615, %select_n3A_606 : vector<32x512xi1>, vector<32x512xf32>
    %eq3A_619 = arith.constant 52 : i32
    %eq3A_620 = vector.broadcast %eq3A_619 : i32 to vector<1x512xi32>
    %eq3A_621 = arith.cmpi eq, %get3A_3, %eq3A_620 : vector<1x512xi32>
    %get3A_622 = arith.constant 0 : index
    %get3A_623 = arith.constant 52 : index
    %get3A_624 = arith.constant 0 : index
    %get3A_625 = arith.constant 0 : index
    %get3A_626 = vector.load %arg2[%get3A_622, %get3A_623, %get3A_624, %get3A_625] : memref<1x64x32x512xf32, #tpu.memory_space<vmem>>, vector<1x1x32x512xf32>
    %get3A_627 = vector.shape_cast %get3A_626 : vector<1x1x32x512xf32> to vector<32x512xf32>
    %broadcast_in_dim3A_628 = vector.shape_cast %eq3A_621 : vector<1x512xi1> to vector<1x512xi1>
    %broadcast_in_dim3A_629 = vector.broadcast %broadcast_in_dim3A_628 : vector<1x512xi1> to vector<32x512xi1>
    %select_n3A_630 = arith.select %broadcast_in_dim3A_629, %get3A_627, %select_n3A_618 : vector<32x512xi1>, vector<32x512xf32>
    %eq3A_631 = arith.constant 53 : i32
    %eq3A_632 = vector.broadcast %eq3A_631 : i32 to vector<1x512xi32>
    %eq3A_633 = arith.cmpi eq, %get3A_3, %eq3A_632 : vector<1x512xi32>
    %get3A_634 = arith.constant 0 : index
    %get3A_635 = arith.constant 53 : index
    %get3A_636 = arith.constant 0 : index
    %get3A_637 = arith.constant 0 : index
    %get3A_638 = vector.load %arg2[%get3A_634, %get3A_635, %get3A_636, %get3A_637] : memref<1x64x32x512xf32, #tpu.memory_space<vmem>>, vector<1x1x32x512xf32>
    %get3A_639 = vector.shape_cast %get3A_638 : vector<1x1x32x512xf32> to vector<32x512xf32>
    %broadcast_in_dim3A_640 = vector.shape_cast %eq3A_633 : vector<1x512xi1> to vector<1x512xi1>
    %broadcast_in_dim3A_641 = vector.broadcast %broadcast_in_dim3A_640 : vector<1x512xi1> to vector<32x512xi1>
    %select_n3A_642 = arith.select %broadcast_in_dim3A_641, %get3A_639, %select_n3A_630 : vector<32x512xi1>, vector<32x512xf32>
    %eq3A_643 = arith.constant 54 : i32
    %eq3A_644 = vector.broadcast %eq3A_643 : i32 to vector<1x512xi32>
    %eq3A_645 = arith.cmpi eq, %get3A_3, %eq3A_644 : vector<1x512xi32>
    %get3A_646 = arith.constant 0 : index
    %get3A_647 = arith.constant 54 : index
    %get3A_648 = arith.constant 0 : index
    %get3A_649 = arith.constant 0 : index
    %get3A_650 = vector.load %arg2[%get3A_646, %get3A_647, %get3A_648, %get3A_649] : memref<1x64x32x512xf32, #tpu.memory_space<vmem>>, vector<1x1x32x512xf32>
    %get3A_651 = vector.shape_cast %get3A_650 : vector<1x1x32x512xf32> to vector<32x512xf32>
    %broadcast_in_dim3A_652 = vector.shape_cast %eq3A_645 : vector<1x512xi1> to vector<1x512xi1>
    %broadcast_in_dim3A_653 = vector.broadcast %broadcast_in_dim3A_652 : vector<1x512xi1> to vector<32x512xi1>
    %select_n3A_654 = arith.select %broadcast_in_dim3A_653, %get3A_651, %select_n3A_642 : vector<32x512xi1>, vector<32x512xf32>
    %eq3A_655 = arith.constant 55 : i32
    %eq3A_656 = vector.broadcast %eq3A_655 : i32 to vector<1x512xi32>
    %eq3A_657 = arith.cmpi eq, %get3A_3, %eq3A_656 : vector<1x512xi32>
    %get3A_658 = arith.constant 0 : index
    %get3A_659 = arith.constant 55 : index
    %get3A_660 = arith.constant 0 : index
    %get3A_661 = arith.constant 0 : index
    %get3A_662 = vector.load %arg2[%get3A_658, %get3A_659, %get3A_660, %get3A_661] : memref<1x64x32x512xf32, #tpu.memory_space<vmem>>, vector<1x1x32x512xf32>
    %get3A_663 = vector.shape_cast %get3A_662 : vector<1x1x32x512xf32> to vector<32x512xf32>
    %broadcast_in_dim3A_664 = vector.shape_cast %eq3A_657 : vector<1x512xi1> to vector<1x512xi1>
    %broadcast_in_dim3A_665 = vector.broadcast %broadcast_in_dim3A_664 : vector<1x512xi1> to vector<32x512xi1>
    %select_n3A_666 = arith.select %broadcast_in_dim3A_665, %get3A_663, %select_n3A_654 : vector<32x512xi1>, vector<32x512xf32>
    %eq3A_667 = arith.constant 56 : i32
    %eq3A_668 = vector.broadcast %eq3A_667 : i32 to vector<1x512xi32>
    %eq3A_669 = arith.cmpi eq, %get3A_3, %eq3A_668 : vector<1x512xi32>
    %get3A_670 = arith.constant 0 : index
    %get3A_671 = arith.constant 56 : index
    %get3A_672 = arith.constant 0 : index
    %get3A_673 = arith.constant 0 : index
    %get3A_674 = vector.load %arg2[%get3A_670, %get3A_671, %get3A_672, %get3A_673] : memref<1x64x32x512xf32, #tpu.memory_space<vmem>>, vector<1x1x32x512xf32>
    %get3A_675 = vector.shape_cast %get3A_674 : vector<1x1x32x512xf32> to vector<32x512xf32>
    %broadcast_in_dim3A_676 = vector.shape_cast %eq3A_669 : vector<1x512xi1> to vector<1x512xi1>
    %broadcast_in_dim3A_677 = vector.broadcast %broadcast_in_dim3A_676 : vector<1x512xi1> to vector<32x512xi1>
    %select_n3A_678 = arith.select %broadcast_in_dim3A_677, %get3A_675, %select_n3A_666 : vector<32x512xi1>, vector<32x512xf32>
    %eq3A_679 = arith.constant 57 : i32
    %eq3A_680 = vector.broadcast %eq3A_679 : i32 to vector<1x512xi32>
    %eq3A_681 = arith.cmpi eq, %get3A_3, %eq3A_680 : vector<1x512xi32>
    %get3A_682 = arith.constant 0 : index
    %get3A_683 = arith.constant 57 : index
    %get3A_684 = arith.constant 0 : index
    %get3A_685 = arith.constant 0 : index
    %get3A_686 = vector.load %arg2[%get3A_682, %get3A_683, %get3A_684, %get3A_685] : memref<1x64x32x512xf32, #tpu.memory_space<vmem>>, vector<1x1x32x512xf32>
    %get3A_687 = vector.shape_cast %get3A_686 : vector<1x1x32x512xf32> to vector<32x512xf32>
    %broadcast_in_dim3A_688 = vector.shape_cast %eq3A_681 : vector<1x512xi1> to vector<1x512xi1>
    %broadcast_in_dim3A_689 = vector.broadcast %broadcast_in_dim3A_688 : vector<1x512xi1> to vector<32x512xi1>
    %select_n3A_690 = arith.select %broadcast_in_dim3A_689, %get3A_687, %select_n3A_678 : vector<32x512xi1>, vector<32x512xf32>
    %eq3A_691 = arith.constant 58 : i32
    %eq3A_692 = vector.broadcast %eq3A_691 : i32 to vector<1x512xi32>
    %eq3A_693 = arith.cmpi eq, %get3A_3, %eq3A_692 : vector<1x512xi32>
    %get3A_694 = arith.constant 0 : index
    %get3A_695 = arith.constant 58 : index
    %get3A_696 = arith.constant 0 : index
    %get3A_697 = arith.constant 0 : index
    %get3A_698 = vector.load %arg2[%get3A_694, %get3A_695, %get3A_696, %get3A_697] : memref<1x64x32x512xf32, #tpu.memory_space<vmem>>, vector<1x1x32x512xf32>
    %get3A_699 = vector.shape_cast %get3A_698 : vector<1x1x32x512xf32> to vector<32x512xf32>
    %broadcast_in_dim3A_700 = vector.shape_cast %eq3A_693 : vector<1x512xi1> to vector<1x512xi1>
    %broadcast_in_dim3A_701 = vector.broadcast %broadcast_in_dim3A_700 : vector<1x512xi1> to vector<32x512xi1>
    %select_n3A_702 = arith.select %broadcast_in_dim3A_701, %get3A_699, %select_n3A_690 : vector<32x512xi1>, vector<32x512xf32>
    %eq3A_703 = arith.constant 59 : i32
    %eq3A_704 = vector.broadcast %eq3A_703 : i32 to vector<1x512xi32>
    %eq3A_705 = arith.cmpi eq, %get3A_3, %eq3A_704 : vector<1x512xi32>
    %get3A_706 = arith.constant 0 : index
    %get3A_707 = arith.constant 59 : index
    %get3A_708 = arith.constant 0 : index
    %get3A_709 = arith.constant 0 : index
    %get3A_710 = vector.load %arg2[%get3A_706, %get3A_707, %get3A_708, %get3A_709] : memref<1x64x32x512xf32, #tpu.memory_space<vmem>>, vector<1x1x32x512xf32>
    %get3A_711 = vector.shape_cast %get3A_710 : vector<1x1x32x512xf32> to vector<32x512xf32>
    %broadcast_in_dim3A_712 = vector.shape_cast %eq3A_705 : vector<1x512xi1> to vector<1x512xi1>
    %broadcast_in_dim3A_713 = vector.broadcast %broadcast_in_dim3A_712 : vector<1x512xi1> to vector<32x512xi1>
    %select_n3A_714 = arith.select %broadcast_in_dim3A_713, %get3A_711, %select_n3A_702 : vector<32x512xi1>, vector<32x512xf32>
    %eq3A_715 = arith.constant 60 : i32
    %eq3A_716 = vector.broadcast %eq3A_715 : i32 to vector<1x512xi32>
    %eq3A_717 = arith.cmpi eq, %get3A_3, %eq3A_716 : vector<1x512xi32>
    %get3A_718 = arith.constant 0 : index
    %get3A_719 = arith.constant 60 : index
    %get3A_720 = arith.constant 0 : index
    %get3A_721 = arith.constant 0 : index
    %get3A_722 = vector.load %arg2[%get3A_718, %get3A_719, %get3A_720, %get3A_721] : memref<1x64x32x512xf32, #tpu.memory_space<vmem>>, vector<1x1x32x512xf32>
    %get3A_723 = vector.shape_cast %get3A_722 : vector<1x1x32x512xf32> to vector<32x512xf32>
    %broadcast_in_dim3A_724 = vector.shape_cast %eq3A_717 : vector<1x512xi1> to vector<1x512xi1>
    %broadcast_in_dim3A_725 = vector.broadcast %broadcast_in_dim3A_724 : vector<1x512xi1> to vector<32x512xi1>
    %select_n3A_726 = arith.select %broadcast_in_dim3A_725, %get3A_723, %select_n3A_714 : vector<32x512xi1>, vector<32x512xf32>
    %eq3A_727 = arith.constant 61 : i32
    %eq3A_728 = vector.broadcast %eq3A_727 : i32 to vector<1x512xi32>
    %eq3A_729 = arith.cmpi eq, %get3A_3, %eq3A_728 : vector<1x512xi32>
    %get3A_730 = arith.constant 0 : index
    %get3A_731 = arith.constant 61 : index
    %get3A_732 = arith.constant 0 : index
    %get3A_733 = arith.constant 0 : index
    %get3A_734 = vector.load %arg2[%get3A_730, %get3A_731, %get3A_732, %get3A_733] : memref<1x64x32x512xf32, #tpu.memory_space<vmem>>, vector<1x1x32x512xf32>
    %get3A_735 = vector.shape_cast %get3A_734 : vector<1x1x32x512xf32> to vector<32x512xf32>
    %broadcast_in_dim3A_736 = vector.shape_cast %eq3A_729 : vector<1x512xi1> to vector<1x512xi1>
    %broadcast_in_dim3A_737 = vector.broadcast %broadcast_in_dim3A_736 : vector<1x512xi1> to vector<32x512xi1>
    %select_n3A_738 = arith.select %broadcast_in_dim3A_737, %get3A_735, %select_n3A_726 : vector<32x512xi1>, vector<32x512xf32>
    %eq3A_739 = arith.constant 62 : i32
    %eq3A_740 = vector.broadcast %eq3A_739 : i32 to vector<1x512xi32>
    %eq3A_741 = arith.cmpi eq, %get3A_3, %eq3A_740 : vector<1x512xi32>
    %get3A_742 = arith.constant 0 : index
    %get3A_743 = arith.constant 62 : index
    %get3A_744 = arith.constant 0 : index
    %get3A_745 = arith.constant 0 : index
    %get3A_746 = vector.load %arg2[%get3A_742, %get3A_743, %get3A_744, %get3A_745] : memref<1x64x32x512xf32, #tpu.memory_space<vmem>>, vector<1x1x32x512xf32>
    %get3A_747 = vector.shape_cast %get3A_746 : vector<1x1x32x512xf32> to vector<32x512xf32>
    %broadcast_in_dim3A_748 = vector.shape_cast %eq3A_741 : vector<1x512xi1> to vector<1x512xi1>
    %broadcast_in_dim3A_749 = vector.broadcast %broadcast_in_dim3A_748 : vector<1x512xi1> to vector<32x512xi1>
    %select_n3A_750 = arith.select %broadcast_in_dim3A_749, %get3A_747, %select_n3A_738 : vector<32x512xi1>, vector<32x512xf32>
    %eq3A_751 = arith.constant 63 : i32
    %eq3A_752 = vector.broadcast %eq3A_751 : i32 to vector<1x512xi32>
    %eq3A_753 = arith.cmpi eq, %get3A_3, %eq3A_752 : vector<1x512xi32>
    %get3A_754 = arith.constant 0 : index
    %get3A_755 = arith.constant 63 : index
    %get3A_756 = arith.constant 0 : index
    %get3A_757 = arith.constant 0 : index
    %get3A_758 = vector.load %arg2[%get3A_754, %get3A_755, %get3A_756, %get3A_757] : memref<1x64x32x512xf32, #tpu.memory_space<vmem>>, vector<1x1x32x512xf32>
    %get3A_759 = vector.shape_cast %get3A_758 : vector<1x1x32x512xf32> to vector<32x512xf32>
    %broadcast_in_dim3A_760 = vector.shape_cast %eq3A_753 : vector<1x512xi1> to vector<1x512xi1>
    %broadcast_in_dim3A_761 = vector.broadcast %broadcast_in_dim3A_760 : vector<1x512xi1> to vector<32x512xi1>
    %select_n3A_762 = arith.select %broadcast_in_dim3A_761, %get3A_759, %select_n3A_750 : vector<32x512xi1>, vector<32x512xf32>
    %swap3A = arith.constant 0 : index
    %swap3A_763 = arith.constant 0 : index
    %swap3A_764 = arith.constant 0 : index
    %swap3A_765 = vector.load %arg4[%swap3A, %swap3A_763, %swap3A_764] : memref<1x32x512xf32, #tpu.memory_space<vmem>>, vector<1x32x512xf32>
    %swap3A_766 = vector.shape_cast %swap3A_765 : vector<1x32x512xf32> to vector<32x512xf32>
    %swap3A_767 = vector.shape_cast %select_n3A_762 : vector<32x512xf32> to vector<1x32x512xf32>
    tpu.vector_store %arg4[%swap3A, %swap3A_763, %swap3A_764], %swap3A_767 {strides = array<i32>} : memref<1x32x512xf32, #tpu.memory_space<vmem>>, vector<1x32x512xf32>,
    return
  }
  func.func @transform_0(%arg0: i32, %arg1: i32) -> (i32, i32, i32, i32) {
    %c0_i32 = arith.constant 0 : i32
    %c0_i32_0 = arith.constant 0 : i32
    %c0_i32_1 = arith.constant 0 : i32
    return %arg0, %c0_i32, %c0_i32_0, %arg1 : i32, i32, i32, i32
  }
  func.func @transform_1(%arg0: i32, %arg1: i32) -> (i32, i32, i32) {
    %c0_i32 = arith.constant 0 : i32
    %c0_i32_0 = arith.constant 0 : i32
    return %arg0, %c0_i32, %arg1 : i32, i32, i32
  }
  func.func @transform_2(%arg0: i32, %arg1: i32) -> (i32, i32, i32) {
    %c0_i32 = arith.constant 0 : i32
    %c0_i32_0 = arith.constant 0 : i32
    return %arg0, %c0_i32, %arg1 : i32, i32, i32
  }
}

</mosaic_0001>

<sc_bundles>
// kernel: kernel.15.cloned.1.call-start
scs
__scs_entry_jumppad:
0x0: {  	(pc) =	sbr.rel $0x88, $3  }
0x1: {  	(tag) =	ssettag $0x0;
	lr =	simm.s32 $0x1  }
0x2: {  	[smem:$0x3F9E] =	sst lr;
	_ =	strace $0xD0000000  }
0x3: {  	_ = 	snop  }
0x4: {  	_ = 	snop  }
0x5: {  	_ = 	snop  }
0x6: {  	_ = 	snop  }
0x7: {  	_ = 	snop  }
__scs_overlays_trampoline_lowered:
0x8: {  	[smem:$0x3FAD] =	sst s0  }
0x9: {  	[smem:$0x3FAE] =	sst s1  }
0xa: {  	[smem:$0x3FAF] =	sst s2  }
0xb: {  	[smem:$0x3FB0] =	sst s3  }
0xc: {  	[smem:$0x3FB1] =	sst s4  }
0xd: {  	[smem:$0x3FB2] =	sst s5  }
0xe: {  	[smem:$0x3FB3] =	sst s6  }
0xf: {  	[smem:$0x3FB4] =	sst s7  }
0x10: {  	[smem:$0x3FB5] =	sst s8  }
0x11: {  	[smem:$0x3FB6] =	sst s9;
	s0 =	simm.s32 @!p0 $0x0  }
0x12: {  	s1 =	sld [smem:$0x3F9C];
	s0 =	simm.s32 @p0 $0x1  }
0x13: {  	[smem:$0x3FB7] =	sst s0;
	s0 =	simm.s32 @!p1 $0x0  }
0x14: {  	s2 =	sld [smem:$0x3F9B];
	s0 =	simm.s32 @p1 $0x1  }
0x15: {  	[smem:$0x3FB8] =	sst s0;
	s0 =	simm.s32 @!p2 $0x0  }
0x16: {  	s3 =	sld [smem:$0x3FDB];
	s0 =	simm.s32 @p2 $0x1  }
0x17: {  	s4 =	simm.s32 $0x1BF5;
	[smem:$0x3FBA] =	sst s0  }
0x18: {  	s0 =	sld [smem:$0x3F9D];
	_ =	swait.ge [sflag:s4], $0x0  }
0x19: {  	s7 =	sld [smem:$0x3F9E]  }
0x1a: {  	s8 =	sadd.s32 $0xFFFFE003, lr  }
0x1b: {  	s9 =	sadd.s32 $0xFFFFFEF7, lr;
	s5 =	simm.s32 $0xFFFFFFFF;
	p2 =	slt.u32 s8, $0xFFFFF086  }
0x1c: {  	p1 =	slt.u32 s9, $0xF7A;
	s5 =	simm.s32 @!p2 $0x0  }
0x1d: {  	s5 =	simm.s32 @p1 $0x1;
	p0 =	seq.s32 s7, s2  }
0x1e: {  	s7 =	smul.u32 @!p0 $0xF7A, s2;
	p2 =	seq.s32 @!p0 s5, $0x0  }
0x1f: {  	s9 =	smul.u32 $0xF7A, s1;
	s8 =	simm.s32 @!p0 $0x1BF5;
	p2 =	por !p2, p0  }
0x20: {  	[sflag:s8] =	ssyncset.s32 @!p0 $0xFFFFF086;
	s6 =	sadd.s32 @!p0 s3, s7;
	s7 =	simm.s32 @!p0 $0x108  }
0x21: {  	s3 =	sadd.s32 s3, s9;
	s6 =	sadd.s32 @!p0 $0x88, s6;
	s7 =	simm.s32 @p2 $0x1082  }
0x22: {  	[simem:s7], [sflag:s8] =	dma.local @!p0 [hbm:s6], $0xF7A  }
0x23: {  	s9 =	sor.u32 $0xD0000000, s2;
	s6 =	simm.s32 $0x108;
	_ =	swait.ge @!p0 [sflag:s8], $0x0  }
0x24: {  	s3 =	sadd.s32 $0x88, s3;
	s6 =	simm.s32 @!p1 $0x1082;
	[sflag:s4] =	ssyncset.s32 $0xFFFFF086  }
0x25: {  	[simem:s6], [sflag:s4] =	dma.local [hbm:s3], $0xF7A  }
0x26: {  	[smem:$0x3F9E] =	sst s1;
	(tag) =	ssettag s2;
	_ =	strace s9  }
0x27: {  	s1 =	sld [smem:$0x3FAE]  }
0x28: {  	s2 =	sld [smem:$0x3FAF]  }
0x29: {  	s4 =	sld [smem:$0x3FB1]  }
0x2a: {  	p0 =	seq.s32 s5, $0x0;
	s5 =	sld [smem:$0x3FB2]  }
0x2b: {  	s6 =	sld [smem:$0x3FB3]  }
0x2c: {  	s7 =	sld [smem:$0x3FB4]  }
0x2d: {  	s3 =	simm.s32 $0x108;
	s8 =	sld [smem:$0x3FB5]  }
0x2e: {  	s3 =	simm.s32 @!p0 $0x1082;
	s9 =	sld [smem:$0x3FB6]  }
0x2f: {  	lr =	sadd.s32 s0, s3;
	s0 =	sld [smem:$0x3FAD]  }
0x30: {  	s3 =	sld [smem:$0x3FB0]  }
0x31: {  	[smem:$0x3FB9] =	sst s10  }
0x32: {  	s10 =	sld [smem:$0x3FB7];
	_ =	sdelay $0x3  }
0x33: {  	p0 =	seq.s32 s10, $0x1;
	s10 =	sld [smem:$0x3FB9];
	_ =	sdelay $0x3  }
0x34: {  	[smem:$0x3FB9] =	sst s10  }
0x35: {  	s10 =	sld [smem:$0x3FB8];
	_ =	sdelay $0x3  }
0x36: {  	p1 =	seq.s32 s10, $0x1;
	s10 =	sld [smem:$0x3FB9];
	_ =	sdelay $0x3  }
0x37: {  	[smem:$0x3FB9] =	sst s10  }
0x38: {  	s10 =	sld [smem:$0x3FBA]  }
0x39: {  	_ = 	snop;
	(pc) =	sbr.ind lr, $3  }
0x3a: {  	_ = 	snop  }
0x3b: {  	_ = 	snop  }
0x3c: {  	p2 =	seq.s32 s10, $0x1;
	s10 =	sld [smem:$0x3FB9]  }
0x3d: {  	_ =	shalt  }
0x3e: {  	_ =	shalt  }
0x3f: {  	_ =	shalt  }
0x40: {  	_ =	shalt  }
0x41: {  	_ =	shalt  }
0x42: {  	_ =	shalt  }
0x43: {  	_ =	shalt  }
0x44: {  	_ =	shalt  }
0x45: {  	_ =	shalt  }
0x46: {  	_ =	shalt  }
0x47: {  	_ =	shalt  }
0x48: {  	_ =	shalt  }
0x49: {  	_ =	shalt  }
0x4a: {  	_ =	shalt  }
0x4b: {  	_ =	shalt  }
0x4c: {  	_ =	shalt  }
0x4d: {  	_ =	shalt  }
0x4e: {  	_ =	shalt  }
0x4f: {  	_ =	shalt  }
0x50: {  	_ =	shalt  }
0x51: {  	_ =	shalt  }
0x52: {  	_ =	shalt  }
0x53: {  	_ =	shalt  }
0x54: {  	_ =	shalt  }
0x55: {  	_ =	shalt  }
0x56: {  	_ =	shalt  }
0x57: {  	_ =	shalt  }
0x58: {  	_ =	shalt  }
0x59: {  	_ =	shalt  }
0x5a: {  	_ =	shalt  }
0x5b: {  	_ =	shalt  }
0x5c: {  	_ =	shalt  }
0x5d: {  	_ =	shalt  }
0x5e: {  	_ =	shalt  }
0x5f: {  	_ =	shalt  }
0x60: {  	_ =	shalt  }
0x61: {  	_ =	shalt  }
0x62: {  	_ =	shalt  }
0x63: {  	_ =	shalt  }
0x64: {  	_ =	shalt  }
0x65: {  	_ =	shalt  }
0x66: {  	_ =	shalt  }
0x67: {  	_ =	shalt  }
0x68: {  	_ =	shalt  }
0x69: {  	_ =	shalt  }
0x6a: {  	_ =	shalt  }
0x6b: {  	_ =	shalt  }
0x6c: {  	_ =	shalt  }
0x6d: {  	_ =	shalt  }
0x6e: {  	_ =	shalt  }
0x6f: {  	_ =	shalt  }
0x70: {  	_ =	shalt  }
0x71: {  	_ =	shalt  }
0x72: {  	_ =	shalt  }
0x73: {  	_ =	shalt  }
0x74: {  	_ =	shalt  }
0x75: {  	_ =	shalt  }
0x76: {  	_ =	shalt  }
0x77: {  	_ =	shalt  }
0x78: {  	_ =	shalt  }
0x79: {  	_ =	shalt  }
0x7a: {  	_ =	shalt  }
0x7b: {  	_ =	shalt  }
0x7c: {  	_ =	shalt  }
0x7d: {  	_ =	shalt  }
0x7e: {  	_ =	shalt  }
0x7f: {  	_ =	shalt  }
0x80: {  	_ =	shalt  }
0x81: {  	_ =	shalt  }
0x82: {  	_ =	shalt  }
0x83: {  	_ =	shalt  }
0x84: {  	_ =	shalt  }
0x85: {  	_ =	shalt  }
0x86: {  	_ =	shalt  }
0x87: {  	_ =	shalt  }
.Lfunc_end0:
.L_simem_size_0:
called_computation_lowered:
.L_overlay_start_0:
0x88: {  	s2 =	sld [smem:$0x3FD9]  }
0x89: {  	s3 =	sld [smem:$0x3FFE];
	_ =	sdelay $0x1  }
0x8a: {  	s1 =	srdreg.scid  }
0x8b: {  	s0 =	sand.u32 $0x1, s1  }
0x8c: {  	s14 =	sshll.u32 s0, $0xA;
	s2 =	sadd.s32 s3, s2  }
0x8d: {  	s2 =	sadd.s32 s2, s14  }
0x8e: {  	[smem:$0x3FC5] =	sst s2  }
0x8f: {  	_ = 	snop  }
0x90: {  	s2 =	sld [smem:$0x3FD0];
	_ =	sdelay $0x2  }
0x91: {  	s4 =	simm.s32 $0xA;
	s5 =	simm.s32 $0x10;
	s15 =	sld [smem:$0x3FC8]  }
0x92: {  	[smem:s5], [sflag:s4] =	dma.local [hbm:s2], $0x1  }
0x93: {  	_ =	swait.eq [sflag:s4], $0x1  }
0x94: {  	[sflag:s4] =	ssyncset.done $0x0  }
0x95: {  	[sflag:s4] =	ssyncadd.s32 $0xFFFFFFFF  }
0x96: {  	s16 =	sld [smem:$0x11];
	(tm) =	ssettm $0x1  }
0x97: {  	s17 =	sld [smem:$0x3FFB];
	_ =	sdelay $0x3  }
0x98: {  	_ =	strace s17  }
0x99: {  	s4 =	sld [smem:$0x3FFC];
	_ =	sdelay $0x3  }
0x9a: {  	_ =	strace s4  }
0x9b: {  	s4 =	sld [smem:$0x3FFD];
	_ =	sdelay $0x3  }
0x9c: {  	_ =	strace s4  }
0x9d: {  	_ =	strace $0x8FFFFFFF  }
0x9e: {  	s18 =	sld [smem:$0x3FDB];
	_ =	sdelay $0x1  }
0x9f: {  	s19 =	simm.s32 $_scs_section_size  }
0xa0: {  	s6 =	simm.s32 $_size__tile_overlayer_lowered;
	s7 =	simm.s32 $_tile_overlayer_lowered  }
0xa1: {  	s22 =	simm.s32 $0x1BFF;
	s21 =	sshll.u32 s7, $0x1;
	s4 =	sadd.s32 s19, s18  }
0xa2: {  	s8 =	simm.s32 $0x0;
	s20 =	sshll.u32 s6, $0x1;
	s6 =	sadd.s32 s21, s4  }
0xa3: {  	[timem:s8], [sflag:s22] =	dma.local [hbm:s6], s20  }
0xa4: {  	_ =	swait.ge [sflag:s22], s20  }
0xa5: {  	s5 =	ssub.s32 $0x0, s20;
	[sflag:s22] =	ssyncset.done $0x0  }
0xa6: {  	[sflag:s22] =	ssyncadd.s32 s5;
	_ =	sdelay $0x1  }
0xa7: {  	s23 =	simm.s32 $0x1B8B  }
0xa8: {  	_ =	swait.ge [sflag:s23], $0x1  }
0xa9: {  	[sflag:s23] =	ssyncset.done $0x0  }
0xaa: {  	s25 =	simm.s32 $0x1B8E;
	s24 =	sld [smem:$0x3FFE];
	[sflag:s23] =	ssyncadd.s32 $0xFFFFFFFF  }
0xab: {  	s26 =	simm.s32 $execute0_lowered;
	[smem:$0x3FD2] =	sst s25  }
0xac: {  	s6 =	sshll.u32 s26, $0x1;
	_ =	strace $0x80000046;
	[dreg:$0x1] =	wrdreg $0xFFFFFFFF  }
0xad: {  	s28 =	simm.s32 $_size_execute0_lowered;
	s4 =	sadd.s32 s4, s6;
	[dreg:$0x0] =	wrdreg $0x0  }
0xae: {  	s6 =	sshll.u32 s28, $0x1;
	[dreg:$0x2] =	wrdreg s4  }
0xaf: {  	[dreg:$0x3] =	wrdreg s6  }
0xb0: {  	[dreg:$0x4] =	wrdreg $0xC0  }
0xb1: {  	_ =	task [dreg:s8], $0x5FFFF  }
0xb2: {  	[dreg:$0x1] =	wrdreg $0xFFFFFFFF  }
0xb3: {  	[dreg:$0x0] =	wrdreg $0x60  }
0xb4: {  	[dreg:$0x2] =	wrdreg s15  }
0xb5: {  	[dreg:$0x3] =	wrdreg s16  }
0xb6: {  	[dreg:$0x4] =	wrdreg s24  }
0xb7: {  	[dreg:$0x5] =	wrdreg $0x9  }
0xb8: {  	_ =	task.clear_ibuf [dreg:s8], $0x6FFFF;
	_ =	strace $0x90000046  }
0xb9: {  	s29 =	simm.s32 $0x9;
	_ =	strace $0x80000048  }
0xba: {  	_ =	swait.ge [sflag:s29], $0x1  }
0xbb: {  	[sflag:s29] =	ssyncadd.s32 $0xFFFFFFFF  }
0xbc: {  	_ =	strace $0x90000048  }
0xbd: {  	_ =	sfence  }
0xbe: {  	s30 =	sld [smem:$0x0];
	_ =	sdelay $0x2  }
0xbf: {  	s31 =	sshll.u32 s1, $0xD;
	s1 =	sshrl.u32 s1, $0x2  }
0xc0: {  	s3 =	sand.u32 $0x4000, s31;
	s1 =	sadd.s32 s1, s30  }
0xc1: {  	s0 =	sor.u32 s3, s0;
	s1 =	sshll.u32 s1, $0x11  }
0xc2: {  	s0 =	sor.u32 s1, s0  }
0xc3: {  	s0 =	sadd.s32 $0x8F2B, s0  }
0xc4: {  	[sflag:s0] =	ssyncadd.remote.s32 $0x1  }
0xc5: {  	_ =	sfence.sel $0xFFFF  }
0xc6: {  	[dreg:$0x0] =	wrdreg $0xFFFFFFFF;
	(pc) =	sbr.abs _section_cstart, $3  }
0xc7: {  	[dreg:$0x1] =	wrdreg $0xFFFFFFFF  }
0xc8: {  	_ =	task.clear_ibuf [dreg:s8], $0x2FFFF;
	_ =	strace $0x9FFFFFFF  }
0xc9: {  	(tm) =	ssettm $0x7FFFFFFF  }
tec
execute0_lowered:
.L_overlay_start_1:
0x0: {  	(tag) =	ssettag $0x1  }
0x1: {  	v0 =	vlaneseq.u32  }
0x2: {  	v1 =	vor.u32 $0x100, v0  }
0x3: {  	[tilespmem:$0x1FC30] =	vst v1;
	v1 =	vor.u32 $0x180, v0  }
0x4: {  	[tilespmem:$0x1FC40] =	vst v1;
	v1 =	vor.u32 $0x200, v0  }
0x5: {  	[tilespmem:$0x1FC50] =	vst v1;
	v1 =	vor.u32 $0x280, v0  }
0x6: {  	[tilespmem:$0x1FC60] =	vst v1;
	v1 =	vor.u32 $0x300, v0  }
0x7: {  	[tilespmem:$0x1FC70] =	vst v1;
	v1 =	vor.u32 $0x380, v0  }
0x8: {  	[tilespmem:$0x1FC80] =	vst v1;
	v1 =	vor.u32 $0x10, v0  }
0x9: {  	[tilespmem:$0x1FC90] =	vst v1;
	v1 =	vor.u32 $0x90, v0  }
0xa: {  	[tilespmem:$0x1FCA0] =	vst v1;
	v1 =	vor.u32 $0x110, v0  }
0xb: {  	[tilespmem:$0x1FCB0] =	vst v1;
	v1 =	vor.u32 $0x190, v0  }
0xc: {  	[tilespmem:$0x1FCC0] =	vst v1;
	v1 =	vor.u32 $0x210, v0  }
0xd: {  	[tilespmem:$0x1FCD0] =	vst v1;
	v1 =	vor.u32 $0x290, v0  }
0xe: {  	[tilespmem:$0x1FCE0] =	vst v1;
	v1 =	vor.u32 $0x310, v0  }
0xf: {  	[tilespmem:$0x1FCF0] =	vst v1;
	v1 =	vor.u32 $0x390, v0  }
0x10: {  	[tilespmem:$0x1FD00] =	vst v1;
	v1 =	vor.u32 $0x20, v0  }
0x11: {  	[tilespmem:$0x1FD10] =	vst v1;
	v1 =	vor.u32 $0xA0, v0  }
0x12: {  	[tilespmem:$0x1FD20] =	vst v1;
	v1 =	vor.u32 $0x120, v0  }
0x13: {  	[tilespmem:$0x1FD30] =	vst v1;
	v1 =	vor.u32 $0x1A0, v0  }
0x14: {  	[tilespmem:$0x1FD40] =	vst v1;
	v1 =	vor.u32 $0x220, v0  }
0x15: {  	[tilespmem:$0x1FD50] =	vst v1;
	v1 =	vor.u32 $0x2A0, v0  }
0x16: {  	[tilespmem:$0x1FD60] =	vst v1;
	v1 =	vor.u32 $0x320, v0  }
0x17: {  	[tilespmem:$0x1FD70] =	vst v1;
	v1 =	vor.u32 $0x3A0, v0  }
0x18: {  	[tilespmem:$0x1FD80] =	vst v1;
	v1 =	vor.u32 $0x30, v0  }
0x19: {  	[tilespmem:$0x1FD90] =	vst v1;
	v1 =	vor.u32 $0xB0, v0  }
0x1a: {  	[tilespmem:$0x1FDA0] =	vst v1;
	v1 =	vor.u32 $0x130, v0  }
0x1b: {  	[tilespmem:$0x1FDB0] =	vst v1;
	v1 =	vor.u32 $0x1B0, v0  }
0x1c: {  	[tilespmem:$0x1FDC0] =	vst v1;
	v1 =	vor.u32 $0x230, v0  }
0x1d: {  	[tilespmem:$0x1FDD0] =	vst v1;
	v1 =	vor.u32 $0x2B0, v0  }
0x1e: {  	[tilespmem:$0x1FDE0] =	vst v1;
	v1 =	vor.u32 $0x330, v0  }
0x1f: {  	[tilespmem:$0x1FDF0] =	vst v1;
	v1 =	vor.u32 $0x3B0, v0  }
0x20: {  	[tilespmem:$0x1FE00] =	vst v1;
	v1 =	vor.u32 $0x40, v0  }
0x21: {  	[tilespmem:$0x1FE10] =	vst v1;
	v1 =	vor.u32 $0xC0, v0  }
0x22: {  	[tilespmem:$0x1FE20] =	vst v1;
	v1 =	vor.u32 $0x140, v0  }
0x23: {  	[tilespmem:$0x1FE30] =	vst v1;
	v1 =	vor.u32 $0x1C0, v0  }
0x24: {  	[tilespmem:$0x1FE40] =	vst v1;
	v1 =	vor.u32 $0x240, v0  }
0x25: {  	[tilespmem:$0x1FE50] =	vst v1;
	v1 =	vor.u32 $0x2C0, v0  }
0x26: {  	[tilespmem:$0x1FE60] =	vst v1;
	v1 =	vor.u32 $0x340, v0  }
0x27: {  	[tilespmem:$0x1FE70] =	vst v1;
	v1 =	vor.u32 $0x3C0, v0  }
0x28: {  	[tilespmem:$0x1FE80] =	vst v1;
	v1 =	vor.u32 $0x50, v0  }
0x29: {  	[tilespmem:$0x1FE90] =	vst v1;
	v1 =	vor.u32 $0xD0, v0  }
0x2a: {  	[tilespmem:$0x1FEA0] =	vst v1;
	v1 =	vor.u32 $0x150, v0  }
0x2b: {  	[tilespmem:$0x1FEB0] =	vst v1;
	v1 =	vor.u32 $0x1D0, v0  }
0x2c: {  	[tilespmem:$0x1FEC0] =	vst v1;
	v1 =	vor.u32 $0x250, v0  }
0x2d: {  	[tilespmem:$0x1FED0] =	vst v1;
	v1 =	vor.u32 $0x2D0, v0  }
0x2e: {  	s0 =	rddreg [dreg:$0x0];
	[tilespmem:$0x1FEE0] =	vst v1;
	v1 =	vor.u32 $0x350, v0  }
0x2f: {  	s1 =	rddreg [dreg:$0x1];
	[tilespmem:$0x1FEF0] =	vst v1;
	v1 =	vor.u32 $0x3D0, v0  }
0x30: {  	s5 =	rddreg [dreg:$0x2];
	s4 =	simm.s32 $0x0;
	[tilespmem:$0x1FF00] =	vst v1;
	v1 =	vor.u32 $0x60, v0  }
0x31: {  	s3 =	srdreg.scid;
	[smem:$0x7FF] =	sst s4;
	[tilespmem:$0x1FF10] =	vst v1;
	v1 =	vor.u32 $0xE0, v0  }
0x32: {  	s6 =	sand.u32 $0x1, s3;
	s3 =	rddreg [dreg:$0x3];
	_ =	strace $0x80000047;
	[tilespmem:$0x1FF20] =	vst v1;
	v1 =	vor.u32 $0x160, v0  }
0x33: {  	[tilespmem:$0x1FF30] =	vst v1;
	v1 =	vor.u32 $0x1E0, v0  }
0x34: {  	[tilespmem:$0x1FF40] =	vst v1;
	v1 =	vor.u32 $0x260, v0  }
0x35: {  	[tilespmem:$0x1FF50] =	vst v1;
	v1 =	vor.u32 $0x2E0, v0  }
0x36: {  	[tilespmem:$0x1FF60] =	vst v1;
	v1 =	vor.u32 $0x360, v0  }
0x37: {  	[tilespmem:$0x1FF70] =	vst v1;
	v1 =	vor.u32 $0x3E0, v0  }
0x38: {  	s2 =	stileid.u32;
	[tilespmem:$0x1FF80] =	vst v1;
	v1 =	vor.u32 $0x70, v0  }
0x39: {  	s7 =	smul.u32 $0x1A, s2;
	[tilespmem:$0x1FF90] =	vst v1;
	v1 =	vor.u32 $0xF0, v0  }
0x3a: {  	s10 =	smul.u32 $0x6800, s2;
	s9 =	ssub.s32 $0x2, s6;
	[tilespmem:$0x1FFA0] =	vst v1;
	v1 =	vor.u32 $0x170, v0  }
0x3b: {  	s13 =	simm.s32 $0x0;
	s8 =	smul.u32 $0xD, s6;
	s11 =	sshrl.u32 s9, $0x1;
	[tilespmem:$0x1FFB0] =	vst v1;
	v1 =	vor.u32 $0x1F0, v0  }
0x3c: {  	s5 =	sadd.s32 $0x800, s5;
	s12 =	smul.u32 $0x3400, s6;
	s31 =	ssub.s32 s9, s11;
	[tilespmem:$0x1FFC0] =	vst v1;
	v1 =	vor.u32 $0x270, v0  }
0x3d: {  	s7 =	sadd.s32 s8, s7;
	s8 =	simm.s32 $0x10000;
	s9 =	simm.s32 $0x1;
	[tilespmem:$0x1FFD0] =	vst v1;
	v1 =	vor.u32 $0x2F0, v0  }
0x3e: {  	s11 =	simm.s32 $0x8000;
	s6 =	smax.u32 s31, $0x1;
	[dreg:$0x4] =	wrdreg s7;
	[tilespmem:$0x1FFE0] =	vst v1;
	v1 =	vor.u32 $0x370, v0  }
0x3f: {  	v3 =	vor.u32 $0x80, v0;
	v5 =	vor.u32 $0x3F0, v0;
	s7 =	sadd.s32 s12, s10;
	s10 =	simm.s32 $0x400;
	s12 =	simm.s32 $0x10080;
	[tilespmem:$0x1FFF0] =	vst v1  }
.LBB2_1:
0x40: {  	v6 =	vld [tilespmem:$0x1FC50]  }
0x41: {  	v7 =	vld [tilespmem:$0x1FC60]  }
0x42: {  	v8 =	vld [tilespmem:$0x1FC70]  }
0x43: {  	v9 =	vld [tilespmem:$0x1FC80]  }
0x44: {  	v10 =	vld [tilespmem:$0x1FC90]  }
0x45: {  	v11 =	vld [tilespmem:$0x1FCA0]  }
0x46: {  	v12 =	vld [tilespmem:$0x1FCB0]  }
0x47: {  	v13 =	vld [tilespmem:$0x1FCC0]  }
0x48: {  	v14 =	vld [tilespmem:$0x1FCD0]  }
0x49: {  	v15 =	vld [tilespmem:$0x1FCE0]  }
0x4a: {  	v16 =	vld [tilespmem:$0x1FCF0]  }
0x4b: {  	v17 =	vld [tilespmem:$0x1FD00]  }
0x4c: {  	v18 =	vld [tilespmem:$0x1FD10]  }
0x4d: {  	v19 =	vld [tilespmem:$0x1FD20]  }
0x4e: {  	v20 =	vld [tilespmem:$0x1FD30]  }
0x4f: {  	v21 =	vld [tilespmem:$0x1FD40]  }
0x50: {  	v22 =	vld [tilespmem:$0x1FD50]  }
0x51: {  	v23 =	vld [tilespmem:$0x1FD60]  }
0x52: {  	v24 =	vld [tilespmem:$0x1FD70]  }
0x53: {  	v25 =	vld [tilespmem:$0x1FD80]  }
0x54: {  	v26 =	vld [tilespmem:$0x1FD90]  }
0x55: {  	v27 =	vld [tilespmem:$0x1FDA0]  }
0x56: {  	v28 =	vld [tilespmem:$0x1FDB0]  }
0x57: {  	v29 =	vld [tilespmem:$0x1FDC0]  }
0x58: {  	v30 =	vld [tilespmem:$0x1FDD0]  }
0x59: {  	v31 =	vld [tilespmem:$0x1FDE0]  }
0x5a: {  	v32 =	vld [tilespmem:$0x1FDF0]  }
0x5b: {  	v33 =	vld [tilespmem:$0x1FE00]  }
0x5c: {  	v34 =	vld [tilespmem:$0x1FE10]  }
0x5d: {  	v35 =	vld [tilespmem:$0x1FE20]  }
0x5e: {  	v36 =	vld [tilespmem:$0x1FE30]  }
0x5f: {  	v37 =	vld [tilespmem:$0x1FE40]  }
0x60: {  	v38 =	vld [tilespmem:$0x1FE50]  }
0x61: {  	v39 =	vld [tilespmem:$0x1FE60]  }
0x62: {  	v40 =	vld [tilespmem:$0x1FE70]  }
0x63: {  	v41 =	vld [tilespmem:$0x1FE80]  }
0x64: {  	v42 =	vld [tilespmem:$0x1FE90]  }
0x65: {  	v43 =	vld [tilespmem:$0x1FEA0]  }
0x66: {  	v44 =	vld [tilespmem:$0x1FEB0]  }
0x67: {  	v45 =	vld [tilespmem:$0x1FEC0]  }
0x68: {  	v46 =	vld [tilespmem:$0x1FED0]  }
0x69: {  	v47 =	vld [tilespmem:$0x1FEE0]  }
0x6a: {  	v48 =	vld [tilespmem:$0x1FEF0]  }
0x6b: {  	v49 =	vld [tilespmem:$0x1FF00]  }
0x6c: {  	v50 =	vld [tilespmem:$0x1FF10]  }
0x6d: {  	v51 =	vld [tilespmem:$0x1FF20]  }
0x6e: {  	v52 =	vld [tilespmem:$0x1FF30]  }
0x6f: {  	v53 =	vld [tilespmem:$0x1FF40]  }
0x70: {  	v54 =	vld [tilespmem:$0x1FF50]  }
0x71: {  	v55 =	vld [tilespmem:$0x1FF60]  }
0x72: {  	v56 =	vld [tilespmem:$0x1FF70]  }
0x73: {  	v57 =	vld [tilespmem:$0x1FF80]  }
0x74: {  	v58 =	vld [tilespmem:$0x1FF90]  }
0x75: {  	v59 =	vld [tilespmem:$0x1FFA0]  }
0x76: {  	v60 =	vld [tilespmem:$0x1FFB0]  }
0x77: {  	v61 =	vld [tilespmem:$0x1FFC0]  }
0x78: {  	v62 =	vld [tilespmem:$0x1FFD0]  }
0x79: {  	v63 =	vld [tilespmem:$0x1FFE0]  }
0x7a: {  	s14 =	smov.u32 s7;
	s15 =	simm.s32 $0x0;
	v4 =	vld [tilespmem:$0x1FFF0]  }
.LBB2_2:
0x7b: {  	s16 =	rddreg [dreg:$0x4]  }
0x7c: {  	s17 =	sadd.s32 s15, s16  }
0x7d: {  	s16 =	sshll.u32 s17, $0x5;
	s18 =	sshll.u32 s17, $0x2  }
0x7e: {  	s19 =	sand.u32 $0x7FFFE000, s16;
	s18 =	sand.u32 $0x380, s18  }
0x7f: {  	s29 =	sand.u32 $0x1C00, s14;
	s18 =	sor.u32 s19, s18  }
0x80: {  	s17 =	sshrl.u32 s17, $0x5;
	s18 =	sor.u32 s29, s18  }
0x81: {  	s31 =	sand.u32 $0x6000, s14;
	s30 =	sshll.u32 s17, $0x15;
	s18 =	sshrl.u32 s18, $0x3  }
0x82: {  	s19 =	sor.u32 s31, s30;
	s18 =	sadd.s32 s1, s18  }
0x83: {  	[tilespmem:s8], [sflag:$0x1] =	stream.linear.gather [hbm4b:s18+s4], $0x80, $0x38;
	[tilespmem:$0x10480] =	vst v63  }
0x84: {  	s19 =	sor.u32 s29, s19;
	_ =	swait.ge [sflag:s9], $0x80  }
0x85: {  	s19 =	sshrl.u32 s19, $0x3;
	[sflag:s9] =	ssyncset.done $0x0  }
0x86: {  	s19 =	sadd.s32 s0, s19;
	[sflag:s9] =	ssyncadd.s32 $0xFFFFFF80  }
0x87: {  	[tilespmem:s4], [sflag:$0x1] =	stream.strided.gather [hbm4b:s19+s10], $0x10000, s11, s10, $0x38;
	[tilespmem:$0x10480] =	vst v63  }
0x88: {  	_ =	swait.ge [sflag:s9], $0x10000  }
0x89: {  	[sflag:s9] =	ssyncset.done $0x0  }
0x8a: {  	[sflag:s9] =	ssyncadd.s32 $0xFFFF0000  }
0x8b: {  	v0 =	vld [tilespmem:$0x10000];
	_ =	sdelay $0x4  }
0x8c: {  	v1 =	vlaneseq.u32;
	v0 =	vshll.u32 v0, $0xA  }
0x8d: {  	v1 =	vor.u32 v1, v0;
	_ =	sdelay $0x4  }
0x8e: {  	v1 =	vld.idx.msk [tilespmem:v1+s4+$0x0], $0xffff  }
0x8f: {  	v2 =	vor.u32 v3, v0;
	_ =	sdelay $0x3  }
0x90: {  	[tilespmem:$0x10080] =	vst v1  }
0x91: {  	v1 =	vld.idx.msk [tilespmem:v2+s4+$0x0], $0xffff  }
0x92: {  	v2 =	vld [tilespmem:$0x1FC30];
	_ =	sdelay $0x4  }
0x93: {  	v2 =	vor.u32 v2, v0;
	_ =	sdelay $0x3  }
0x94: {  	[tilespmem:$0x10100] =	vst v1  }
0x95: {  	v1 =	vld.idx.msk [tilespmem:v2+s4+$0x0], $0xffff  }
0x96: {  	v2 =	vld [tilespmem:$0x1FC40];
	_ =	sdelay $0x4  }
0x97: {  	v2 =	vor.u32 v2, v0;
	_ =	sdelay $0x3  }
0x98: {  	[tilespmem:$0x10180] =	vst v1  }
0x99: {  	v1 =	vld.idx.msk [tilespmem:v2+s4+$0x0], $0xffff  }
0x9a: {  	v2 =	vor.u32 v6, v0;
	_ =	sdelay $0x3  }
0x9b: {  	[tilespmem:$0x10200] =	vst v1  }
0x9c: {  	v1 =	vld.idx.msk [tilespmem:v2+s4+$0x0], $0xffff  }
0x9d: {  	v2 =	vor.u32 v7, v0;
	_ =	sdelay $0x3  }
0x9e: {  	[tilespmem:$0x10280] =	vst v1  }
0x9f: {  	v1 =	vld.idx.msk [tilespmem:v2+s4+$0x0], $0xffff  }
0xa0: {  	v2 =	vor.u32 v8, v0;
	_ =	sdelay $0x3  }
0xa1: {  	[tilespmem:$0x10300] =	vst v1  }
0xa2: {  	v1 =	vld.idx.msk [tilespmem:v2+s4+$0x0], $0xffff  }
0xa3: {  	v0 =	vor.u32 v9, v0;
	v2 =	vld [tilespmem:$0x10010];
	_ =	sdelay $0x3  }
0xa4: {  	[tilespmem:$0x10380] =	vst v1  }
0xa5: {  	v1 =	vshll.u32 v2, $0xA;
	v0 =	vld.idx.msk [tilespmem:v0+s4+$0x0], $0xffff  }
0xa6: {  	v2 =	vor.u32 v10, v1;
	_ =	sdelay $0x3  }
0xa7: {  	[tilespmem:$0x10400] =	vst v0  }
0xa8: {  	v0 =	vld.idx.msk [tilespmem:v2+s4+$0x0], $0xffff  }
0xa9: {  	v2 =	vor.u32 v11, v1;
	_ =	sdelay $0x3  }
0xaa: {  	[tilespmem:$0x10090] =	vst v0  }
0xab: {  	v0 =	vld.idx.msk [tilespmem:v2+s4+$0x0], $0xffff  }
0xac: {  	v2 =	vor.u32 v12, v1;
	_ =	sdelay $0x3  }
0xad: {  	[tilespmem:$0x10110] =	vst v0  }
0xae: {  	v0 =	vld.idx.msk [tilespmem:v2+s4+$0x0], $0xffff  }
0xaf: {  	v2 =	vor.u32 v13, v1;
	_ =	sdelay $0x3  }
0xb0: {  	[tilespmem:$0x10190] =	vst v0  }
0xb1: {  	v0 =	vld.idx.msk [tilespmem:v2+s4+$0x0], $0xffff  }
0xb2: {  	v2 =	vor.u32 v14, v1;
	_ =	sdelay $0x3  }
0xb3: {  	[tilespmem:$0x10210] =	vst v0  }
0xb4: {  	v0 =	vld.idx.msk [tilespmem:v2+s4+$0x0], $0xffff  }
0xb5: {  	v2 =	vor.u32 v15, v1;
	_ =	sdelay $0x3  }
0xb6: {  	[tilespmem:$0x10290] =	vst v0  }
0xb7: {  	v0 =	vld.idx.msk [tilespmem:v2+s4+$0x0], $0xffff  }
0xb8: {  	v2 =	vor.u32 v16, v1;
	_ =	sdelay $0x3  }
0xb9: {  	[tilespmem:$0x10310] =	vst v0  }
0xba: {  	v0 =	vld.idx.msk [tilespmem:v2+s4+$0x0], $0xffff  }
0xbb: {  	v1 =	vor.u32 v17, v1;
	v2 =	vld [tilespmem:$0x10020];
	_ =	sdelay $0x3  }
0xbc: {  	[tilespmem:$0x10390] =	vst v0  }
0xbd: {  	v0 =	vld.idx.msk [tilespmem:v1+s4+$0x0], $0xffff;
	v1 =	vshll.u32 v2, $0xA  }
0xbe: {  	v2 =	vor.u32 v18, v1;
	_ =	sdelay $0x3  }
0xbf: {  	[tilespmem:$0x10410] =	vst v0  }
0xc0: {  	v0 =	vld.idx.msk [tilespmem:v2+s4+$0x0], $0xffff  }
0xc1: {  	v2 =	vor.u32 v19, v1;
	_ =	sdelay $0x3  }
0xc2: {  	[tilespmem:$0x100A0] =	vst v0  }
0xc3: {  	v0 =	vld.idx.msk [tilespmem:v2+s4+$0x0], $0xffff  }
0xc4: {  	v2 =	vor.u32 v20, v1;
	_ =	sdelay $0x3  }
0xc5: {  	[tilespmem:$0x10120] =	vst v0  }
0xc6: {  	v0 =	vld.idx.msk [tilespmem:v2+s4+$0x0], $0xffff  }
0xc7: {  	v2 =	vor.u32 v21, v1;
	_ =	sdelay $0x3  }
0xc8: {  	[tilespmem:$0x101A0] =	vst v0  }
0xc9: {  	v0 =	vld.idx.msk [tilespmem:v2+s4+$0x0], $0xffff  }
0xca: {  	v2 =	vor.u32 v22, v1;
	_ =	sdelay $0x3  }
0xcb: {  	[tilespmem:$0x10220] =	vst v0  }
0xcc: {  	v0 =	vld.idx.msk [tilespmem:v2+s4+$0x0], $0xffff  }
0xcd: {  	v2 =	vor.u32 v23, v1;
	_ =	sdelay $0x3  }
0xce: {  	[tilespmem:$0x102A0] =	vst v0  }
0xcf: {  	v0 =	vld.idx.msk [tilespmem:v2+s4+$0x0], $0xffff  }
0xd0: {  	v2 =	vor.u32 v24, v1;
	_ =	sdelay $0x3  }
0xd1: {  	[tilespmem:$0x10320] =	vst v0  }
0xd2: {  	v0 =	vld.idx.msk [tilespmem:v2+s4+$0x0], $0xffff  }
0xd3: {  	v1 =	vor.u32 v25, v1;
	v2 =	vld [tilespmem:$0x10030];
	_ =	sdelay $0x3  }
0xd4: {  	[tilespmem:$0x103A0] =	vst v0  }
0xd5: {  	v0 =	vld.idx.msk [tilespmem:v1+s4+$0x0], $0xffff;
	v1 =	vshll.u32 v2, $0xA  }
0xd6: {  	v2 =	vor.u32 v26, v1;
	_ =	sdelay $0x3  }
0xd7: {  	[tilespmem:$0x10420] =	vst v0  }
0xd8: {  	v0 =	vld.idx.msk [tilespmem:v2+s4+$0x0], $0xffff  }
0xd9: {  	v2 =	vor.u32 v27, v1;
	_ =	sdelay $0x3  }
0xda: {  	[tilespmem:$0x100B0] =	vst v0  }
0xdb: {  	v0 =	vld.idx.msk [tilespmem:v2+s4+$0x0], $0xffff  }
0xdc: {  	v2 =	vor.u32 v28, v1;
	_ =	sdelay $0x3  }
0xdd: {  	[tilespmem:$0x10130] =	vst v0  }
0xde: {  	v0 =	vld.idx.msk [tilespmem:v2+s4+$0x0], $0xffff  }
0xdf: {  	v2 =	vor.u32 v29, v1;
	_ =	sdelay $0x3  }
0xe0: {  	[tilespmem:$0x101B0] =	vst v0  }
0xe1: {  	v0 =	vld.idx.msk [tilespmem:v2+s4+$0x0], $0xffff  }
0xe2: {  	v2 =	vor.u32 v30, v1;
	_ =	sdelay $0x3  }
0xe3: {  	[tilespmem:$0x10230] =	vst v0  }
0xe4: {  	v0 =	vld.idx.msk [tilespmem:v2+s4+$0x0], $0xffff  }
0xe5: {  	v2 =	vor.u32 v31, v1;
	_ =	sdelay $0x3  }
0xe6: {  	[tilespmem:$0x102B0] =	vst v0  }
0xe7: {  	v0 =	vld.idx.msk [tilespmem:v2+s4+$0x0], $0xffff  }
0xe8: {  	v2 =	vor.u32 v32, v1;
	_ =	sdelay $0x3  }
0xe9: {  	[tilespmem:$0x10330] =	vst v0  }
0xea: {  	v0 =	vld.idx.msk [tilespmem:v2+s4+$0x0], $0xffff  }
0xeb: {  	v1 =	vor.u32 v33, v1;
	v2 =	vld [tilespmem:$0x10040];
	_ =	sdelay $0x3  }
0xec: {  	[tilespmem:$0x103B0] =	vst v0  }
0xed: {  	v0 =	vld.idx.msk [tilespmem:v1+s4+$0x0], $0xffff;
	v1 =	vshll.u32 v2, $0xA  }
0xee: {  	v2 =	vor.u32 v34, v1;
	_ =	sdelay $0x3  }
0xef: {  	[tilespmem:$0x10430] =	vst v0  }
0xf0: {  	v0 =	vld.idx.msk [tilespmem:v2+s4+$0x0], $0xffff  }
0xf1: {  	v2 =	vor.u32 v35, v1;
	_ =	sdelay $0x3  }
0xf2: {  	[tilespmem:$0x100C0] =	vst v0  }
0xf3: {  	v0 =	vld.idx.msk [tilespmem:v2+s4+$0x0], $0xffff  }
0xf4: {  	v2 =	vor.u32 v36, v1;
	_ =	sdelay $0x3  }
0xf5: {  	[tilespmem:$0x10140] =	vst v0  }
0xf6: {  	v0 =	vld.idx.msk [tilespmem:v2+s4+$0x0], $0xffff  }
0xf7: {  	v2 =	vor.u32 v37, v1;
	_ =	sdelay $0x3  }
0xf8: {  	[tilespmem:$0x101C0] =	vst v0  }
0xf9: {  	v0 =	vld.idx.msk [tilespmem:v2+s4+$0x0], $0xffff  }
0xfa: {  	v2 =	vor.u32 v38, v1;
	_ =	sdelay $0x3  }
0xfb: {  	[tilespmem:$0x10240] =	vst v0  }
0xfc: {  	v0 =	vld.idx.msk [tilespmem:v2+s4+$0x0], $0xffff  }
0xfd: {  	v2 =	vor.u32 v39, v1;
	_ =	sdelay $0x3  }
0xfe: {  	[tilespmem:$0x102C0] =	vst v0  }
0xff: {  	v0 =	vld.idx.msk [tilespmem:v2+s4+$0x0], $0xffff  }
0x100: {  	v2 =	vor.u32 v40, v1;
	_ =	sdelay $0x3  }
0x101: {  	[tilespmem:$0x10340] =	vst v0  }
0x102: {  	v0 =	vld.idx.msk [tilespmem:v2+s4+$0x0], $0xffff  }
0x103: {  	v1 =	vor.u32 v41, v1;
	v2 =	vld [tilespmem:$0x10050];
	_ =	sdelay $0x3  }
0x104: {  	[tilespmem:$0x103C0] =	vst v0  }
0x105: {  	v0 =	vld.idx.msk [tilespmem:v1+s4+$0x0], $0xffff;
	v1 =	vshll.u32 v2, $0xA  }
0x106: {  	v2 =	vor.u32 v42, v1;
	_ =	sdelay $0x3  }
0x107: {  	[tilespmem:$0x10440] =	vst v0  }
0x108: {  	v0 =	vld.idx.msk [tilespmem:v2+s4+$0x0], $0xffff  }
0x109: {  	v2 =	vor.u32 v43, v1;
	_ =	sdelay $0x3  }
0x10a: {  	[tilespmem:$0x100D0] =	vst v0  }
0x10b: {  	v0 =	vld.idx.msk [tilespmem:v2+s4+$0x0], $0xffff  }
0x10c: {  	v2 =	vor.u32 v44, v1;
	_ =	sdelay $0x3  }
0x10d: {  	[tilespmem:$0x10150] =	vst v0  }
0x10e: {  	v0 =	vld.idx.msk [tilespmem:v2+s4+$0x0], $0xffff  }
0x10f: {  	v2 =	vor.u32 v45, v1;
	_ =	sdelay $0x3  }
0x110: {  	[tilespmem:$0x101D0] =	vst v0  }
0x111: {  	v0 =	vld.idx.msk [tilespmem:v2+s4+$0x0], $0xffff  }
0x112: {  	v2 =	vor.u32 v46, v1;
	_ =	sdelay $0x3  }
0x113: {  	[tilespmem:$0x10250] =	vst v0  }
0x114: {  	v0 =	vld.idx.msk [tilespmem:v2+s4+$0x0], $0xffff  }
0x115: {  	v2 =	vor.u32 v47, v1;
	_ =	sdelay $0x3  }
0x116: {  	[tilespmem:$0x102D0] =	vst v0  }
0x117: {  	v0 =	vld.idx.msk [tilespmem:v2+s4+$0x0], $0xffff  }
0x118: {  	v2 =	vor.u32 v48, v1;
	_ =	sdelay $0x3  }
0x119: {  	[tilespmem:$0x10350] =	vst v0  }
0x11a: {  	v0 =	vld.idx.msk [tilespmem:v2+s4+$0x0], $0xffff  }
0x11b: {  	v1 =	vor.u32 v49, v1;
	v2 =	vld [tilespmem:$0x10060];
	_ =	sdelay $0x3  }
0x11c: {  	[tilespmem:$0x103D0] =	vst v0  }
0x11d: {  	v0 =	vld.idx.msk [tilespmem:v1+s4+$0x0], $0xffff;
	v1 =	vshll.u32 v2, $0xA  }
0x11e: {  	v2 =	vor.u32 v50, v1;
	_ =	sdelay $0x3  }
0x11f: {  	[tilespmem:$0x10450] =	vst v0  }
0x120: {  	v0 =	vld.idx.msk [tilespmem:v2+s4+$0x0], $0xffff  }
0x121: {  	v2 =	vor.u32 v51, v1;
	_ =	sdelay $0x3  }
0x122: {  	[tilespmem:$0x100E0] =	vst v0  }
0x123: {  	v0 =	vld.idx.msk [tilespmem:v2+s4+$0x0], $0xffff  }
0x124: {  	v2 =	vor.u32 v52, v1;
	_ =	sdelay $0x3  }
0x125: {  	[tilespmem:$0x10160] =	vst v0  }
0x126: {  	v0 =	vld.idx.msk [tilespmem:v2+s4+$0x0], $0xffff  }
0x127: {  	v2 =	vor.u32 v53, v1;
	_ =	sdelay $0x3  }
0x128: {  	[tilespmem:$0x101E0] =	vst v0  }
0x129: {  	v0 =	vld.idx.msk [tilespmem:v2+s4+$0x0], $0xffff  }
0x12a: {  	v2 =	vor.u32 v54, v1;
	_ =	sdelay $0x3  }
0x12b: {  	[tilespmem:$0x10260] =	vst v0  }
0x12c: {  	v0 =	vld.idx.msk [tilespmem:v2+s4+$0x0], $0xffff  }
0x12d: {  	v2 =	vor.u32 v55, v1;
	_ =	sdelay $0x3  }
0x12e: {  	[tilespmem:$0x102E0] =	vst v0  }
0x12f: {  	v0 =	vld.idx.msk [tilespmem:v2+s4+$0x0], $0xffff  }
0x130: {  	v2 =	vor.u32 v56, v1;
	_ =	sdelay $0x3  }
0x131: {  	[tilespmem:$0x10360] =	vst v0  }
0x132: {  	v0 =	vld.idx.msk [tilespmem:v2+s4+$0x0], $0xffff  }
0x133: {  	v1 =	vor.u32 v57, v1;
	v2 =	vld [tilespmem:$0x10070];
	_ =	sdelay $0x3  }
0x134: {  	[tilespmem:$0x103E0] =	vst v0  }
0x135: {  	v0 =	vld.idx.msk [tilespmem:v1+s4+$0x0], $0xffff;
	v1 =	vshll.u32 v2, $0xA  }
0x136: {  	v2 =	vor.u32 v58, v1;
	_ =	sdelay $0x3  }
0x137: {  	[tilespmem:$0x10460] =	vst v0  }
0x138: {  	v0 =	vld.idx.msk [tilespmem:v2+s4+$0x0], $0xffff  }
0x139: {  	v2 =	vor.u32 v59, v1;
	_ =	sdelay $0x3  }
0x13a: {  	[tilespmem:$0x100F0] =	vst v0  }
0x13b: {  	v0 =	vld.idx.msk [tilespmem:v2+s4+$0x0], $0xffff  }
0x13c: {  	v2 =	vor.u32 v60, v1;
	_ =	sdelay $0x3  }
0x13d: {  	[tilespmem:$0x10170] =	vst v0  }
0x13e: {  	v0 =	vld.idx.msk [tilespmem:v2+s4+$0x0], $0xffff  }
0x13f: {  	v2 =	vor.u32 v61, v1;
	_ =	sdelay $0x3  }
0x140: {  	[tilespmem:$0x101F0] =	vst v0  }
0x141: {  	v0 =	vld.idx.msk [tilespmem:v2+s4+$0x0], $0xffff  }
0x142: {  	v2 =	vor.u32 v62, v1;
	_ =	sdelay $0x3  }
0x143: {  	[tilespmem:$0x10270] =	vst v0  }
0x144: {  	v0 =	vld.idx.msk [tilespmem:v2+s4+$0x0], $0xffff  }
0x145: {  	v2 =	vor.u32 v63, v1;
	_ =	sdelay $0x3  }
0x146: {  	[tilespmem:$0x102F0] =	vst v0  }
0x147: {  	v0 =	vld.idx.msk [tilespmem:v2+s4+$0x0], $0xffff  }
0x148: {  	v2 =	vor.u32 v4, v1;
	_ =	sdelay $0x3  }
0x149: {  	[tilespmem:$0x10370] =	vst v0  }
0x14a: {  	v0 =	vld.idx.msk [tilespmem:v2+s4+$0x0], $0xffff  }
0x14b: {  	v1 =	vor.u32 v5, v1;
	_ =	sdelay $0x3  }
0x14c: {  	[tilespmem:$0x103F0] =	vst v0  }
0x14d: {  	v0 =	vld.idx.msk [tilespmem:v1+s4+$0x0], $0xffff  }
0x14e: {  	s17 =	sshll.u32 s17, $0xF  }
0x14f: {  	s17 =	sor.u32 s31, s17  }
0x150: {  	s16 =	sor.u32 s29, s17  }
0x151: {  	p0 =	sne.s32 s15, $0xC;
	s16 =	sshrl.u32 s16, $0x3  }
.Ltmp0:
0x152: {  	s16 =	sadd.s32 s5, s16;
	[tilespmem:$0x10470] =	vst v0;
	(pc) =	sbr.rel @p0 .LBB2_2-.Ltmp0, $4  }
0x153: {  	[hbm4b:s16+s4] =	stream.linear.scatter [tilespmem:s12], [sflag:$0x1], $0x400, $0x38;
	[tilespmem:$0x10480] =	vst v63  }
0x154: {  	_ =	swait.ge [sflag:s9], $0x400  }
0x155: {  	[sflag:s9] =	ssyncset.done $0x0  }
0x156: {  	s14 =	sadd.s32 $0x400, s14;
	s15 =	sadd.s32 $0x1, s15;
	[sflag:s9] =	ssyncadd.s32 $0xFFFFFC00  }
0x157: {  	s13 =	sadd.s32 $0x1, s13  }
0x158: {  	p0 =	sne.s32 s13, s6  }
.Ltmp1:
0x159: {  	_ = 	snop;
	(pc) =	sbr.rel @p0 .LBB2_1-.Ltmp1, $1  }
0x15a: {  	_ =	sdelay $0x3  }
0x15b: {  	_ =	sfence.sel $0x180000  }
0x15c: {  	[bflag:$0x0] =	sbarrier.arrive $0xFFFF  }
0x15d: {  	p0 =	sne.s32 s2, $0x0;
	_ =	strace $0x90000047  }
0x15e: {  	s0 =	sadd.s32 @!p0 $0x100000, s3;
	[bflag:$0x2] =	sbarrier.arrive $0xFFFF  }
0x15f: {  	[sflag:s0] =	ssyncadd.tile.s32 @!p0 $0x1;
	_ =	shalt  }
.Lfunc_end2:
_tile_overlayer_lowered:
.L_overlay_start_2:
0x160: {  	(tag) =	ssettag $0x2  }
0x161: {  	s0 =	rddreg [dreg:$0x0];
	s2 =	stileid.u32  }
0x162: {  	s1 =	rddreg [dreg:$0x1];
	p0 =	sne.s32 s2, $0x0  }
0x163: {  	s3 =	rddreg [dreg:$0x2];
	[bflag:$0x3] =	sbarrier.arrive $0xFFFF;
	s2 =	simm.s32 @!p0 $0x1C01  }
0x164: {  	[timem:s3], [sflag:s2] =	dma.local @!p0 [hbm:s0], s1  }
0x165: {  	s0 =	simm.s32 @!p0 $0x1  }
0x166: {  	_ =	swait.ge @!p0 [sflag:s0], s1  }
0x167: {  	s1 =	ssub.s32 @!p0 $0x0, s1;
	[sflag:s0] =	ssyncset.done @!p0 $0x0  }
0x168: {  	[sflag:s0] =	ssyncadd.s32 @!p0 s1  }
0x169: {  	[bflag:$0x3] =	sbarrier.arrive $0xFFFF  }
0x16a: {  	_ =	shalt  }

</sc_bundles>
